<compile_context>
chip_gen: v7x
topology: tpu7x:2x2x1
jax: 0.10.2.dev20260603
libtpu: 0.0.44.dev20260713+nightly
codegen_flags: <defaults>
</compile_context>

<pallas_src>
import functools

import jax
import jax.numpy as jnp
from jax import lax
from jax.experimental import pallas as pl
from jax.experimental.pallas import tpu as pltpu
from jax.experimental.pallas import tpu_sc as plsc

N = 10000
E = 320000
F = 128
NCLASS = 47

NC = 2
NS = 16
NW = NC * NS

K = 80
EPW = E // NW
CPW = EPW // K
RCH = 80
NRC = N // RCH

NBUF = 3
GRP = (CPW - 1) // NBUF


def _fill_vmem_2d(ref, nrow, ncol, value):
    def row(i, _):
        def col(j, _):
            ref[i, pl.ds(j * 16, 16)] = jnp.full((16,), value, jnp.float32)
            return 0
        return lax.fori_loop(0, ncol // 16, col, 0)
    lax.fori_loop(0, nrow, row, 0)


def _fill_vmem_1d(ref, n, value):
    def col(j, _):
        ref[pl.ds(j * 16, 16)] = jnp.full((16,), value, jnp.float32)
        return 0
    lax.fori_loop(0, n // 16, col, 0)


def _make_sc_agg(with_cnt):
    out_type = [jax.ShapeDtypeStruct((NC, N, F), jnp.float32)]
    scratch = [
        pltpu.VMEM((EPW,), jnp.int32),
        pltpu.VMEM((NBUF, K), jnp.int32),
        pltpu.VMEM((NBUF, K, F), jnp.float32),
        pltpu.VMEM_SHARED((N, F), jnp.float32),
    ] + [pltpu.SemaphoreType.DMA] * (2 * NBUF)
    if with_cnt:
        out_type.append(jax.ShapeDtypeStruct((NC * N,), jnp.float32))
        scratch.append(pltpu.VMEM((K,), jnp.float32))
        scratch.append(pltpu.VMEM_SHARED((N,), jnp.float32))

    mesh = plsc.VectorSubcoreMesh(core_axis_name="c", subcore_axis_name="s")

    @functools.partial(pl.kernel, mesh=mesh, out_type=tuple(out_type),
                       scratch_types=scratch)
    def agg(h_hbm, src_hbm, dst_hbm, *refs):
        if with_cnt:
            (out_hbm, cnt_hbm, sidx, didx, rows, accum,
             *sems, ones_v, cacc) = refs
        else:
            out_hbm, sidx, didx, rows, accum, *sems = refs
        gsem, dsem = sems[:NBUF], sems[NBUF:]

        core = lax.axis_index("c")
        sub = lax.axis_index("s")
        wid = core * NS + sub

        zbuf = rows.at[0]
        _fill_vmem_2d(zbuf, K, F, 0.0)
        if with_cnt:
            _fill_vmem_1d(ones_v, K, 0.0)

        def zchunk(t, _):
            c = sub + t * NS
            @pl.when(c < NRC)
            def _():
                pltpu.sync_copy(zbuf, accum.at[pl.ds(c * RCH, RCH)])
                if with_cnt:
                    pltpu.sync_copy(ones_v, cacc.at[pl.ds(c * RCH, RCH)])
            return 0
        lax.fori_loop(0, (NRC + NS - 1) // NS, zchunk, 0)

        if with_cnt:
            _fill_vmem_1d(ones_v, K, 1.0)

        ebase = wid * EPW
        pltpu.sync_copy(src_hbm.at[pl.ds(ebase, EPW)], sidx)
        for b in range(NBUF):
            pltpu.async_copy(
                h_hbm.at[sidx.at[pl.ds(b * K, K)]], rows.at[b], gsem[b])
            pltpu.async_copy(
                dst_hbm.at[pl.ds(ebase + b * K, K)], didx.at[b], dsem[b])

        plsc.subcore_barrier()

        def chunk(b, i):
            pltpu.make_async_copy(
                h_hbm.at[sidx.at[pl.ds(0, K)]], rows.at[b], gsem[b]).wait()
            pltpu.make_async_copy(
                dst_hbm.at[pl.ds(0, K)], didx.at[b], dsem[b]).wait()
            pltpu.sync_copy(rows.at[b], accum.at[didx.at[b]], add=True)
            if with_cnt:
                pltpu.sync_copy(ones_v, cacc.at[didx.at[b]], add=True)

        def group(g, _):
            for b in range(NBUF):
                i = g * NBUF + b
                chunk(b, i)
                @pl.when(i + NBUF < CPW)
                def _():
                    pltpu.async_copy(
                        h_hbm.at[sidx.at[pl.ds((i + NBUF) * K, K)]],
                        rows.at[b], gsem[b])
                    pltpu.async_copy(
                        dst_hbm.at[pl.ds(ebase + (i + NBUF) * K, K)],
                        didx.at[b], dsem[b])
            return 0
        lax.fori_loop(0, GRP, group, 0)
        for i in range(GRP * NBUF, CPW):
            chunk(i % NBUF, i)

        plsc.subcore_barrier()

        def wchunk(t, _):
            c = sub + t * NS
            @pl.when(c < NRC)
            def _():
                pltpu.sync_copy(accum.at[pl.ds(c * RCH, RCH)], zbuf)
                pltpu.sync_copy(zbuf, out_hbm.at[core, pl.ds(c * RCH, RCH)])
                if with_cnt:
                    pltpu.sync_copy(cacc.at[pl.ds(c * RCH, RCH)], ones_v)
                    pltpu.sync_copy(
                        ones_v, cnt_hbm.at[pl.ds(core * N + c * RCH, RCH)])
            return 0
        lax.fori_loop(0, (NRC + NS - 1) // NS, wchunk, 0)

    return agg


_sc_agg_cnt = _make_sc_agg(with_cnt=True)
_sc_agg = _make_sc_agg(with_cnt=False)



BR = 1000


def _pre_body(x_ref, wpre_ref, bpre_ref, wr1_ref, h_ref, r_ref):
    h = jnp.dot(x_ref[...], wpre_ref[...].T,
                preferred_element_type=jnp.float32) + bpre_ref[...]
    h_ref[...] = h
    r_ref[...] = jnp.dot(h, wr1_ref[...].T, preferred_element_type=jnp.float32)


_pre_call = pl.pallas_call(
    _pre_body,
    grid=(N // BR,),
    in_specs=[
        pl.BlockSpec((BR, F), lambda i: (i, 0)),
        pl.BlockSpec((F, F), lambda i: (0, 0)),
        pl.BlockSpec((1, F), lambda i: (0, 0)),
        pl.BlockSpec((F, F), lambda i: (0, 0)),
    ],
    out_specs=[pl.BlockSpec((BR, F), lambda i: (i, 0))] * 2,
    out_shape=[jax.ShapeDtypeStruct((N, F), jnp.float32)] * 2,
)


def _combine1_body(p_ref, c_ref, r_ref, wl_ref, bl_ref, wr2_ref, z_ref, r2_ref):
    s = p_ref[0] + p_ref[1]
    cnt = c_ref[0] + c_ref[1]
    agg = s / jnp.maximum(cnt, 1.0)
    z = (jnp.dot(agg, wl_ref[...].T, preferred_element_type=jnp.float32)
         + bl_ref[...] + r_ref[...])
    z = jnp.maximum(z, 0.0)
    z_ref[...] = z
    r2_ref[...] = jnp.dot(z, wr2_ref[...].T, preferred_element_type=jnp.float32)


_combine1_call = pl.pallas_call(
    _combine1_body,
    grid=(N // BR,),
    in_specs=[
        pl.BlockSpec((NC, BR, F), lambda i: (0, i, 0)),
        pl.BlockSpec((NC, BR, 1), lambda i: (0, i, 0)),
        pl.BlockSpec((BR, F), lambda i: (i, 0)),
        pl.BlockSpec((F, F), lambda i: (0, 0)),
        pl.BlockSpec((1, F), lambda i: (0, 0)),
        pl.BlockSpec((F, F), lambda i: (0, 0)),
    ],
    out_specs=[pl.BlockSpec((BR, F), lambda i: (i, 0))] * 2,
    out_shape=[jax.ShapeDtypeStruct((N, F), jnp.float32)] * 2,
)


def _combine2_body(q_ref, c_ref, r_ref, wl_ref, bl_ref, wp_ref, bp_ref, o_ref):
    s = q_ref[0] + q_ref[1]
    cnt = c_ref[0] + c_ref[1]
    agg = s / jnp.maximum(cnt, 1.0)
    z = (jnp.dot(agg, wl_ref[...].T, preferred_element_type=jnp.float32)
         + bl_ref[...] + r_ref[...])
    z = jnp.maximum(z, 0.0)
    logits = jnp.dot(z, wp_ref[...].T,
                     preferred_element_type=jnp.float32) + bp_ref[...]
    m = jnp.max(logits, axis=-1, keepdims=True)
    sh = logits - m
    o_ref[...] = sh - jnp.log(jnp.sum(jnp.exp(sh), axis=-1, keepdims=True))


_combine2_call = pl.pallas_call(
    _combine2_body,
    grid=(N // BR,),
    in_specs=[
        pl.BlockSpec((NC, BR, F), lambda i: (0, i, 0)),
        pl.BlockSpec((NC, BR, 1), lambda i: (0, i, 0)),
        pl.BlockSpec((BR, F), lambda i: (i, 0)),
        pl.BlockSpec((F, F), lambda i: (0, 0)),
        pl.BlockSpec((1, F), lambda i: (0, 0)),
        pl.BlockSpec((NCLASS, F), lambda i: (0, 0)),
        pl.BlockSpec((1, NCLASS), lambda i: (0, 0)),
    ],
    out_specs=pl.BlockSpec((BR, NCLASS), lambda i: (i, 0)),
    out_shape=jax.ShapeDtypeStruct((N, NCLASS), jnp.float32),
)


def kernel(x, edge_index, W_pre, b_pre, Wl1, bl1, Wr1, Wl2, bl2, Wr2,
           W_post, b_post):
    src = edge_index[0]
    dst = edge_index[1]
    h1, r1 = _pre_call(x, W_pre, b_pre.reshape(1, F), Wr1)
    p, c = _sc_agg_cnt(h1, src, dst)
    c = c.reshape(NC, N, 1)
    z1, r2 = _combine1_call(p, c, r1, Wl1, bl1.reshape(1, F), Wr2)
    q, = _sc_agg(z1, src, dst)
    out = _combine2_call(q, c, r2, Wl2, bl2.reshape(1, F),
                         W_post, b_post.reshape(1, NCLASS))
    return out

# --- scband reference (transcript-rebuilt; emitter-appended) ---
"""Pipeline reference for scband-sagenode-clf-31722628448446 (READ-ONLY COPY).

The authoritative reference and input builder live on the scoring server;
editing this copy changes nothing except your own understanding.
"""

import jax, jax.numpy as jnp
import numpy as np

N = 10000
E = 320000
NFEAT = 128
NHID = 128
NCLASS = 47


def sage_conv(x, src, dst, Wl, bl, Wr, n_nodes):
    # PyG SAGEConv (aggr='mean', root_weight=True):
    # out = lin_l(mean_{j in N(i)} x_j) + lin_r(x_i)
    msg = x[src]
    summed = jax.ops.segment_sum(msg, dst, num_segments=n_nodes)
    cnt = jax.ops.segment_sum(jnp.ones((dst.shape[0],), dtype=x.dtype), dst, num_segments=n_nodes)
    mean = summed / jnp.clip(cnt, 1.0, None)[:, None]
    return mean @ Wl.T + bl + x @ Wr.T


def log_softmax(x, axis=-1):
    m = jnp.max(x, axis=axis, keepdims=True)
    s = x - m
    return s - jnp.log(jnp.sum(jnp.exp(s), axis=axis, keepdims=True))


def setup_inputs(seed: int = 0) -> dict:
    key = jax.random.key(seed)
    ks = jax.random.split(key, 14)
    x = jax.random.normal(ks[0], (N, NFEAT), dtype=jnp.float32)
    edge_index = jax.random.randint(ks[1], (2, E), 0, N, dtype=jnp.int32)
    s_pre = 1.0 / np.sqrt(NFEAT)
    s_hid = 1.0 / np.sqrt(NHID)
    W_pre = jax.random.uniform(ks[2], (NHID, NFEAT), jnp.float32, -s_pre, s_pre)
    b_pre = jax.random.uniform(ks[3], (NHID,), jnp.float32, -s_pre, s_pre)
    Wl1 = jax.random.uniform(ks[4], (NHID, NHID), jnp.float32, -s_hid, s_hid)
    bl1 = jax.random.uniform(ks[5], (NHID,), jnp.float32, -s_hid, s_hid)
    Wr1 = jax.random.uniform(ks[6], (NHID, NHID), jnp.float32, -s_hid, s_hid)
    Wl2 = jax.random.uniform(ks[7], (NHID, NHID), jnp.float32, -s_hid, s_hid)
    bl2 = jax.random.uniform(ks[8], (NHID,), jnp.float32, -s_hid, s_hid)
    Wr2 = jax.random.uniform(ks[9], (NHID, NHID), jnp.float32, -s_hid, s_hid)
    W_post = jax.random.uniform(ks[10], (NCLASS, NHID), jnp.float32, -s_hid, s_hid)
    b_post = jax.random.uniform(ks[11], (NCLASS,), jnp.float32, -s_hid, s_hid)
    return {"x": x, "edge_index": edge_index, "W_pre": W_pre, "b_pre": b_pre,
            "Wl1": Wl1, "bl1": bl1, "Wr1": Wr1, "Wl2": Wl2, "bl2": bl2, "Wr2": Wr2,
            "W_post": W_post, "b_post": b_post}


def reference(x, edge_index, W_pre, b_pre, Wl1, bl1, Wr1, Wl2, bl2, Wr2, W_post, b_post):
    src = edge_index[0]
    dst = edge_index[1]
    h = x @ W_pre.T + b_pre
    h = sage_conv(h, src, dst, Wl1, bl1, Wr1, N)
    h = jax.nn.relu(h)
    # dropout: eval mode -> identity
    h = sage_conv(h, src, dst, Wl2, bl2, Wr2, N)
    h = jax.nn.relu(h)
    logits = h @ W_post.T + b_post
    return log_softmax(logits, axis=1)

if __name__ == "__main__":
    import jax
    _d = setup_inputs()
    print(jax.jit(kernel)(*tuple(_d.values())))

</pallas_src>

<mosaic_0001>
#map = affine_map<(d0, d1) -> (0, 0)>
#map1 = affine_map<(d0, d1) -> (0)>
#map2 = affine_map<(d0, d1) -> (0, 0, 0)>
module attributes {stable_mosaic.version = 14 : i64} {
  func.func @agg(%arg0: i32, %arg1: i32, %arg2: memref<10000x128xf32, #tpu.memory_space<hbm>>, %arg3: memref<320000xi32, #tpu.memory_space<hbm>>, %arg4: memref<320000xi32, #tpu.memory_space<hbm>>, %arg5: memref<2x10000x128xf32, #tpu.memory_space<hbm>>, %arg6: memref<20000xf32, #tpu.memory_space<hbm>>, %arg7: memref<10000xi32, #tpu.memory_space<vmem>>, %arg8: memref<3x80xi32, #tpu.memory_space<vmem>>, %arg9: memref<3x80x128xf32, #tpu.memory_space<vmem>>, %arg10: memref<10000x128xf32, #tpu.memory_space<vmem_shared>>, %arg11: memref<!tpu.dma_semaphore, #tpu.memory_space<semaphore_mem>>, %arg12: memref<!tpu.dma_semaphore, #tpu.memory_space<semaphore_mem>>, %arg13: memref<!tpu.dma_semaphore, #tpu.memory_space<semaphore_mem>>, %arg14: memref<!tpu.dma_semaphore, #tpu.memory_space<semaphore_mem>>, %arg15: memref<!tpu.dma_semaphore, #tpu.memory_space<semaphore_mem>>, %arg16: memref<!tpu.dma_semaphore, #tpu.memory_space<semaphore_mem>>, %arg17: memref<80xf32, #tpu.memory_space<vmem>>, %arg18: memref<10000xf32, #tpu.memory_space<vmem_shared>>) attributes {dimension_semantics = [#tpu.dimension_semantics<core_parallel>, #tpu.dimension_semantics<subcore_parallel>], iteration_bounds = array<i64: 2, 16>, scalar_prefetch = 0 : i64, scratch_operands = 12 : i64, tpu.core_type = #tpu.core_type<sc_vector_subcore>, window_params = [{transform_indices = #map}, {transform_indices = #map1}, {transform_indices = #map1}, {transform_indices = #map2}, {transform_indices = #map1}]} {
    %mul3A = arith.constant 16 : i32
    %mul3A_0 = arith.muli %arg0, %mul3A : i32
    %add3A = arith.addi %mul3A_0, %arg1 : i32
    %scan3A = arith.constant 0 : i32
    %scan3A_1 = arith.constant 0 : i32
    %scan3A_2 = arith.constant 0 : i32
    %scan3A_3 = arith.constant 80 : i32
    %scan3A_4 = arith.addi %scan3A_2, %scan3A_3 : i32
    %scan3A_5 = arith.constant 1 : i32
    %scan3A_6 = scf.for %scan3A_156 = %scan3A_2 to %scan3A_4 step %scan3A_5 iter_args(%scan3A_157 = %scan3A_1) -> (i32)  : i32 {
      %scan3A_158 = arith.constant 0 : i32
      %scan3A_159 = arith.constant 0 : i32
      %scan3A_160 = arith.constant 8 : i32
      %scan3A_161 = arith.addi %scan3A_159, %scan3A_160 : i32
      %scan3A_162 = arith.constant 1 : i32
      %scan3A_163 = scf.for %scan3A_165 = %scan3A_159 to %scan3A_161 step %scan3A_162 iter_args(%scan3A_166 = %scan3A_158) -> (i32)  : i32 {
        %broadcast_in_dim3A = arith.constant 0.000000e+00 : f32
        %broadcast_in_dim3A_167 = vector.broadcast %broadcast_in_dim3A : f32 to vector<16xf32>
        %mul3A_168 = arith.constant 16 : i32
        %mul3A_169 = arith.muli %scan3A_165, %mul3A_168 : i32
        %swap3A = arith.constant 0 : i32
        %swap3A_170 = arith.constant 0 : i32
        %swap3A_171 = tpu.memref_slice %arg9[%scan3A, %swap3A, %swap3A_170] : memref<3x80x128xf32, #tpu.memory_space<vmem>> -> memref<1x80x128xf32, #tpu.memory_space<vmem>>
        %swap3A_172 = tpu.memref_squeeze %swap3A_171 : memref<1x80x128xf32, #tpu.memory_space<vmem>> -> memref<80x128xf32, #tpu.memory_space<vmem>>
        %swap3A_173 = arith.index_cast %scan3A_156 : i32 to index
        %swap3A_174 = arith.index_cast %mul3A_169 : i32 to index
        %swap3A_175 = tpu.vector_load %swap3A_172[%swap3A_173, %swap3A_174] {strides = array<i32>} : memref<80x128xf32, #tpu.memory_space<vmem>>, vector<1x16xf32>,
        %swap3A_176 = vector.shape_cast %swap3A_175 : vector<1x16xf32> to vector<16xf32>
        %swap3A_177 = vector.shape_cast %broadcast_in_dim3A_167 : vector<16xf32> to vector<1x16xf32>
        tpu.vector_store %swap3A_172[%swap3A_173, %swap3A_174], %swap3A_177 {strides = array<i32>} : memref<80x128xf32, #tpu.memory_space<vmem>>, vector<1x16xf32>,
        %scan3A_178 = arith.constant 0 : i32
        scf.yield %scan3A_178 : i32
      }
      %scan3A_164 = arith.constant 8 : i32
      scf.yield %scan3A_163 : i32
    }
    %scan3A_7 = arith.constant 80 : i32
    %scan3A_8 = arith.constant 0 : i32
    %scan3A_9 = arith.constant 0 : i32
    %scan3A_10 = arith.constant 5 : i32
    %scan3A_11 = arith.addi %scan3A_9, %scan3A_10 : i32
    %scan3A_12 = arith.constant 1 : i32
    %scan3A_13 = scf.for %scan3A_156 = %scan3A_9 to %scan3A_11 step %scan3A_12 iter_args(%scan3A_157 = %scan3A_8) -> (i32)  : i32 {
      %broadcast_in_dim3A = arith.constant 0.000000e+00 : f32
      %broadcast_in_dim3A_158 = vector.broadcast %broadcast_in_dim3A : f32 to vector<16xf32>
      %mul3A_159 = arith.constant 16 : i32
      %mul3A_160 = arith.muli %scan3A_156, %mul3A_159 : i32
      %swap3A = arith.index_cast %mul3A_160 : i32 to index
      %swap3A_161 = tpu.vector_load %arg17[%swap3A] {strides = array<i32>} : memref<80xf32, #tpu.memory_space<vmem>>, vector<16xf32>,
      %swap3A_162 = vector.shape_cast %swap3A_161 : vector<16xf32> to vector<16xf32>
      %swap3A_163 = vector.shape_cast %broadcast_in_dim3A_158 : vector<16xf32> to vector<16xf32>
      tpu.vector_store %arg17[%swap3A], %swap3A_163 {strides = array<i32>} : memref<80xf32, #tpu.memory_space<vmem>>, vector<16xf32>,
      %scan3A_164 = arith.constant 0 : i32
      scf.yield %scan3A_164 : i32
    }
    %scan3A_14 = arith.constant 5 : i32
    %scan3A_15 = arith.constant 0 : i32
    %scan3A_16 = arith.constant 0 : i32
    %scan3A_17 = arith.constant 0 : i32
    %scan3A_18 = arith.constant 8 : i32
    %scan3A_19 = arith.addi %scan3A_17, %scan3A_18 : i32
    %scan3A_20 = arith.constant 1 : i32
    %scan3A_21 = scf.for %scan3A_156 = %scan3A_17 to %scan3A_19 step %scan3A_20 iter_args(%scan3A_157 = %scan3A_16) -> (i32)  : i32 {
      %mul3A_158 = arith.constant 16 : i32
      %mul3A_159 = arith.muli %scan3A_156, %mul3A_158 : i32
      %add3A_160 = arith.addi %arg1, %mul3A_159 : i32
      %lt3A = arith.constant 125 : i32
      %lt3A_161 = arith.cmpi slt, %add3A_160, %lt3A : i32
      %convert_element_type3A = arith.extui %lt3A_161 : i1 to i32
      %cond3A = arith.constant 0 : i32
      %cond3A_162 = arith.cmpi ne, %convert_element_type3A, %cond3A : i32
      scf.if %cond3A_162 {
        %mul3A_164 = arith.constant 80 : i32
        %mul3A_165 = arith.muli %add3A_160, %mul3A_164 : i32
        "tpu.region"() ({
          %run_scoped3A_168 = tpu.sem_alloc : memref<!tpu.dma_semaphore, #tpu.memory_space<semaphore_mem>>
          %dma_start3A_169 = arith.constant 0 : i32
          %dma_start3A_170 = arith.constant 0 : i32
          %dma_start3A_171 = tpu.memref_slice %arg9[%scan3A_15, %dma_start3A_169, %dma_start3A_170] : memref<3x80x128xf32, #tpu.memory_space<vmem>> -> memref<1x80x128xf32, #tpu.memory_space<vmem>>
          %dma_start3A_172 = tpu.memref_squeeze %dma_start3A_171 : memref<1x80x128xf32, #tpu.memory_space<vmem>> -> memref<80x128xf32, #tpu.memory_space<vmem>>
          %dma_start3A_173 = arith.constant 0 : i32
          %dma_start3A_174 = tpu.memref_slice %arg10[%mul3A_165, %dma_start3A_173] : memref<10000x128xf32, #tpu.memory_space<vmem_shared>> -> memref<80x128xf32, #tpu.memory_space<vmem_shared>>
          %dma_start3A_175 = arith.constant 0 : i32
          %dma_start3A_176 = tpu.memref_slice %arg10[%mul3A_165, %dma_start3A_175] : memref<10000x128xf32, #tpu.memory_space<vmem_shared>> -> memref<80x128xf32, #tpu.memory_space<vmem_shared>>
          %dma_start3A_177 = arith.constant 0 : i32
          %dma_start3A_178 = arith.constant 0 : i32
          %dma_start3A_179 = tpu.memref_slice %arg9[%scan3A_15, %dma_start3A_177, %dma_start3A_178] : memref<3x80x128xf32, #tpu.memory_space<vmem>> -> memref<1x80x128xf32, #tpu.memory_space<vmem>>
          %dma_start3A_180 = tpu.memref_squeeze %dma_start3A_179 : memref<1x80x128xf32, #tpu.memory_space<vmem>> -> memref<80x128xf32, #tpu.memory_space<vmem>>
          tpu.enqueue_dma source(%dma_start3A_180 : memref<80x128xf32, #tpu.memory_space<vmem>>) target(%dma_start3A_176 : memref<80x128xf32, #tpu.memory_space<vmem_shared>>) target_semaphore(%run_scoped3A_168 : memref<!tpu.dma_semaphore, #tpu.memory_space<semaphore_mem>>)
          %dma_wait3A_181 = arith.constant 0 : i32
          %dma_wait3A_182 = arith.constant 0 : i32
          %dma_wait3A_183 = tpu.memref_slice %arg9[%scan3A_15, %dma_wait3A_181, %dma_wait3A_182] : memref<3x80x128xf32, #tpu.memory_space<vmem>> -> memref<1x80x128xf32, #tpu.memory_space<vmem>>
          %dma_wait3A_184 = tpu.memref_squeeze %dma_wait3A_183 : memref<1x80x128xf32, #tpu.memory_space<vmem>> -> memref<80x128xf32, #tpu.memory_space<vmem>>
          %dma_wait3A_185 = arith.constant 0 : i32
          %dma_wait3A_186 = tpu.memref_slice %arg10[%mul3A_165, %dma_wait3A_185] : memref<10000x128xf32, #tpu.memory_space<vmem_shared>> -> memref<80x128xf32, #tpu.memory_space<vmem_shared>>
          %dma_wait3A_187 = arith.constant 0 : i32
          %dma_wait3A_188 = tpu.memref_slice %arg10[%mul3A_165, %dma_wait3A_187] : memref<10000x128xf32, #tpu.memory_space<vmem_shared>> -> memref<80x128xf32, #tpu.memory_space<vmem_shared>>
          %dma_wait3A_189 = arith.constant 0 : i32
          %dma_wait3A_190 = arith.constant 0 : i32
          %dma_wait3A_191 = tpu.memref_slice %arg9[%scan3A_15, %dma_wait3A_189, %dma_wait3A_190] : memref<3x80x128xf32, #tpu.memory_space<vmem>> -> memref<1x80x128xf32, #tpu.memory_space<vmem>>
          %dma_wait3A_192 = tpu.memref_squeeze %dma_wait3A_191 : memref<1x80x128xf32, #tpu.memory_space<vmem>> -> memref<80x128xf32, #tpu.memory_space<vmem>>
          tpu.wait_dma2 semaphore(%run_scoped3A_168 : memref<!tpu.dma_semaphore, #tpu.memory_space<semaphore_mem>>) src(%dma_wait3A_192 : memref<80x128xf32, #tpu.memory_space<vmem>>) dst(%dma_wait3A_188 : memref<80x128xf32, #tpu.memory_space<vmem_shared>>)
          tpu.yield
        }) : () -> ()
        %mul3A_166 = arith.constant 80 : i32
        %mul3A_167 = arith.muli %add3A_160, %mul3A_166 : i32
        "tpu.region"() ({
          %run_scoped3A_168 = tpu.sem_alloc : memref<!tpu.dma_semaphore, #tpu.memory_space<semaphore_mem>>
          %dma_start3A_169 = tpu.memref_slice %arg18[%mul3A_167] : memref<10000xf32, #tpu.memory_space<vmem_shared>> -> memref<80xf32, #tpu.memory_space<vmem_shared>>
          %dma_start3A_170 = tpu.memref_slice %arg18[%mul3A_167] : memref<10000xf32, #tpu.memory_space<vmem_shared>> -> memref<80xf32, #tpu.memory_space<vmem_shared>>
          tpu.enqueue_dma source(%arg17 : memref<80xf32, #tpu.memory_space<vmem>>) target(%dma_start3A_170 : memref<80xf32, #tpu.memory_space<vmem_shared>>) target_semaphore(%run_scoped3A_168 : memref<!tpu.dma_semaphore, #tpu.memory_space<semaphore_mem>>)
          %dma_wait3A_171 = tpu.memref_slice %arg18[%mul3A_167] : memref<10000xf32, #tpu.memory_space<vmem_shared>> -> memref<80xf32, #tpu.memory_space<vmem_shared>>
          %dma_wait3A_172 = tpu.memref_slice %arg18[%mul3A_167] : memref<10000xf32, #tpu.memory_space<vmem_shared>> -> memref<80xf32, #tpu.memory_space<vmem_shared>>
          tpu.wait_dma2 semaphore(%run_scoped3A_168 : memref<!tpu.dma_semaphore, #tpu.memory_space<semaphore_mem>>) src(%arg17 : memref<80xf32, #tpu.memory_space<vmem>>) dst(%dma_wait3A_172 : memref<80xf32, #tpu.memory_space<vmem_shared>>)
          tpu.yield
        }) : () -> ()
      } else {
      }
      %scan3A_163 = arith.constant 0 : i32
      scf.yield %scan3A_163 : i32
    }
    %scan3A_22 = arith.constant 8 : i32
    %scan3A_23 = arith.constant 0 : i32
    %scan3A_24 = arith.constant 0 : i32
    %scan3A_25 = arith.constant 5 : i32
    %scan3A_26 = arith.addi %scan3A_24, %scan3A_25 : i32
    %scan3A_27 = arith.constant 1 : i32
    %scan3A_28 = scf.for %scan3A_156 = %scan3A_24 to %scan3A_26 step %scan3A_27 iter_args(%scan3A_157 = %scan3A_23) -> (i32)  : i32 {
      %broadcast_in_dim3A = arith.constant 1.000000e+00 : f32
      %broadcast_in_dim3A_158 = vector.broadcast %broadcast_in_dim3A : f32 to vector<16xf32>
      %mul3A_159 = arith.constant 16 : i32
      %mul3A_160 = arith.muli %scan3A_156, %mul3A_159 : i32
      %swap3A = arith.index_cast %mul3A_160 : i32 to index
      %swap3A_161 = tpu.vector_load %arg17[%swap3A] {strides = array<i32>} : memref<80xf32, #tpu.memory_space<vmem>>, vector<16xf32>,
      %swap3A_162 = vector.shape_cast %swap3A_161 : vector<16xf32> to vector<16xf32>
      %swap3A_163 = vector.shape_cast %broadcast_in_dim3A_158 : vector<16xf32> to vector<16xf32>
      tpu.vector_store %arg17[%swap3A], %swap3A_163 {strides = array<i32>} : memref<80xf32, #tpu.memory_space<vmem>>, vector<16xf32>,
      %scan3A_164 = arith.constant 0 : i32
      scf.yield %scan3A_164 : i32
    }
    %scan3A_29 = arith.constant 5 : i32
    %mul3A_30 = arith.constant 10000 : i32
    %mul3A_31 = arith.muli %add3A, %mul3A_30 : i32
    "tpu.region"() ({
      %run_scoped3A_156 = tpu.sem_alloc : memref<!tpu.dma_semaphore, #tpu.memory_space<semaphore_mem>>
      %dma_start3A_157 = tpu.memref_slice %arg3[%mul3A_31] : memref<320000xi32, #tpu.memory_space<hbm>> -> memref<10000xi32, #tpu.memory_space<hbm>>
      %dma_start3A_158 = tpu.memref_slice %arg3[%mul3A_31] : memref<320000xi32, #tpu.memory_space<hbm>> -> memref<10000xi32, #tpu.memory_space<hbm>>
      tpu.enqueue_dma source(%dma_start3A_158 : memref<10000xi32, #tpu.memory_space<hbm>>) target(%arg7 : memref<10000xi32, #tpu.memory_space<vmem>>) target_semaphore(%run_scoped3A_156 : memref<!tpu.dma_semaphore, #tpu.memory_space<semaphore_mem>>)
      %dma_wait3A_159 = tpu.memref_slice %arg3[%mul3A_31] : memref<320000xi32, #tpu.memory_space<hbm>> -> memref<10000xi32, #tpu.memory_space<hbm>>
      %dma_wait3A_160 = tpu.memref_slice %arg3[%mul3A_31] : memref<320000xi32, #tpu.memory_space<hbm>> -> memref<10000xi32, #tpu.memory_space<hbm>>
      tpu.wait_dma2 semaphore(%run_scoped3A_156 : memref<!tpu.dma_semaphore, #tpu.memory_space<semaphore_mem>>) src(%dma_wait3A_160 : memref<10000xi32, #tpu.memory_space<hbm>>) dst(%arg7 : memref<10000xi32, #tpu.memory_space<vmem>>)
      tpu.yield
    }) : () -> ()
    %dma_start3A = arith.constant 0 : i32
    %dma_start3A_32 = arith.constant 0 : i32
    %dma_start3A_33 = arith.constant 0 : i32
    %dma_start3A_34 = tpu.memref_slice %arg9[%dma_start3A, %dma_start3A_32, %dma_start3A_33] : memref<3x80x128xf32, #tpu.memory_space<vmem>> -> memref<1x80x128xf32, #tpu.memory_space<vmem>>
    %dma_start3A_35 = tpu.memref_squeeze %dma_start3A_34 : memref<1x80x128xf32, #tpu.memory_space<vmem>> -> memref<80x128xf32, #tpu.memory_space<vmem>>
    %dma_start3A_36 = arith.constant 0 : i32
    %dma_start3A_37 = tpu.memref_slice %arg7[%dma_start3A_36] : memref<10000xi32, #tpu.memory_space<vmem>> -> memref<80xi32, #tpu.memory_space<vmem>>
    %dma_start3A_38 = arith.constant 0 : i32
    %dma_start3A_39 = arith.constant 0 : i32
    %dma_start3A_40 = tpu.memref_slice %arg2[%dma_start3A_38, %dma_start3A_39] : memref<10000x128xf32, #tpu.memory_space<hbm>> -> memref<10000x128xf32, #tpu.memory_space<hbm>>
    tpu.enqueue_indirect_dma source(%dma_start3A_40 : memref<10000x128xf32, #tpu.memory_space<hbm>>) target(%dma_start3A_35 : memref<80x128xf32, #tpu.memory_space<vmem>>) offsets(%dma_start3A_37 : memref<80xi32, #tpu.memory_space<vmem>>) semaphore(%arg11 : memref<!tpu.dma_semaphore, #tpu.memory_space<semaphore_mem>>)
    %add3A_41 = arith.constant 0 : i32
    %add3A_42 = arith.addi %mul3A_31, %add3A_41 : i32
    %dma_start3A_43 = arith.constant 0 : i32
    %dma_start3A_44 = arith.constant 0 : i32
    %dma_start3A_45 = tpu.memref_slice %arg8[%dma_start3A_43, %dma_start3A_44] : memref<3x80xi32, #tpu.memory_space<vmem>> -> memref<1x80xi32, #tpu.memory_space<vmem>>
    %dma_start3A_46 = tpu.memref_squeeze %dma_start3A_45 : memref<1x80xi32, #tpu.memory_space<vmem>> -> memref<80xi32, #tpu.memory_space<vmem>>
    %dma_start3A_47 = tpu.memref_slice %arg4[%add3A_42] : memref<320000xi32, #tpu.memory_space<hbm>> -> memref<80xi32, #tpu.memory_space<hbm>>
    %dma_start3A_48 = arith.constant 0 : i32
    %dma_start3A_49 = tpu.memref_slice %arg8[%dma_start3A_43, %dma_start3A_48] : memref<3x80xi32, #tpu.memory_space<vmem>> -> memref<1x80xi32, #tpu.memory_space<vmem>>
    %dma_start3A_50 = tpu.memref_squeeze %dma_start3A_49 : memref<1x80xi32, #tpu.memory_space<vmem>> -> memref<80xi32, #tpu.memory_space<vmem>>
    %dma_start3A_51 = tpu.memref_slice %arg4[%add3A_42] : memref<320000xi32, #tpu.memory_space<hbm>> -> memref<80xi32, #tpu.memory_space<hbm>>
    tpu.enqueue_dma source(%dma_start3A_51 : memref<80xi32, #tpu.memory_space<hbm>>) target(%dma_start3A_50 : memref<80xi32, #tpu.memory_space<vmem>>) target_semaphore(%arg14 : memref<!tpu.dma_semaphore, #tpu.memory_space<semaphore_mem>>)
    %dma_start3A_52 = arith.constant 1 : i32
    %dma_start3A_53 = arith.constant 0 : i32
    %dma_start3A_54 = arith.constant 0 : i32
    %dma_start3A_55 = tpu.memref_slice %arg9[%dma_start3A_52, %dma_start3A_53, %dma_start3A_54] : memref<3x80x128xf32, #tpu.memory_space<vmem>> -> memref<1x80x128xf32, #tpu.memory_space<vmem>>
    %dma_start3A_56 = tpu.memref_squeeze %dma_start3A_55 : memref<1x80x128xf32, #tpu.memory_space<vmem>> -> memref<80x128xf32, #tpu.memory_space<vmem>>
    %dma_start3A_57 = arith.constant 80 : i32
    %dma_start3A_58 = tpu.memref_slice %arg7[%dma_start3A_57] : memref<10000xi32, #tpu.memory_space<vmem>> -> memref<80xi32, #tpu.memory_space<vmem>>
    %dma_start3A_59 = arith.constant 0 : i32
    %dma_start3A_60 = arith.constant 0 : i32
    %dma_start3A_61 = tpu.memref_slice %arg2[%dma_start3A_59, %dma_start3A_60] : memref<10000x128xf32, #tpu.memory_space<hbm>> -> memref<10000x128xf32, #tpu.memory_space<hbm>>
    tpu.enqueue_indirect_dma source(%dma_start3A_61 : memref<10000x128xf32, #tpu.memory_space<hbm>>) target(%dma_start3A_56 : memref<80x128xf32, #tpu.memory_space<vmem>>) offsets(%dma_start3A_58 : memref<80xi32, #tpu.memory_space<vmem>>) semaphore(%arg12 : memref<!tpu.dma_semaphore, #tpu.memory_space<semaphore_mem>>)
    %add3A_62 = arith.constant 80 : i32
    %add3A_63 = arith.addi %mul3A_31, %add3A_62 : i32
    %dma_start3A_64 = arith.constant 1 : i32
    %dma_start3A_65 = arith.constant 0 : i32
    %dma_start3A_66 = tpu.memref_slice %arg8[%dma_start3A_64, %dma_start3A_65] : memref<3x80xi32, #tpu.memory_space<vmem>> -> memref<1x80xi32, #tpu.memory_space<vmem>>
    %dma_start3A_67 = tpu.memref_squeeze %dma_start3A_66 : memref<1x80xi32, #tpu.memory_space<vmem>> -> memref<80xi32, #tpu.memory_space<vmem>>
    %dma_start3A_68 = tpu.memref_slice %arg4[%add3A_63] : memref<320000xi32, #tpu.memory_space<hbm>> -> memref<80xi32, #tpu.memory_space<hbm>>
    %dma_start3A_69 = arith.constant 0 : i32
    %dma_start3A_70 = tpu.memref_slice %arg8[%dma_start3A_64, %dma_start3A_69] : memref<3x80xi32, #tpu.memory_space<vmem>> -> memref<1x80xi32, #tpu.memory_space<vmem>>
    %dma_start3A_71 = tpu.memref_squeeze %dma_start3A_70 : memref<1x80xi32, #tpu.memory_space<vmem>> -> memref<80xi32, #tpu.memory_space<vmem>>
    %dma_start3A_72 = tpu.memref_slice %arg4[%add3A_63] : memref<320000xi32, #tpu.memory_space<hbm>> -> memref<80xi32, #tpu.memory_space<hbm>>
    tpu.enqueue_dma source(%dma_start3A_72 : memref<80xi32, #tpu.memory_space<hbm>>) target(%dma_start3A_71 : memref<80xi32, #tpu.memory_space<vmem>>) target_semaphore(%arg15 : memref<!tpu.dma_semaphore, #tpu.memory_space<semaphore_mem>>)
    %dma_start3A_73 = arith.constant 2 : i32
    %dma_start3A_74 = arith.constant 0 : i32
    %dma_start3A_75 = arith.constant 0 : i32
    %dma_start3A_76 = tpu.memref_slice %arg9[%dma_start3A_73, %dma_start3A_74, %dma_start3A_75] : memref<3x80x128xf32, #tpu.memory_space<vmem>> -> memref<1x80x128xf32, #tpu.memory_space<vmem>>
    %dma_start3A_77 = tpu.memref_squeeze %dma_start3A_76 : memref<1x80x128xf32, #tpu.memory_space<vmem>> -> memref<80x128xf32, #tpu.memory_space<vmem>>
    %dma_start3A_78 = arith.constant 160 : i32
    %dma_start3A_79 = tpu.memref_slice %arg7[%dma_start3A_78] : memref<10000xi32, #tpu.memory_space<vmem>> -> memref<80xi32, #tpu.memory_space<vmem>>
    %dma_start3A_80 = arith.constant 0 : i32
    %dma_start3A_81 = arith.constant 0 : i32
    %dma_start3A_82 = tpu.memref_slice %arg2[%dma_start3A_80, %dma_start3A_81] : memref<10000x128xf32, #tpu.memory_space<hbm>> -> memref<10000x128xf32, #tpu.memory_space<hbm>>
    tpu.enqueue_indirect_dma source(%dma_start3A_82 : memref<10000x128xf32, #tpu.memory_space<hbm>>) target(%dma_start3A_77 : memref<80x128xf32, #tpu.memory_space<vmem>>) offsets(%dma_start3A_79 : memref<80xi32, #tpu.memory_space<vmem>>) semaphore(%arg13 : memref<!tpu.dma_semaphore, #tpu.memory_space<semaphore_mem>>)
    %add3A_83 = arith.constant 160 : i32
    %add3A_84 = arith.addi %mul3A_31, %add3A_83 : i32
    %dma_start3A_85 = arith.constant 2 : i32
    %dma_start3A_86 = arith.constant 0 : i32
    %dma_start3A_87 = tpu.memref_slice %arg8[%dma_start3A_85, %dma_start3A_86] : memref<3x80xi32, #tpu.memory_space<vmem>> -> memref<1x80xi32, #tpu.memory_space<vmem>>
    %dma_start3A_88 = tpu.memref_squeeze %dma_start3A_87 : memref<1x80xi32, #tpu.memory_space<vmem>> -> memref<80xi32, #tpu.memory_space<vmem>>
    %dma_start3A_89 = tpu.memref_slice %arg4[%add3A_84] : memref<320000xi32, #tpu.memory_space<hbm>> -> memref<80xi32, #tpu.memory_space<hbm>>
    %dma_start3A_90 = arith.constant 0 : i32
    %dma_start3A_91 = tpu.memref_slice %arg8[%dma_start3A_85, %dma_start3A_90] : memref<3x80xi32, #tpu.memory_space<vmem>> -> memref<1x80xi32, #tpu.memory_space<vmem>>
    %dma_start3A_92 = tpu.memref_squeeze %dma_start3A_91 : memref<1x80xi32, #tpu.memory_space<vmem>> -> memref<80xi32, #tpu.memory_space<vmem>>
    %dma_start3A_93 = tpu.memref_slice %arg4[%add3A_84] : memref<320000xi32, #tpu.memory_space<hbm>> -> memref<80xi32, #tpu.memory_space<hbm>>
    tpu.enqueue_dma source(%dma_start3A_93 : memref<80xi32, #tpu.memory_space<hbm>>) target(%dma_start3A_92 : memref<80xi32, #tpu.memory_space<vmem>>) target_semaphore(%arg16 : memref<!tpu.dma_semaphore, #tpu.memory_space<semaphore_mem>>)
    %barrier3A = arith.constant 0 : index
    tpu.barrier barrier_id(%barrier3A)
    %scan3A_94 = arith.constant 0 : i32
    %scan3A_95 = arith.constant 0 : i32
    %scan3A_96 = arith.constant 41 : i32
    %scan3A_97 = arith.addi %scan3A_95, %scan3A_96 : i32
    %scan3A_98 = arith.constant 1 : i32
    %scan3A_99 = scf.for %scan3A_156 = %scan3A_95 to %scan3A_97 step %scan3A_98 iter_args(%scan3A_157 = %scan3A_94) -> (i32)  : i32 {
      %mul3A_158 = arith.constant 3 : i32
      %mul3A_159 = arith.muli %scan3A_156, %mul3A_158 : i32
      %add3A_160 = arith.constant 0 : i32
      %add3A_161 = arith.addi %mul3A_159, %add3A_160 : i32
      %dma_wait3A_162 = arith.constant 0 : i32
      %dma_wait3A_163 = arith.constant 0 : i32
      %dma_wait3A_164 = arith.constant 0 : i32
      %dma_wait3A_165 = tpu.memref_slice %arg9[%dma_wait3A_162, %dma_wait3A_163, %dma_wait3A_164] : memref<3x80x128xf32, #tpu.memory_space<vmem>> -> memref<1x80x128xf32, #tpu.memory_space<vmem>>
      %dma_wait3A_166 = tpu.memref_squeeze %dma_wait3A_165 : memref<1x80x128xf32, #tpu.memory_space<vmem>> -> memref<80x128xf32, #tpu.memory_space<vmem>>
      %dma_wait3A_167 = arith.constant 0 : i32
      %dma_wait3A_168 = tpu.memref_slice %arg7[%dma_wait3A_167] : memref<10000xi32, #tpu.memory_space<vmem>> -> memref<80xi32, #tpu.memory_space<vmem>>
      %dma_wait3A_169 = arith.constant 0 : i32
      %dma_wait3A_170 = arith.constant 0 : i32
      %dma_wait3A_171 = tpu.memref_slice %arg2[%dma_wait3A_169, %dma_wait3A_170] : memref<10000x128xf32, #tpu.memory_space<hbm>> -> memref<10000x128xf32, #tpu.memory_space<hbm>>
      tpu.wait_indirect_dma semaphore(%arg11 : memref<!tpu.dma_semaphore, #tpu.memory_space<semaphore_mem>>) src(%dma_wait3A_171 : memref<10000x128xf32, #tpu.memory_space<hbm>>) dst(%dma_wait3A_166 : memref<80x128xf32, #tpu.memory_space<vmem>>)
      %dma_wait3A_172 = arith.constant 0 : i32
      %dma_wait3A_173 = arith.constant 0 : i32
      %dma_wait3A_174 = tpu.memref_slice %arg8[%dma_wait3A_172, %dma_wait3A_173] : memref<3x80xi32, #tpu.memory_space<vmem>> -> memref<1x80xi32, #tpu.memory_space<vmem>>
      %dma_wait3A_175 = tpu.memref_squeeze %dma_wait3A_174 : memref<1x80xi32, #tpu.memory_space<vmem>> -> memref<80xi32, #tpu.memory_space<vmem>>
      %dma_wait3A_176 = arith.constant 0 : i32
      %dma_wait3A_177 = tpu.memref_slice %arg4[%dma_wait3A_176] : memref<320000xi32, #tpu.memory_space<hbm>> -> memref<80xi32, #tpu.memory_space<hbm>>
      %dma_wait3A_178 = arith.constant 0 : i32
      %dma_wait3A_179 = tpu.memref_slice %arg8[%dma_wait3A_172, %dma_wait3A_178] : memref<3x80xi32, #tpu.memory_space<vmem>> -> memref<1x80xi32, #tpu.memory_space<vmem>>
      %dma_wait3A_180 = tpu.memref_squeeze %dma_wait3A_179 : memref<1x80xi32, #tpu.memory_space<vmem>> -> memref<80xi32, #tpu.memory_space<vmem>>
      %dma_wait3A_181 = arith.constant 0 : i32
      %dma_wait3A_182 = tpu.memref_slice %arg4[%dma_wait3A_181] : memref<320000xi32, #tpu.memory_space<hbm>> -> memref<80xi32, #tpu.memory_space<hbm>>
      tpu.wait_dma2 semaphore(%arg14 : memref<!tpu.dma_semaphore, #tpu.memory_space<semaphore_mem>>) src(%dma_wait3A_182 : memref<80xi32, #tpu.memory_space<hbm>>) dst(%dma_wait3A_180 : memref<80xi32, #tpu.memory_space<vmem>>)
      %run_scoped3A_183 = arith.constant 0 : i32
      %run_scoped3A_184 = arith.constant 0 : i32
      "tpu.region"() ({
        %run_scoped3A_261 = tpu.sem_alloc : memref<!tpu.dma_semaphore, #tpu.memory_space<semaphore_mem>>
        %dma_start3A_262 = arith.constant 0 : i32
        %dma_start3A_263 = arith.constant 0 : i32
        %dma_start3A_264 = tpu.memref_slice %arg9[%run_scoped3A_183, %dma_start3A_262, %dma_start3A_263] : memref<3x80x128xf32, #tpu.memory_space<vmem>> -> memref<1x80x128xf32, #tpu.memory_space<vmem>>
        %dma_start3A_265 = tpu.memref_squeeze %dma_start3A_264 : memref<1x80x128xf32, #tpu.memory_space<vmem>> -> memref<80x128xf32, #tpu.memory_space<vmem>>
        %dma_start3A_266 = arith.constant 0 : i32
        %dma_start3A_267 = tpu.memref_slice %arg8[%run_scoped3A_184, %dma_start3A_266] : memref<3x80xi32, #tpu.memory_space<vmem>> -> memref<1x80xi32, #tpu.memory_space<vmem>>
        %dma_start3A_268 = tpu.memref_squeeze %dma_start3A_267 : memref<1x80xi32, #tpu.memory_space<vmem>> -> memref<80xi32, #tpu.memory_space<vmem>>
        %dma_start3A_269 = arith.constant 0 : i32
        %dma_start3A_270 = arith.constant 0 : i32
        %dma_start3A_271 = tpu.memref_slice %arg10[%dma_start3A_269, %dma_start3A_270] : memref<10000x128xf32, #tpu.memory_space<vmem_shared>> -> memref<10000x128xf32, #tpu.memory_space<vmem_shared>>
        tpu.enqueue_indirect_dma source(%dma_start3A_265 : memref<80x128xf32, #tpu.memory_space<vmem>>) target(%dma_start3A_271 : memref<10000x128xf32, #tpu.memory_space<vmem_shared>>) offsets(%dma_start3A_268 : memref<80xi32, #tpu.memory_space<vmem>>) semaphore(%run_scoped3A_261 : memref<!tpu.dma_semaphore, #tpu.memory_space<semaphore_mem>>) {add = true}
        %dma_wait3A_272 = arith.constant 0 : i32
        %dma_wait3A_273 = arith.constant 0 : i32
        %dma_wait3A_274 = tpu.memref_slice %arg9[%run_scoped3A_183, %dma_wait3A_272, %dma_wait3A_273] : memref<3x80x128xf32, #tpu.memory_space<vmem>> -> memref<1x80x128xf32, #tpu.memory_space<vmem>>
        %dma_wait3A_275 = tpu.memref_squeeze %dma_wait3A_274 : memref<1x80x128xf32, #tpu.memory_space<vmem>> -> memref<80x128xf32, #tpu.memory_space<vmem>>
        %dma_wait3A_276 = arith.constant 0 : i32
        %dma_wait3A_277 = tpu.memref_slice %arg8[%run_scoped3A_184, %dma_wait3A_276] : memref<3x80xi32, #tpu.memory_space<vmem>> -> memref<1x80xi32, #tpu.memory_space<vmem>>
        %dma_wait3A_278 = tpu.memref_squeeze %dma_wait3A_277 : memref<1x80xi32, #tpu.memory_space<vmem>> -> memref<80xi32, #tpu.memory_space<vmem>>
        %dma_wait3A_279 = arith.constant 0 : i32
        %dma_wait3A_280 = arith.constant 0 : i32
        %dma_wait3A_281 = tpu.memref_slice %arg10[%dma_wait3A_279, %dma_wait3A_280] : memref<10000x128xf32, #tpu.memory_space<vmem_shared>> -> memref<10000x128xf32, #tpu.memory_space<vmem_shared>>
        tpu.wait_indirect_dma semaphore(%run_scoped3A_261 : memref<!tpu.dma_semaphore, #tpu.memory_space<semaphore_mem>>) src(%dma_wait3A_275 : memref<80x128xf32, #tpu.memory_space<vmem>>) dst(%dma_wait3A_281 : memref<10000x128xf32, #tpu.memory_space<vmem_shared>>)
        tpu.yield
      }) : () -> ()
      %run_scoped3A_185 = arith.constant 0 : i32
      "tpu.region"() ({
        %run_scoped3A_261 = tpu.sem_alloc : memref<!tpu.dma_semaphore, #tpu.memory_space<semaphore_mem>>
        %dma_start3A_262 = arith.constant 0 : i32
        %dma_start3A_263 = tpu.memref_slice %arg8[%run_scoped3A_185, %dma_start3A_262] : memref<3x80xi32, #tpu.memory_space<vmem>> -> memref<1x80xi32, #tpu.memory_space<vmem>>
        %dma_start3A_264 = tpu.memref_squeeze %dma_start3A_263 : memref<1x80xi32, #tpu.memory_space<vmem>> -> memref<80xi32, #tpu.memory_space<vmem>>
        %dma_start3A_265 = arith.constant 0 : i32
        %dma_start3A_266 = tpu.memref_slice %arg18[%dma_start3A_265] : memref<10000xf32, #tpu.memory_space<vmem_shared>> -> memref<10000xf32, #tpu.memory_space<vmem_shared>>
        tpu.enqueue_indirect_dma source(%arg17 : memref<80xf32, #tpu.memory_space<vmem>>) target(%dma_start3A_266 : memref<10000xf32, #tpu.memory_space<vmem_shared>>) offsets(%dma_start3A_264 : memref<80xi32, #tpu.memory_space<vmem>>) semaphore(%run_scoped3A_261 : memref<!tpu.dma_semaphore, #tpu.memory_space<semaphore_mem>>) {add = true}
        %dma_wait3A_267 = arith.constant 0 : i32
        %dma_wait3A_268 = tpu.memref_slice %arg8[%run_scoped3A_185, %dma_wait3A_267] : memref<3x80xi32, #tpu.memory_space<vmem>> -> memref<1x80xi32, #tpu.memory_space<vmem>>
        %dma_wait3A_269 = tpu.memref_squeeze %dma_wait3A_268 : memref<1x80xi32, #tpu.memory_space<vmem>> -> memref<80xi32, #tpu.memory_space<vmem>>
        %dma_wait3A_270 = arith.constant 0 : i32
        %dma_wait3A_271 = tpu.memref_slice %arg18[%dma_wait3A_270] : memref<10000xf32, #tpu.memory_space<vmem_shared>> -> memref<10000xf32, #tpu.memory_space<vmem_shared>>
        tpu.wait_indirect_dma semaphore(%run_scoped3A_261 : memref<!tpu.dma_semaphore, #tpu.memory_space<semaphore_mem>>) src(%arg17 : memref<80xf32, #tpu.memory_space<vmem>>) dst(%dma_wait3A_271 : memref<10000xf32, #tpu.memory_space<vmem_shared>>)
        tpu.yield
      }) : () -> ()
      %add3A_186 = arith.constant 3 : i32
      %add3A_187 = arith.addi %add3A_161, %add3A_186 : i32
      %lt3A = arith.constant 125 : i32
      %lt3A_188 = arith.cmpi slt, %add3A_187, %lt3A : i32
      %convert_element_type3A = arith.extui %lt3A_188 : i1 to i32
      %cond3A = arith.constant 0 : i32
      %cond3A_189 = arith.cmpi ne, %convert_element_type3A, %cond3A : i32
      scf.if %cond3A_189 {
        %add3A_261 = arith.constant 3 : i32
        %add3A_262 = arith.addi %add3A_161, %add3A_261 : i32
        %mul3A_263 = arith.constant 80 : i32
        %mul3A_264 = arith.muli %add3A_262, %mul3A_263 : i32
        %dma_start3A_265 = arith.constant 0 : i32
        %dma_start3A_266 = arith.constant 0 : i32
        %dma_start3A_267 = arith.constant 0 : i32
        %dma_start3A_268 = tpu.memref_slice %arg9[%dma_start3A_265, %dma_start3A_266, %dma_start3A_267] : memref<3x80x128xf32, #tpu.memory_space<vmem>> -> memref<1x80x128xf32, #tpu.memory_space<vmem>>
        %dma_start3A_269 = tpu.memref_squeeze %dma_start3A_268 : memref<1x80x128xf32, #tpu.memory_space<vmem>> -> memref<80x128xf32, #tpu.memory_space<vmem>>
        %dma_start3A_270 = tpu.memref_slice %arg7[%mul3A_264] : memref<10000xi32, #tpu.memory_space<vmem>> -> memref<80xi32, #tpu.memory_space<vmem>>
        %dma_start3A_271 = arith.constant 0 : i32
        %dma_start3A_272 = arith.constant 0 : i32
        %dma_start3A_273 = tpu.memref_slice %arg2[%dma_start3A_271, %dma_start3A_272] : memref<10000x128xf32, #tpu.memory_space<hbm>> -> memref<10000x128xf32, #tpu.memory_space<hbm>>
        tpu.enqueue_indirect_dma source(%dma_start3A_273 : memref<10000x128xf32, #tpu.memory_space<hbm>>) target(%dma_start3A_269 : memref<80x128xf32, #tpu.memory_space<vmem>>) offsets(%dma_start3A_270 : memref<80xi32, #tpu.memory_space<vmem>>) semaphore(%arg11 : memref<!tpu.dma_semaphore, #tpu.memory_space<semaphore_mem>>)
        %add3A_274 = arith.constant 3 : i32
        %add3A_275 = arith.addi %add3A_161, %add3A_274 : i32
        %mul3A_276 = arith.constant 80 : i32
        %mul3A_277 = arith.muli %add3A_275, %mul3A_276 : i32
        %add3A_278 = arith.addi %mul3A_31, %mul3A_277 : i32
        %dma_start3A_279 = arith.constant 0 : i32
        %dma_start3A_280 = arith.constant 0 : i32
        %dma_start3A_281 = tpu.memref_slice %arg8[%dma_start3A_279, %dma_start3A_280] : memref<3x80xi32, #tpu.memory_space<vmem>> -> memref<1x80xi32, #tpu.memory_space<vmem>>
        %dma_start3A_282 = tpu.memref_squeeze %dma_start3A_281 : memref<1x80xi32, #tpu.memory_space<vmem>> -> memref<80xi32, #tpu.memory_space<vmem>>
        %dma_start3A_283 = tpu.memref_slice %arg4[%add3A_278] : memref<320000xi32, #tpu.memory_space<hbm>> -> memref<80xi32, #tpu.memory_space<hbm>>
        %dma_start3A_284 = arith.constant 0 : i32
        %dma_start3A_285 = tpu.memref_slice %arg8[%dma_start3A_279, %dma_start3A_284] : memref<3x80xi32, #tpu.memory_space<vmem>> -> memref<1x80xi32, #tpu.memory_space<vmem>>
        %dma_start3A_286 = tpu.memref_squeeze %dma_start3A_285 : memref<1x80xi32, #tpu.memory_space<vmem>> -> memref<80xi32, #tpu.memory_space<vmem>>
        %dma_start3A_287 = tpu.memref_slice %arg4[%add3A_278] : memref<320000xi32, #tpu.memory_space<hbm>> -> memref<80xi32, #tpu.memory_space<hbm>>
        tpu.enqueue_dma source(%dma_start3A_287 : memref<80xi32, #tpu.memory_space<hbm>>) target(%dma_start3A_286 : memref<80xi32, #tpu.memory_space<vmem>>) target_semaphore(%arg14 : memref<!tpu.dma_semaphore, #tpu.memory_space<semaphore_mem>>)
      } else {
      }
      %mul3A_190 = arith.constant 3 : i32
      %mul3A_191 = arith.muli %scan3A_156, %mul3A_190 : i32
      %add3A_192 = arith.constant 1 : i32
      %add3A_193 = arith.addi %mul3A_191, %add3A_192 : i32
      %dma_wait3A_194 = arith.constant 1 : i32
      %dma_wait3A_195 = arith.constant 0 : i32
      %dma_wait3A_196 = arith.constant 0 : i32
      %dma_wait3A_197 = tpu.memref_slice %arg9[%dma_wait3A_194, %dma_wait3A_195, %dma_wait3A_196] : memref<3x80x128xf32, #tpu.memory_space<vmem>> -> memref<1x80x128xf32, #tpu.memory_space<vmem>>
      %dma_wait3A_198 = tpu.memref_squeeze %dma_wait3A_197 : memref<1x80x128xf32, #tpu.memory_space<vmem>> -> memref<80x128xf32, #tpu.memory_space<vmem>>
      %dma_wait3A_199 = arith.constant 0 : i32
      %dma_wait3A_200 = tpu.memref_slice %arg7[%dma_wait3A_199] : memref<10000xi32, #tpu.memory_space<vmem>> -> memref<80xi32, #tpu.memory_space<vmem>>
      %dma_wait3A_201 = arith.constant 0 : i32
      %dma_wait3A_202 = arith.constant 0 : i32
      %dma_wait3A_203 = tpu.memref_slice %arg2[%dma_wait3A_201, %dma_wait3A_202] : memref<10000x128xf32, #tpu.memory_space<hbm>> -> memref<10000x128xf32, #tpu.memory_space<hbm>>
      tpu.wait_indirect_dma semaphore(%arg12 : memref<!tpu.dma_semaphore, #tpu.memory_space<semaphore_mem>>) src(%dma_wait3A_203 : memref<10000x128xf32, #tpu.memory_space<hbm>>) dst(%dma_wait3A_198 : memref<80x128xf32, #tpu.memory_space<vmem>>)
      %dma_wait3A_204 = arith.constant 1 : i32
      %dma_wait3A_205 = arith.constant 0 : i32
      %dma_wait3A_206 = tpu.memref_slice %arg8[%dma_wait3A_204, %dma_wait3A_205] : memref<3x80xi32, #tpu.memory_space<vmem>> -> memref<1x80xi32, #tpu.memory_space<vmem>>
      %dma_wait3A_207 = tpu.memref_squeeze %dma_wait3A_206 : memref<1x80xi32, #tpu.memory_space<vmem>> -> memref<80xi32, #tpu.memory_space<vmem>>
      %dma_wait3A_208 = arith.constant 0 : i32
      %dma_wait3A_209 = tpu.memref_slice %arg4[%dma_wait3A_208] : memref<320000xi32, #tpu.memory_space<hbm>> -> memref<80xi32, #tpu.memory_space<hbm>>
      %dma_wait3A_210 = arith.constant 0 : i32
      %dma_wait3A_211 = tpu.memref_slice %arg8[%dma_wait3A_204, %dma_wait3A_210] : memref<3x80xi32, #tpu.memory_space<vmem>> -> memref<1x80xi32, #tpu.memory_space<vmem>>
      %dma_wait3A_212 = tpu.memref_squeeze %dma_wait3A_211 : memref<1x80xi32, #tpu.memory_space<vmem>> -> memref<80xi32, #tpu.memory_space<vmem>>
      %dma_wait3A_213 = arith.constant 0 : i32
      %dma_wait3A_214 = tpu.memref_slice %arg4[%dma_wait3A_213] : memref<320000xi32, #tpu.memory_space<hbm>> -> memref<80xi32, #tpu.memory_space<hbm>>
      tpu.wait_dma2 semaphore(%arg15 : memref<!tpu.dma_semaphore, #tpu.memory_space<semaphore_mem>>) src(%dma_wait3A_214 : memref<80xi32, #tpu.memory_space<hbm>>) dst(%dma_wait3A_212 : memref<80xi32, #tpu.memory_space<vmem>>)
      %run_scoped3A_215 = arith.constant 1 : i32
      %run_scoped3A_216 = arith.constant 1 : i32
      "tpu.region"() ({
        %run_scoped3A_261 = tpu.sem_alloc : memref<!tpu.dma_semaphore, #tpu.memory_space<semaphore_mem>>
        %dma_start3A_262 = arith.constant 0 : i32
        %dma_start3A_263 = arith.constant 0 : i32
        %dma_start3A_264 = tpu.memref_slice %arg9[%run_scoped3A_215, %dma_start3A_262, %dma_start3A_263] : memref<3x80x128xf32, #tpu.memory_space<vmem>> -> memref<1x80x128xf32, #tpu.memory_space<vmem>>
        %dma_start3A_265 = tpu.memref_squeeze %dma_start3A_264 : memref<1x80x128xf32, #tpu.memory_space<vmem>> -> memref<80x128xf32, #tpu.memory_space<vmem>>
        %dma_start3A_266 = arith.constant 0 : i32
        %dma_start3A_267 = tpu.memref_slice %arg8[%run_scoped3A_216, %dma_start3A_266] : memref<3x80xi32, #tpu.memory_space<vmem>> -> memref<1x80xi32, #tpu.memory_space<vmem>>
        %dma_start3A_268 = tpu.memref_squeeze %dma_start3A_267 : memref<1x80xi32, #tpu.memory_space<vmem>> -> memref<80xi32, #tpu.memory_space<vmem>>
        %dma_start3A_269 = arith.constant 0 : i32
        %dma_start3A_270 = arith.constant 0 : i32
        %dma_start3A_271 = tpu.memref_slice %arg10[%dma_start3A_269, %dma_start3A_270] : memref<10000x128xf32, #tpu.memory_space<vmem_shared>> -> memref<10000x128xf32, #tpu.memory_space<vmem_shared>>
        tpu.enqueue_indirect_dma source(%dma_start3A_265 : memref<80x128xf32, #tpu.memory_space<vmem>>) target(%dma_start3A_271 : memref<10000x128xf32, #tpu.memory_space<vmem_shared>>) offsets(%dma_start3A_268 : memref<80xi32, #tpu.memory_space<vmem>>) semaphore(%run_scoped3A_261 : memref<!tpu.dma_semaphore, #tpu.memory_space<semaphore_mem>>) {add = true}
        %dma_wait3A_272 = arith.constant 0 : i32
        %dma_wait3A_273 = arith.constant 0 : i32
        %dma_wait3A_274 = tpu.memref_slice %arg9[%run_scoped3A_215, %dma_wait3A_272, %dma_wait3A_273] : memref<3x80x128xf32, #tpu.memory_space<vmem>> -> memref<1x80x128xf32, #tpu.memory_space<vmem>>
        %dma_wait3A_275 = tpu.memref_squeeze %dma_wait3A_274 : memref<1x80x128xf32, #tpu.memory_space<vmem>> -> memref<80x128xf32, #tpu.memory_space<vmem>>
        %dma_wait3A_276 = arith.constant 0 : i32
        %dma_wait3A_277 = tpu.memref_slice %arg8[%run_scoped3A_216, %dma_wait3A_276] : memref<3x80xi32, #tpu.memory_space<vmem>> -> memref<1x80xi32, #tpu.memory_space<vmem>>
        %dma_wait3A_278 = tpu.memref_squeeze %dma_wait3A_277 : memref<1x80xi32, #tpu.memory_space<vmem>> -> memref<80xi32, #tpu.memory_space<vmem>>
        %dma_wait3A_279 = arith.constant 0 : i32
        %dma_wait3A_280 = arith.constant 0 : i32
        %dma_wait3A_281 = tpu.memref_slice %arg10[%dma_wait3A_279, %dma_wait3A_280] : memref<10000x128xf32, #tpu.memory_space<vmem_shared>> -> memref<10000x128xf32, #tpu.memory_space<vmem_shared>>
        tpu.wait_indirect_dma semaphore(%run_scoped3A_261 : memref<!tpu.dma_semaphore, #tpu.memory_space<semaphore_mem>>) src(%dma_wait3A_275 : memref<80x128xf32, #tpu.memory_space<vmem>>) dst(%dma_wait3A_281 : memref<10000x128xf32, #tpu.memory_space<vmem_shared>>)
        tpu.yield
      }) : () -> ()
      %run_scoped3A_217 = arith.constant 1 : i32
      "tpu.region"() ({
        %run_scoped3A_261 = tpu.sem_alloc : memref<!tpu.dma_semaphore, #tpu.memory_space<semaphore_mem>>
        %dma_start3A_262 = arith.constant 0 : i32
        %dma_start3A_263 = tpu.memref_slice %arg8[%run_scoped3A_217, %dma_start3A_262] : memref<3x80xi32, #tpu.memory_space<vmem>> -> memref<1x80xi32, #tpu.memory_space<vmem>>
        %dma_start3A_264 = tpu.memref_squeeze %dma_start3A_263 : memref<1x80xi32, #tpu.memory_space<vmem>> -> memref<80xi32, #tpu.memory_space<vmem>>
        %dma_start3A_265 = arith.constant 0 : i32
        %dma_start3A_266 = tpu.memref_slice %arg18[%dma_start3A_265] : memref<10000xf32, #tpu.memory_space<vmem_shared>> -> memref<10000xf32, #tpu.memory_space<vmem_shared>>
        tpu.enqueue_indirect_dma source(%arg17 : memref<80xf32, #tpu.memory_space<vmem>>) target(%dma_start3A_266 : memref<10000xf32, #tpu.memory_space<vmem_shared>>) offsets(%dma_start3A_264 : memref<80xi32, #tpu.memory_space<vmem>>) semaphore(%run_scoped3A_261 : memref<!tpu.dma_semaphore, #tpu.memory_space<semaphore_mem>>) {add = true}
        %dma_wait3A_267 = arith.constant 0 : i32
        %dma_wait3A_268 = tpu.memref_slice %arg8[%run_scoped3A_217, %dma_wait3A_267] : memref<3x80xi32, #tpu.memory_space<vmem>> -> memref<1x80xi32, #tpu.memory_space<vmem>>
        %dma_wait3A_269 = tpu.memref_squeeze %dma_wait3A_268 : memref<1x80xi32, #tpu.memory_space<vmem>> -> memref<80xi32, #tpu.memory_space<vmem>>
        %dma_wait3A_270 = arith.constant 0 : i32
        %dma_wait3A_271 = tpu.memref_slice %arg18[%dma_wait3A_270] : memref<10000xf32, #tpu.memory_space<vmem_shared>> -> memref<10000xf32, #tpu.memory_space<vmem_shared>>
        tpu.wait_indirect_dma semaphore(%run_scoped3A_261 : memref<!tpu.dma_semaphore, #tpu.memory_space<semaphore_mem>>) src(%arg17 : memref<80xf32, #tpu.memory_space<vmem>>) dst(%dma_wait3A_271 : memref<10000xf32, #tpu.memory_space<vmem_shared>>)
        tpu.yield
      }) : () -> ()
      %add3A_218 = arith.constant 3 : i32
      %add3A_219 = arith.addi %add3A_193, %add3A_218 : i32
      %lt3A_220 = arith.constant 125 : i32
      %lt3A_221 = arith.cmpi slt, %add3A_219, %lt3A_220 : i32
      %convert_element_type3A_222 = arith.extui %lt3A_221 : i1 to i32
      %cond3A_223 = arith.constant 0 : i32
      %cond3A_224 = arith.cmpi ne, %convert_element_type3A_222, %cond3A_223 : i32
      scf.if %cond3A_224 {
        %add3A_261 = arith.constant 3 : i32
        %add3A_262 = arith.addi %add3A_193, %add3A_261 : i32
        %mul3A_263 = arith.constant 80 : i32
        %mul3A_264 = arith.muli %add3A_262, %mul3A_263 : i32
        %dma_start3A_265 = arith.constant 1 : i32
        %dma_start3A_266 = arith.constant 0 : i32
        %dma_start3A_267 = arith.constant 0 : i32
        %dma_start3A_268 = tpu.memref_slice %arg9[%dma_start3A_265, %dma_start3A_266, %dma_start3A_267] : memref<3x80x128xf32, #tpu.memory_space<vmem>> -> memref<1x80x128xf32, #tpu.memory_space<vmem>>
        %dma_start3A_269 = tpu.memref_squeeze %dma_start3A_268 : memref<1x80x128xf32, #tpu.memory_space<vmem>> -> memref<80x128xf32, #tpu.memory_space<vmem>>
        %dma_start3A_270 = tpu.memref_slice %arg7[%mul3A_264] : memref<10000xi32, #tpu.memory_space<vmem>> -> memref<80xi32, #tpu.memory_space<vmem>>
        %dma_start3A_271 = arith.constant 0 : i32
        %dma_start3A_272 = arith.constant 0 : i32
        %dma_start3A_273 = tpu.memref_slice %arg2[%dma_start3A_271, %dma_start3A_272] : memref<10000x128xf32, #tpu.memory_space<hbm>> -> memref<10000x128xf32, #tpu.memory_space<hbm>>
        tpu.enqueue_indirect_dma source(%dma_start3A_273 : memref<10000x128xf32, #tpu.memory_space<hbm>>) target(%dma_start3A_269 : memref<80x128xf32, #tpu.memory_space<vmem>>) offsets(%dma_start3A_270 : memref<80xi32, #tpu.memory_space<vmem>>) semaphore(%arg12 : memref<!tpu.dma_semaphore, #tpu.memory_space<semaphore_mem>>)
        %add3A_274 = arith.constant 3 : i32
        %add3A_275 = arith.addi %add3A_193, %add3A_274 : i32
        %mul3A_276 = arith.constant 80 : i32
        %mul3A_277 = arith.muli %add3A_275, %mul3A_276 : i32
        %add3A_278 = arith.addi %mul3A_31, %mul3A_277 : i32
        %dma_start3A_279 = arith.constant 1 : i32
        %dma_start3A_280 = arith.constant 0 : i32
        %dma_start3A_281 = tpu.memref_slice %arg8[%dma_start3A_279, %dma_start3A_280] : memref<3x80xi32, #tpu.memory_space<vmem>> -> memref<1x80xi32, #tpu.memory_space<vmem>>
        %dma_start3A_282 = tpu.memref_squeeze %dma_start3A_281 : memref<1x80xi32, #tpu.memory_space<vmem>> -> memref<80xi32, #tpu.memory_space<vmem>>
        %dma_start3A_283 = tpu.memref_slice %arg4[%add3A_278] : memref<320000xi32, #tpu.memory_space<hbm>> -> memref<80xi32, #tpu.memory_space<hbm>>
        %dma_start3A_284 = arith.constant 0 : i32
        %dma_start3A_285 = tpu.memref_slice %arg8[%dma_start3A_279, %dma_start3A_284] : memref<3x80xi32, #tpu.memory_space<vmem>> -> memref<1x80xi32, #tpu.memory_space<vmem>>
        %dma_start3A_286 = tpu.memref_squeeze %dma_start3A_285 : memref<1x80xi32, #tpu.memory_space<vmem>> -> memref<80xi32, #tpu.memory_space<vmem>>
        %dma_start3A_287 = tpu.memref_slice %arg4[%add3A_278] : memref<320000xi32, #tpu.memory_space<hbm>> -> memref<80xi32, #tpu.memory_space<hbm>>
        tpu.enqueue_dma source(%dma_start3A_287 : memref<80xi32, #tpu.memory_space<hbm>>) target(%dma_start3A_286 : memref<80xi32, #tpu.memory_space<vmem>>) target_semaphore(%arg15 : memref<!tpu.dma_semaphore, #tpu.memory_space<semaphore_mem>>)
      } else {
      }
      %mul3A_225 = arith.constant 3 : i32
      %mul3A_226 = arith.muli %scan3A_156, %mul3A_225 : i32
      %add3A_227 = arith.constant 2 : i32
      %add3A_228 = arith.addi %mul3A_226, %add3A_227 : i32
      %dma_wait3A_229 = arith.constant 2 : i32
      %dma_wait3A_230 = arith.constant 0 : i32
      %dma_wait3A_231 = arith.constant 0 : i32
      %dma_wait3A_232 = tpu.memref_slice %arg9[%dma_wait3A_229, %dma_wait3A_230, %dma_wait3A_231] : memref<3x80x128xf32, #tpu.memory_space<vmem>> -> memref<1x80x128xf32, #tpu.memory_space<vmem>>
      %dma_wait3A_233 = tpu.memref_squeeze %dma_wait3A_232 : memref<1x80x128xf32, #tpu.memory_space<vmem>> -> memref<80x128xf32, #tpu.memory_space<vmem>>
      %dma_wait3A_234 = arith.constant 0 : i32
      %dma_wait3A_235 = tpu.memref_slice %arg7[%dma_wait3A_234] : memref<10000xi32, #tpu.memory_space<vmem>> -> memref<80xi32, #tpu.memory_space<vmem>>
      %dma_wait3A_236 = arith.constant 0 : i32
      %dma_wait3A_237 = arith.constant 0 : i32
      %dma_wait3A_238 = tpu.memref_slice %arg2[%dma_wait3A_236, %dma_wait3A_237] : memref<10000x128xf32, #tpu.memory_space<hbm>> -> memref<10000x128xf32, #tpu.memory_space<hbm>>
      tpu.wait_indirect_dma semaphore(%arg13 : memref<!tpu.dma_semaphore, #tpu.memory_space<semaphore_mem>>) src(%dma_wait3A_238 : memref<10000x128xf32, #tpu.memory_space<hbm>>) dst(%dma_wait3A_233 : memref<80x128xf32, #tpu.memory_space<vmem>>)
      %dma_wait3A_239 = arith.constant 2 : i32
      %dma_wait3A_240 = arith.constant 0 : i32
      %dma_wait3A_241 = tpu.memref_slice %arg8[%dma_wait3A_239, %dma_wait3A_240] : memref<3x80xi32, #tpu.memory_space<vmem>> -> memref<1x80xi32, #tpu.memory_space<vmem>>
      %dma_wait3A_242 = tpu.memref_squeeze %dma_wait3A_241 : memref<1x80xi32, #tpu.memory_space<vmem>> -> memref<80xi32, #tpu.memory_space<vmem>>
      %dma_wait3A_243 = arith.constant 0 : i32
      %dma_wait3A_244 = tpu.memref_slice %arg4[%dma_wait3A_243] : memref<320000xi32, #tpu.memory_space<hbm>> -> memref<80xi32, #tpu.memory_space<hbm>>
      %dma_wait3A_245 = arith.constant 0 : i32
      %dma_wait3A_246 = tpu.memref_slice %arg8[%dma_wait3A_239, %dma_wait3A_245] : memref<3x80xi32, #tpu.memory_space<vmem>> -> memref<1x80xi32, #tpu.memory_space<vmem>>
      %dma_wait3A_247 = tpu.memref_squeeze %dma_wait3A_246 : memref<1x80xi32, #tpu.memory_space<vmem>> -> memref<80xi32, #tpu.memory_space<vmem>>
      %dma_wait3A_248 = arith.constant 0 : i32
      %dma_wait3A_249 = tpu.memref_slice %arg4[%dma_wait3A_248] : memref<320000xi32, #tpu.memory_space<hbm>> -> memref<80xi32, #tpu.memory_space<hbm>>
      tpu.wait_dma2 semaphore(%arg16 : memref<!tpu.dma_semaphore, #tpu.memory_space<semaphore_mem>>) src(%dma_wait3A_249 : memref<80xi32, #tpu.memory_space<hbm>>) dst(%dma_wait3A_247 : memref<80xi32, #tpu.memory_space<vmem>>)
      %run_scoped3A_250 = arith.constant 2 : i32
      %run_scoped3A_251 = arith.constant 2 : i32
      "tpu.region"() ({
        %run_scoped3A_261 = tpu.sem_alloc : memref<!tpu.dma_semaphore, #tpu.memory_space<semaphore_mem>>
        %dma_start3A_262 = arith.constant 0 : i32
        %dma_start3A_263 = arith.constant 0 : i32
        %dma_start3A_264 = tpu.memref_slice %arg9[%run_scoped3A_250, %dma_start3A_262, %dma_start3A_263] : memref<3x80x128xf32, #tpu.memory_space<vmem>> -> memref<1x80x128xf32, #tpu.memory_space<vmem>>
        %dma_start3A_265 = tpu.memref_squeeze %dma_start3A_264 : memref<1x80x128xf32, #tpu.memory_space<vmem>> -> memref<80x128xf32, #tpu.memory_space<vmem>>
        %dma_start3A_266 = arith.constant 0 : i32
        %dma_start3A_267 = tpu.memref_slice %arg8[%run_scoped3A_251, %dma_start3A_266] : memref<3x80xi32, #tpu.memory_space<vmem>> -> memref<1x80xi32, #tpu.memory_space<vmem>>
        %dma_start3A_268 = tpu.memref_squeeze %dma_start3A_267 : memref<1x80xi32, #tpu.memory_space<vmem>> -> memref<80xi32, #tpu.memory_space<vmem>>
        %dma_start3A_269 = arith.constant 0 : i32
        %dma_start3A_270 = arith.constant 0 : i32
        %dma_start3A_271 = tpu.memref_slice %arg10[%dma_start3A_269, %dma_start3A_270] : memref<10000x128xf32, #tpu.memory_space<vmem_shared>> -> memref<10000x128xf32, #tpu.memory_space<vmem_shared>>
        tpu.enqueue_indirect_dma source(%dma_start3A_265 : memref<80x128xf32, #tpu.memory_space<vmem>>) target(%dma_start3A_271 : memref<10000x128xf32, #tpu.memory_space<vmem_shared>>) offsets(%dma_start3A_268 : memref<80xi32, #tpu.memory_space<vmem>>) semaphore(%run_scoped3A_261 : memref<!tpu.dma_semaphore, #tpu.memory_space<semaphore_mem>>) {add = true}
        %dma_wait3A_272 = arith.constant 0 : i32
        %dma_wait3A_273 = arith.constant 0 : i32
        %dma_wait3A_274 = tpu.memref_slice %arg9[%run_scoped3A_250, %dma_wait3A_272, %dma_wait3A_273] : memref<3x80x128xf32, #tpu.memory_space<vmem>> -> memref<1x80x128xf32, #tpu.memory_space<vmem>>
        %dma_wait3A_275 = tpu.memref_squeeze %dma_wait3A_274 : memref<1x80x128xf32, #tpu.memory_space<vmem>> -> memref<80x128xf32, #tpu.memory_space<vmem>>
        %dma_wait3A_276 = arith.constant 0 : i32
        %dma_wait3A_277 = tpu.memref_slice %arg8[%run_scoped3A_251, %dma_wait3A_276] : memref<3x80xi32, #tpu.memory_space<vmem>> -> memref<1x80xi32, #tpu.memory_space<vmem>>
        %dma_wait3A_278 = tpu.memref_squeeze %dma_wait3A_277 : memref<1x80xi32, #tpu.memory_space<vmem>> -> memref<80xi32, #tpu.memory_space<vmem>>
        %dma_wait3A_279 = arith.constant 0 : i32
        %dma_wait3A_280 = arith.constant 0 : i32
        %dma_wait3A_281 = tpu.memref_slice %arg10[%dma_wait3A_279, %dma_wait3A_280] : memref<10000x128xf32, #tpu.memory_space<vmem_shared>> -> memref<10000x128xf32, #tpu.memory_space<vmem_shared>>
        tpu.wait_indirect_dma semaphore(%run_scoped3A_261 : memref<!tpu.dma_semaphore, #tpu.memory_space<semaphore_mem>>) src(%dma_wait3A_275 : memref<80x128xf32, #tpu.memory_space<vmem>>) dst(%dma_wait3A_281 : memref<10000x128xf32, #tpu.memory_space<vmem_shared>>)
        tpu.yield
      }) : () -> ()
      %run_scoped3A_252 = arith.constant 2 : i32
      "tpu.region"() ({
        %run_scoped3A_261 = tpu.sem_alloc : memref<!tpu.dma_semaphore, #tpu.memory_space<semaphore_mem>>
        %dma_start3A_262 = arith.constant 0 : i32
        %dma_start3A_263 = tpu.memref_slice %arg8[%run_scoped3A_252, %dma_start3A_262] : memref<3x80xi32, #tpu.memory_space<vmem>> -> memref<1x80xi32, #tpu.memory_space<vmem>>
        %dma_start3A_264 = tpu.memref_squeeze %dma_start3A_263 : memref<1x80xi32, #tpu.memory_space<vmem>> -> memref<80xi32, #tpu.memory_space<vmem>>
        %dma_start3A_265 = arith.constant 0 : i32
        %dma_start3A_266 = tpu.memref_slice %arg18[%dma_start3A_265] : memref<10000xf32, #tpu.memory_space<vmem_shared>> -> memref<10000xf32, #tpu.memory_space<vmem_shared>>
        tpu.enqueue_indirect_dma source(%arg17 : memref<80xf32, #tpu.memory_space<vmem>>) target(%dma_start3A_266 : memref<10000xf32, #tpu.memory_space<vmem_shared>>) offsets(%dma_start3A_264 : memref<80xi32, #tpu.memory_space<vmem>>) semaphore(%run_scoped3A_261 : memref<!tpu.dma_semaphore, #tpu.memory_space<semaphore_mem>>) {add = true}
        %dma_wait3A_267 = arith.constant 0 : i32
        %dma_wait3A_268 = tpu.memref_slice %arg8[%run_scoped3A_252, %dma_wait3A_267] : memref<3x80xi32, #tpu.memory_space<vmem>> -> memref<1x80xi32, #tpu.memory_space<vmem>>
        %dma_wait3A_269 = tpu.memref_squeeze %dma_wait3A_268 : memref<1x80xi32, #tpu.memory_space<vmem>> -> memref<80xi32, #tpu.memory_space<vmem>>
        %dma_wait3A_270 = arith.constant 0 : i32
        %dma_wait3A_271 = tpu.memref_slice %arg18[%dma_wait3A_270] : memref<10000xf32, #tpu.memory_space<vmem_shared>> -> memref<10000xf32, #tpu.memory_space<vmem_shared>>
        tpu.wait_indirect_dma semaphore(%run_scoped3A_261 : memref<!tpu.dma_semaphore, #tpu.memory_space<semaphore_mem>>) src(%arg17 : memref<80xf32, #tpu.memory_space<vmem>>) dst(%dma_wait3A_271 : memref<10000xf32, #tpu.memory_space<vmem_shared>>)
        tpu.yield
      }) : () -> ()
      %add3A_253 = arith.constant 3 : i32
      %add3A_254 = arith.addi %add3A_228, %add3A_253 : i32
      %lt3A_255 = arith.constant 125 : i32
      %lt3A_256 = arith.cmpi slt, %add3A_254, %lt3A_255 : i32
      %convert_element_type3A_257 = arith.extui %lt3A_256 : i1 to i32
      %cond3A_258 = arith.constant 0 : i32
      %cond3A_259 = arith.cmpi ne, %convert_element_type3A_257, %cond3A_258 : i32
      scf.if %cond3A_259 {
        %add3A_261 = arith.constant 3 : i32
        %add3A_262 = arith.addi %add3A_228, %add3A_261 : i32
        %mul3A_263 = arith.constant 80 : i32
        %mul3A_264 = arith.muli %add3A_262, %mul3A_263 : i32
        %dma_start3A_265 = arith.constant 2 : i32
        %dma_start3A_266 = arith.constant 0 : i32
        %dma_start3A_267 = arith.constant 0 : i32
        %dma_start3A_268 = tpu.memref_slice %arg9[%dma_start3A_265, %dma_start3A_266, %dma_start3A_267] : memref<3x80x128xf32, #tpu.memory_space<vmem>> -> memref<1x80x128xf32, #tpu.memory_space<vmem>>
        %dma_start3A_269 = tpu.memref_squeeze %dma_start3A_268 : memref<1x80x128xf32, #tpu.memory_space<vmem>> -> memref<80x128xf32, #tpu.memory_space<vmem>>
        %dma_start3A_270 = tpu.memref_slice %arg7[%mul3A_264] : memref<10000xi32, #tpu.memory_space<vmem>> -> memref<80xi32, #tpu.memory_space<vmem>>
        %dma_start3A_271 = arith.constant 0 : i32
        %dma_start3A_272 = arith.constant 0 : i32
        %dma_start3A_273 = tpu.memref_slice %arg2[%dma_start3A_271, %dma_start3A_272] : memref<10000x128xf32, #tpu.memory_space<hbm>> -> memref<10000x128xf32, #tpu.memory_space<hbm>>
        tpu.enqueue_indirect_dma source(%dma_start3A_273 : memref<10000x128xf32, #tpu.memory_space<hbm>>) target(%dma_start3A_269 : memref<80x128xf32, #tpu.memory_space<vmem>>) offsets(%dma_start3A_270 : memref<80xi32, #tpu.memory_space<vmem>>) semaphore(%arg13 : memref<!tpu.dma_semaphore, #tpu.memory_space<semaphore_mem>>)
        %add3A_274 = arith.constant 3 : i32
        %add3A_275 = arith.addi %add3A_228, %add3A_274 : i32
        %mul3A_276 = arith.constant 80 : i32
        %mul3A_277 = arith.muli %add3A_275, %mul3A_276 : i32
        %add3A_278 = arith.addi %mul3A_31, %mul3A_277 : i32
        %dma_start3A_279 = arith.constant 2 : i32
        %dma_start3A_280 = arith.constant 0 : i32
        %dma_start3A_281 = tpu.memref_slice %arg8[%dma_start3A_279, %dma_start3A_280] : memref<3x80xi32, #tpu.memory_space<vmem>> -> memref<1x80xi32, #tpu.memory_space<vmem>>
        %dma_start3A_282 = tpu.memref_squeeze %dma_start3A_281 : memref<1x80xi32, #tpu.memory_space<vmem>> -> memref<80xi32, #tpu.memory_space<vmem>>
        %dma_start3A_283 = tpu.memref_slice %arg4[%add3A_278] : memref<320000xi32, #tpu.memory_space<hbm>> -> memref<80xi32, #tpu.memory_space<hbm>>
        %dma_start3A_284 = arith.constant 0 : i32
        %dma_start3A_285 = tpu.memref_slice %arg8[%dma_start3A_279, %dma_start3A_284] : memref<3x80xi32, #tpu.memory_space<vmem>> -> memref<1x80xi32, #tpu.memory_space<vmem>>
        %dma_start3A_286 = tpu.memref_squeeze %dma_start3A_285 : memref<1x80xi32, #tpu.memory_space<vmem>> -> memref<80xi32, #tpu.memory_space<vmem>>
        %dma_start3A_287 = tpu.memref_slice %arg4[%add3A_278] : memref<320000xi32, #tpu.memory_space<hbm>> -> memref<80xi32, #tpu.memory_space<hbm>>
        tpu.enqueue_dma source(%dma_start3A_287 : memref<80xi32, #tpu.memory_space<hbm>>) target(%dma_start3A_286 : memref<80xi32, #tpu.memory_space<vmem>>) target_semaphore(%arg16 : memref<!tpu.dma_semaphore, #tpu.memory_space<semaphore_mem>>)
      } else {
      }
      %scan3A_260 = arith.constant 0 : i32
      scf.yield %scan3A_260 : i32
    }
    %scan3A_100 = arith.constant 41 : i32
    %dma_wait3A = arith.constant 0 : i32
    %dma_wait3A_101 = arith.constant 0 : i32
    %dma_wait3A_102 = arith.constant 0 : i32
    %dma_wait3A_103 = tpu.memref_slice %arg9[%dma_wait3A, %dma_wait3A_101, %dma_wait3A_102] : memref<3x80x128xf32, #tpu.memory_space<vmem>> -> memref<1x80x128xf32, #tpu.memory_space<vmem>>
    %dma_wait3A_104 = tpu.memref_squeeze %dma_wait3A_103 : memref<1x80x128xf32, #tpu.memory_space<vmem>> -> memref<80x128xf32, #tpu.memory_space<vmem>>
    %dma_wait3A_105 = arith.constant 0 : i32
    %dma_wait3A_106 = tpu.memref_slice %arg7[%dma_wait3A_105] : memref<10000xi32, #tpu.memory_space<vmem>> -> memref<80xi32, #tpu.memory_space<vmem>>
    %dma_wait3A_107 = arith.constant 0 : i32
    %dma_wait3A_108 = arith.constant 0 : i32
    %dma_wait3A_109 = tpu.memref_slice %arg2[%dma_wait3A_107, %dma_wait3A_108] : memref<10000x128xf32, #tpu.memory_space<hbm>> -> memref<10000x128xf32, #tpu.memory_space<hbm>>
    tpu.wait_indirect_dma semaphore(%arg11 : memref<!tpu.dma_semaphore, #tpu.memory_space<semaphore_mem>>) src(%dma_wait3A_109 : memref<10000x128xf32, #tpu.memory_space<hbm>>) dst(%dma_wait3A_104 : memref<80x128xf32, #tpu.memory_space<vmem>>)
    %dma_wait3A_110 = arith.constant 0 : i32
    %dma_wait3A_111 = arith.constant 0 : i32
    %dma_wait3A_112 = tpu.memref_slice %arg8[%dma_wait3A_110, %dma_wait3A_111] : memref<3x80xi32, #tpu.memory_space<vmem>> -> memref<1x80xi32, #tpu.memory_space<vmem>>
    %dma_wait3A_113 = tpu.memref_squeeze %dma_wait3A_112 : memref<1x80xi32, #tpu.memory_space<vmem>> -> memref<80xi32, #tpu.memory_space<vmem>>
    %dma_wait3A_114 = arith.constant 0 : i32
    %dma_wait3A_115 = tpu.memref_slice %arg4[%dma_wait3A_114] : memref<320000xi32, #tpu.memory_space<hbm>> -> memref<80xi32, #tpu.memory_space<hbm>>
    %dma_wait3A_116 = arith.constant 0 : i32
    %dma_wait3A_117 = tpu.memref_slice %arg8[%dma_wait3A_110, %dma_wait3A_116] : memref<3x80xi32, #tpu.memory_space<vmem>> -> memref<1x80xi32, #tpu.memory_space<vmem>>
    %dma_wait3A_118 = tpu.memref_squeeze %dma_wait3A_117 : memref<1x80xi32, #tpu.memory_space<vmem>> -> memref<80xi32, #tpu.memory_space<vmem>>
    %dma_wait3A_119 = arith.constant 0 : i32
    %dma_wait3A_120 = tpu.memref_slice %arg4[%dma_wait3A_119] : memref<320000xi32, #tpu.memory_space<hbm>> -> memref<80xi32, #tpu.memory_space<hbm>>
    tpu.wait_dma2 semaphore(%arg14 : memref<!tpu.dma_semaphore, #tpu.memory_space<semaphore_mem>>) src(%dma_wait3A_120 : memref<80xi32, #tpu.memory_space<hbm>>) dst(%dma_wait3A_118 : memref<80xi32, #tpu.memory_space<vmem>>)
    %run_scoped3A = arith.constant 0 : i32
    %run_scoped3A_121 = arith.constant 0 : i32
    "tpu.region"() ({
      %run_scoped3A_156 = tpu.sem_alloc : memref<!tpu.dma_semaphore, #tpu.memory_space<semaphore_mem>>
      %dma_start3A_157 = arith.constant 0 : i32
      %dma_start3A_158 = arith.constant 0 : i32
      %dma_start3A_159 = tpu.memref_slice %arg9[%run_scoped3A, %dma_start3A_157, %dma_start3A_158] : memref<3x80x128xf32, #tpu.memory_space<vmem>> -> memref<1x80x128xf32, #tpu.memory_space<vmem>>
      %dma_start3A_160 = tpu.memref_squeeze %dma_start3A_159 : memref<1x80x128xf32, #tpu.memory_space<vmem>> -> memref<80x128xf32, #tpu.memory_space<vmem>>
      %dma_start3A_161 = arith.constant 0 : i32
      %dma_start3A_162 = tpu.memref_slice %arg8[%run_scoped3A_121, %dma_start3A_161] : memref<3x80xi32, #tpu.memory_space<vmem>> -> memref<1x80xi32, #tpu.memory_space<vmem>>
      %dma_start3A_163 = tpu.memref_squeeze %dma_start3A_162 : memref<1x80xi32, #tpu.memory_space<vmem>> -> memref<80xi32, #tpu.memory_space<vmem>>
      %dma_start3A_164 = arith.constant 0 : i32
      %dma_start3A_165 = arith.constant 0 : i32
      %dma_start3A_166 = tpu.memref_slice %arg10[%dma_start3A_164, %dma_start3A_165] : memref<10000x128xf32, #tpu.memory_space<vmem_shared>> -> memref<10000x128xf32, #tpu.memory_space<vmem_shared>>
      tpu.enqueue_indirect_dma source(%dma_start3A_160 : memref<80x128xf32, #tpu.memory_space<vmem>>) target(%dma_start3A_166 : memref<10000x128xf32, #tpu.memory_space<vmem_shared>>) offsets(%dma_start3A_163 : memref<80xi32, #tpu.memory_space<vmem>>) semaphore(%run_scoped3A_156 : memref<!tpu.dma_semaphore, #tpu.memory_space<semaphore_mem>>) {add = true}
      %dma_wait3A_167 = arith.constant 0 : i32
      %dma_wait3A_168 = arith.constant 0 : i32
      %dma_wait3A_169 = tpu.memref_slice %arg9[%run_scoped3A, %dma_wait3A_167, %dma_wait3A_168] : memref<3x80x128xf32, #tpu.memory_space<vmem>> -> memref<1x80x128xf32, #tpu.memory_space<vmem>>
      %dma_wait3A_170 = tpu.memref_squeeze %dma_wait3A_169 : memref<1x80x128xf32, #tpu.memory_space<vmem>> -> memref<80x128xf32, #tpu.memory_space<vmem>>
      %dma_wait3A_171 = arith.constant 0 : i32
      %dma_wait3A_172 = tpu.memref_slice %arg8[%run_scoped3A_121, %dma_wait3A_171] : memref<3x80xi32, #tpu.memory_space<vmem>> -> memref<1x80xi32, #tpu.memory_space<vmem>>
      %dma_wait3A_173 = tpu.memref_squeeze %dma_wait3A_172 : memref<1x80xi32, #tpu.memory_space<vmem>> -> memref<80xi32, #tpu.memory_space<vmem>>
      %dma_wait3A_174 = arith.constant 0 : i32
      %dma_wait3A_175 = arith.constant 0 : i32
      %dma_wait3A_176 = tpu.memref_slice %arg10[%dma_wait3A_174, %dma_wait3A_175] : memref<10000x128xf32, #tpu.memory_space<vmem_shared>> -> memref<10000x128xf32, #tpu.memory_space<vmem_shared>>
      tpu.wait_indirect_dma semaphore(%run_scoped3A_156 : memref<!tpu.dma_semaphore, #tpu.memory_space<semaphore_mem>>) src(%dma_wait3A_170 : memref<80x128xf32, #tpu.memory_space<vmem>>) dst(%dma_wait3A_176 : memref<10000x128xf32, #tpu.memory_space<vmem_shared>>)
      tpu.yield
    }) : () -> ()
    %run_scoped3A_122 = arith.constant 0 : i32
    "tpu.region"() ({
      %run_scoped3A_156 = tpu.sem_alloc : memref<!tpu.dma_semaphore, #tpu.memory_space<semaphore_mem>>
      %dma_start3A_157 = arith.constant 0 : i32
      %dma_start3A_158 = tpu.memref_slice %arg8[%run_scoped3A_122, %dma_start3A_157] : memref<3x80xi32, #tpu.memory_space<vmem>> -> memref<1x80xi32, #tpu.memory_space<vmem>>
      %dma_start3A_159 = tpu.memref_squeeze %dma_start3A_158 : memref<1x80xi32, #tpu.memory_space<vmem>> -> memref<80xi32, #tpu.memory_space<vmem>>
      %dma_start3A_160 = arith.constant 0 : i32
      %dma_start3A_161 = tpu.memref_slice %arg18[%dma_start3A_160] : memref<10000xf32, #tpu.memory_space<vmem_shared>> -> memref<10000xf32, #tpu.memory_space<vmem_shared>>
      tpu.enqueue_indirect_dma source(%arg17 : memref<80xf32, #tpu.memory_space<vmem>>) target(%dma_start3A_161 : memref<10000xf32, #tpu.memory_space<vmem_shared>>) offsets(%dma_start3A_159 : memref<80xi32, #tpu.memory_space<vmem>>) semaphore(%run_scoped3A_156 : memref<!tpu.dma_semaphore, #tpu.memory_space<semaphore_mem>>) {add = true}
      %dma_wait3A_162 = arith.constant 0 : i32
      %dma_wait3A_163 = tpu.memref_slice %arg8[%run_scoped3A_122, %dma_wait3A_162] : memref<3x80xi32, #tpu.memory_space<vmem>> -> memref<1x80xi32, #tpu.memory_space<vmem>>
      %dma_wait3A_164 = tpu.memref_squeeze %dma_wait3A_163 : memref<1x80xi32, #tpu.memory_space<vmem>> -> memref<80xi32, #tpu.memory_space<vmem>>
      %dma_wait3A_165 = arith.constant 0 : i32
      %dma_wait3A_166 = tpu.memref_slice %arg18[%dma_wait3A_165] : memref<10000xf32, #tpu.memory_space<vmem_shared>> -> memref<10000xf32, #tpu.memory_space<vmem_shared>>
      tpu.wait_indirect_dma semaphore(%run_scoped3A_156 : memref<!tpu.dma_semaphore, #tpu.memory_space<semaphore_mem>>) src(%arg17 : memref<80xf32, #tpu.memory_space<vmem>>) dst(%dma_wait3A_166 : memref<10000xf32, #tpu.memory_space<vmem_shared>>)
      tpu.yield
    }) : () -> ()
    %dma_wait3A_123 = arith.constant 1 : i32
    %dma_wait3A_124 = arith.constant 0 : i32
    %dma_wait3A_125 = arith.constant 0 : i32
    %dma_wait3A_126 = tpu.memref_slice %arg9[%dma_wait3A_123, %dma_wait3A_124, %dma_wait3A_125] : memref<3x80x128xf32, #tpu.memory_space<vmem>> -> memref<1x80x128xf32, #tpu.memory_space<vmem>>
    %dma_wait3A_127 = tpu.memref_squeeze %dma_wait3A_126 : memref<1x80x128xf32, #tpu.memory_space<vmem>> -> memref<80x128xf32, #tpu.memory_space<vmem>>
    %dma_wait3A_128 = arith.constant 0 : i32
    %dma_wait3A_129 = tpu.memref_slice %arg7[%dma_wait3A_128] : memref<10000xi32, #tpu.memory_space<vmem>> -> memref<80xi32, #tpu.memory_space<vmem>>
    %dma_wait3A_130 = arith.constant 0 : i32
    %dma_wait3A_131 = arith.constant 0 : i32
    %dma_wait3A_132 = tpu.memref_slice %arg2[%dma_wait3A_130, %dma_wait3A_131] : memref<10000x128xf32, #tpu.memory_space<hbm>> -> memref<10000x128xf32, #tpu.memory_space<hbm>>
    tpu.wait_indirect_dma semaphore(%arg12 : memref<!tpu.dma_semaphore, #tpu.memory_space<semaphore_mem>>) src(%dma_wait3A_132 : memref<10000x128xf32, #tpu.memory_space<hbm>>) dst(%dma_wait3A_127 : memref<80x128xf32, #tpu.memory_space<vmem>>)
    %dma_wait3A_133 = arith.constant 1 : i32
    %dma_wait3A_134 = arith.constant 0 : i32
    %dma_wait3A_135 = tpu.memref_slice %arg8[%dma_wait3A_133, %dma_wait3A_134] : memref<3x80xi32, #tpu.memory_space<vmem>> -> memref<1x80xi32, #tpu.memory_space<vmem>>
    %dma_wait3A_136 = tpu.memref_squeeze %dma_wait3A_135 : memref<1x80xi32, #tpu.memory_space<vmem>> -> memref<80xi32, #tpu.memory_space<vmem>>
    %dma_wait3A_137 = arith.constant 0 : i32
    %dma_wait3A_138 = tpu.memref_slice %arg4[%dma_wait3A_137] : memref<320000xi32, #tpu.memory_space<hbm>> -> memref<80xi32, #tpu.memory_space<hbm>>
    %dma_wait3A_139 = arith.constant 0 : i32
    %dma_wait3A_140 = tpu.memref_slice %arg8[%dma_wait3A_133, %dma_wait3A_139] : memref<3x80xi32, #tpu.memory_space<vmem>> -> memref<1x80xi32, #tpu.memory_space<vmem>>
    %dma_wait3A_141 = tpu.memref_squeeze %dma_wait3A_140 : memref<1x80xi32, #tpu.memory_space<vmem>> -> memref<80xi32, #tpu.memory_space<vmem>>
    %dma_wait3A_142 = arith.constant 0 : i32
    %dma_wait3A_143 = tpu.memref_slice %arg4[%dma_wait3A_142] : memref<320000xi32, #tpu.memory_space<hbm>> -> memref<80xi32, #tpu.memory_space<hbm>>
    tpu.wait_dma2 semaphore(%arg15 : memref<!tpu.dma_semaphore, #tpu.memory_space<semaphore_mem>>) src(%dma_wait3A_143 : memref<80xi32, #tpu.memory_space<hbm>>) dst(%dma_wait3A_141 : memref<80xi32, #tpu.memory_space<vmem>>)
    %run_scoped3A_144 = arith.constant 1 : i32
    %run_scoped3A_145 = arith.constant 1 : i32
    "tpu.region"() ({
      %run_scoped3A_156 = tpu.sem_alloc : memref<!tpu.dma_semaphore, #tpu.memory_space<semaphore_mem>>
      %dma_start3A_157 = arith.constant 0 : i32
      %dma_start3A_158 = arith.constant 0 : i32
      %dma_start3A_159 = tpu.memref_slice %arg9[%run_scoped3A_144, %dma_start3A_157, %dma_start3A_158] : memref<3x80x128xf32, #tpu.memory_space<vmem>> -> memref<1x80x128xf32, #tpu.memory_space<vmem>>
      %dma_start3A_160 = tpu.memref_squeeze %dma_start3A_159 : memref<1x80x128xf32, #tpu.memory_space<vmem>> -> memref<80x128xf32, #tpu.memory_space<vmem>>
      %dma_start3A_161 = arith.constant 0 : i32
      %dma_start3A_162 = tpu.memref_slice %arg8[%run_scoped3A_145, %dma_start3A_161] : memref<3x80xi32, #tpu.memory_space<vmem>> -> memref<1x80xi32, #tpu.memory_space<vmem>>
      %dma_start3A_163 = tpu.memref_squeeze %dma_start3A_162 : memref<1x80xi32, #tpu.memory_space<vmem>> -> memref<80xi32, #tpu.memory_space<vmem>>
      %dma_start3A_164 = arith.constant 0 : i32
      %dma_start3A_165 = arith.constant 0 : i32
      %dma_start3A_166 = tpu.memref_slice %arg10[%dma_start3A_164, %dma_start3A_165] : memref<10000x128xf32, #tpu.memory_space<vmem_shared>> -> memref<10000x128xf32, #tpu.memory_space<vmem_shared>>
      tpu.enqueue_indirect_dma source(%dma_start3A_160 : memref<80x128xf32, #tpu.memory_space<vmem>>) target(%dma_start3A_166 : memref<10000x128xf32, #tpu.memory_space<vmem_shared>>) offsets(%dma_start3A_163 : memref<80xi32, #tpu.memory_space<vmem>>) semaphore(%run_scoped3A_156 : memref<!tpu.dma_semaphore, #tpu.memory_space<semaphore_mem>>) {add = true}
      %dma_wait3A_167 = arith.constant 0 : i32
      %dma_wait3A_168 = arith.constant 0 : i32
      %dma_wait3A_169 = tpu.memref_slice %arg9[%run_scoped3A_144, %dma_wait3A_167, %dma_wait3A_168] : memref<3x80x128xf32, #tpu.memory_space<vmem>> -> memref<1x80x128xf32, #tpu.memory_space<vmem>>
      %dma_wait3A_170 = tpu.memref_squeeze %dma_wait3A_169 : memref<1x80x128xf32, #tpu.memory_space<vmem>> -> memref<80x128xf32, #tpu.memory_space<vmem>>
      %dma_wait3A_171 = arith.constant 0 : i32
      %dma_wait3A_172 = tpu.memref_slice %arg8[%run_scoped3A_145, %dma_wait3A_171] : memref<3x80xi32, #tpu.memory_space<vmem>> -> memref<1x80xi32, #tpu.memory_space<vmem>>
      %dma_wait3A_173 = tpu.memref_squeeze %dma_wait3A_172 : memref<1x80xi32, #tpu.memory_space<vmem>> -> memref<80xi32, #tpu.memory_space<vmem>>
      %dma_wait3A_174 = arith.constant 0 : i32
      %dma_wait3A_175 = arith.constant 0 : i32
      %dma_wait3A_176 = tpu.memref_slice %arg10[%dma_wait3A_174, %dma_wait3A_175] : memref<10000x128xf32, #tpu.memory_space<vmem_shared>> -> memref<10000x128xf32, #tpu.memory_space<vmem_shared>>
      tpu.wait_indirect_dma semaphore(%run_scoped3A_156 : memref<!tpu.dma_semaphore, #tpu.memory_space<semaphore_mem>>) src(%dma_wait3A_170 : memref<80x128xf32, #tpu.memory_space<vmem>>) dst(%dma_wait3A_176 : memref<10000x128xf32, #tpu.memory_space<vmem_shared>>)
      tpu.yield
    }) : () -> ()
    %run_scoped3A_146 = arith.constant 1 : i32
    "tpu.region"() ({
      %run_scoped3A_156 = tpu.sem_alloc : memref<!tpu.dma_semaphore, #tpu.memory_space<semaphore_mem>>
      %dma_start3A_157 = arith.constant 0 : i32
      %dma_start3A_158 = tpu.memref_slice %arg8[%run_scoped3A_146, %dma_start3A_157] : memref<3x80xi32, #tpu.memory_space<vmem>> -> memref<1x80xi32, #tpu.memory_space<vmem>>
      %dma_start3A_159 = tpu.memref_squeeze %dma_start3A_158 : memref<1x80xi32, #tpu.memory_space<vmem>> -> memref<80xi32, #tpu.memory_space<vmem>>
      %dma_start3A_160 = arith.constant 0 : i32
      %dma_start3A_161 = tpu.memref_slice %arg18[%dma_start3A_160] : memref<10000xf32, #tpu.memory_space<vmem_shared>> -> memref<10000xf32, #tpu.memory_space<vmem_shared>>
      tpu.enqueue_indirect_dma source(%arg17 : memref<80xf32, #tpu.memory_space<vmem>>) target(%dma_start3A_161 : memref<10000xf32, #tpu.memory_space<vmem_shared>>) offsets(%dma_start3A_159 : memref<80xi32, #tpu.memory_space<vmem>>) semaphore(%run_scoped3A_156 : memref<!tpu.dma_semaphore, #tpu.memory_space<semaphore_mem>>) {add = true}
      %dma_wait3A_162 = arith.constant 0 : i32
      %dma_wait3A_163 = tpu.memref_slice %arg8[%run_scoped3A_146, %dma_wait3A_162] : memref<3x80xi32, #tpu.memory_space<vmem>> -> memref<1x80xi32, #tpu.memory_space<vmem>>
      %dma_wait3A_164 = tpu.memref_squeeze %dma_wait3A_163 : memref<1x80xi32, #tpu.memory_space<vmem>> -> memref<80xi32, #tpu.memory_space<vmem>>
      %dma_wait3A_165 = arith.constant 0 : i32
      %dma_wait3A_166 = tpu.memref_slice %arg18[%dma_wait3A_165] : memref<10000xf32, #tpu.memory_space<vmem_shared>> -> memref<10000xf32, #tpu.memory_space<vmem_shared>>
      tpu.wait_indirect_dma semaphore(%run_scoped3A_156 : memref<!tpu.dma_semaphore, #tpu.memory_space<semaphore_mem>>) src(%arg17 : memref<80xf32, #tpu.memory_space<vmem>>) dst(%dma_wait3A_166 : memref<10000xf32, #tpu.memory_space<vmem_shared>>)
      tpu.yield
    }) : () -> ()
    %barrier3A_147 = arith.constant 0 : index
    tpu.barrier barrier_id(%barrier3A_147)
    %scan3A_148 = arith.constant 0 : i32
    %scan3A_149 = arith.constant 0 : i32
    %scan3A_150 = arith.constant 0 : i32
    %scan3A_151 = arith.constant 8 : i32
    %scan3A_152 = arith.addi %scan3A_150, %scan3A_151 : i32
    %scan3A_153 = arith.constant 1 : i32
    %scan3A_154 = scf.for %scan3A_156 = %scan3A_150 to %scan3A_152 step %scan3A_153 iter_args(%scan3A_157 = %scan3A_149) -> (i32)  : i32 {
      %mul3A_158 = arith.constant 16 : i32
      %mul3A_159 = arith.muli %scan3A_156, %mul3A_158 : i32
      %add3A_160 = arith.addi %arg1, %mul3A_159 : i32
      %lt3A = arith.constant 125 : i32
      %lt3A_161 = arith.cmpi slt, %add3A_160, %lt3A : i32
      %convert_element_type3A = arith.extui %lt3A_161 : i1 to i32
      %cond3A = arith.constant 0 : i32
      %cond3A_162 = arith.cmpi ne, %convert_element_type3A, %cond3A : i32
      scf.if %cond3A_162 {
        %mul3A_164 = arith.constant 80 : i32
        %mul3A_165 = arith.muli %add3A_160, %mul3A_164 : i32
        "tpu.region"() ({
          %run_scoped3A_175 = tpu.sem_alloc : memref<!tpu.dma_semaphore, #tpu.memory_space<semaphore_mem>>
          %dma_start3A_176 = arith.constant 0 : i32
          %dma_start3A_177 = arith.constant 0 : i32
          %dma_start3A_178 = tpu.memref_slice %arg9[%scan3A_148, %dma_start3A_176, %dma_start3A_177] : memref<3x80x128xf32, #tpu.memory_space<vmem>> -> memref<1x80x128xf32, #tpu.memory_space<vmem>>
          %dma_start3A_179 = tpu.memref_squeeze %dma_start3A_178 : memref<1x80x128xf32, #tpu.memory_space<vmem>> -> memref<80x128xf32, #tpu.memory_space<vmem>>
          %dma_start3A_180 = arith.constant 0 : i32
          %dma_start3A_181 = tpu.memref_slice %arg10[%mul3A_165, %dma_start3A_180] : memref<10000x128xf32, #tpu.memory_space<vmem_shared>> -> memref<80x128xf32, #tpu.memory_space<vmem_shared>>
          %dma_start3A_182 = arith.constant 0 : i32
          %dma_start3A_183 = arith.constant 0 : i32
          %dma_start3A_184 = tpu.memref_slice %arg9[%scan3A_148, %dma_start3A_182, %dma_start3A_183] : memref<3x80x128xf32, #tpu.memory_space<vmem>> -> memref<1x80x128xf32, #tpu.memory_space<vmem>>
          %dma_start3A_185 = tpu.memref_squeeze %dma_start3A_184 : memref<1x80x128xf32, #tpu.memory_space<vmem>> -> memref<80x128xf32, #tpu.memory_space<vmem>>
          %dma_start3A_186 = arith.constant 0 : i32
          %dma_start3A_187 = tpu.memref_slice %arg10[%mul3A_165, %dma_start3A_186] : memref<10000x128xf32, #tpu.memory_space<vmem_shared>> -> memref<80x128xf32, #tpu.memory_space<vmem_shared>>
          tpu.enqueue_dma source(%dma_start3A_187 : memref<80x128xf32, #tpu.memory_space<vmem_shared>>) target(%dma_start3A_185 : memref<80x128xf32, #tpu.memory_space<vmem>>) target_semaphore(%run_scoped3A_175 : memref<!tpu.dma_semaphore, #tpu.memory_space<semaphore_mem>>)
          %dma_wait3A_188 = arith.constant 0 : i32
          %dma_wait3A_189 = arith.constant 0 : i32
          %dma_wait3A_190 = tpu.memref_slice %arg9[%scan3A_148, %dma_wait3A_188, %dma_wait3A_189] : memref<3x80x128xf32, #tpu.memory_space<vmem>> -> memref<1x80x128xf32, #tpu.memory_space<vmem>>
          %dma_wait3A_191 = tpu.memref_squeeze %dma_wait3A_190 : memref<1x80x128xf32, #tpu.memory_space<vmem>> -> memref<80x128xf32, #tpu.memory_space<vmem>>
          %dma_wait3A_192 = arith.constant 0 : i32
          %dma_wait3A_193 = tpu.memref_slice %arg10[%mul3A_165, %dma_wait3A_192] : memref<10000x128xf32, #tpu.memory_space<vmem_shared>> -> memref<80x128xf32, #tpu.memory_space<vmem_shared>>
          %dma_wait3A_194 = arith.constant 0 : i32
          %dma_wait3A_195 = arith.constant 0 : i32
          %dma_wait3A_196 = tpu.memref_slice %arg9[%scan3A_148, %dma_wait3A_194, %dma_wait3A_195] : memref<3x80x128xf32, #tpu.memory_space<vmem>> -> memref<1x80x128xf32, #tpu.memory_space<vmem>>
          %dma_wait3A_197 = tpu.memref_squeeze %dma_wait3A_196 : memref<1x80x128xf32, #tpu.memory_space<vmem>> -> memref<80x128xf32, #tpu.memory_space<vmem>>
          %dma_wait3A_198 = arith.constant 0 : i32
          %dma_wait3A_199 = tpu.memref_slice %arg10[%mul3A_165, %dma_wait3A_198] : memref<10000x128xf32, #tpu.memory_space<vmem_shared>> -> memref<80x128xf32, #tpu.memory_space<vmem_shared>>
          tpu.wait_dma2 semaphore(%run_scoped3A_175 : memref<!tpu.dma_semaphore, #tpu.memory_space<semaphore_mem>>) src(%dma_wait3A_199 : memref<80x128xf32, #tpu.memory_space<vmem_shared>>) dst(%dma_wait3A_197 : memref<80x128xf32, #tpu.memory_space<vmem>>)
          tpu.yield
        }) : () -> ()
        %mul3A_166 = arith.constant 80 : i32
        %mul3A_167 = arith.muli %add3A_160, %mul3A_166 : i32
        "tpu.region"() ({
          %run_scoped3A_175 = tpu.sem_alloc : memref<!tpu.dma_semaphore, #tpu.memory_space<semaphore_mem>>
          %dma_start3A_176 = arith.constant 0 : i32
          %dma_start3A_177 = arith.constant 0 : i32
          %dma_start3A_178 = tpu.memref_slice %arg9[%scan3A_148, %dma_start3A_176, %dma_start3A_177] : memref<3x80x128xf32, #tpu.memory_space<vmem>> -> memref<1x80x128xf32, #tpu.memory_space<vmem>>
          %dma_start3A_179 = tpu.memref_squeeze %dma_start3A_178 : memref<1x80x128xf32, #tpu.memory_space<vmem>> -> memref<80x128xf32, #tpu.memory_space<vmem>>
          %dma_start3A_180 = arith.constant 0 : i32
          %dma_start3A_181 = tpu.memref_slice %arg5[%arg0, %mul3A_167, %dma_start3A_180] : memref<2x10000x128xf32, #tpu.memory_space<hbm>> -> memref<1x80x128xf32, #tpu.memory_space<hbm>>
          %dma_start3A_182 = tpu.memref_squeeze %dma_start3A_181 : memref<1x80x128xf32, #tpu.memory_space<hbm>> -> memref<80x128xf32, #tpu.memory_space<hbm>>
          %dma_start3A_183 = arith.constant 0 : i32
          %dma_start3A_184 = tpu.memref_slice %arg5[%arg0, %mul3A_167, %dma_start3A_183] : memref<2x10000x128xf32, #tpu.memory_space<hbm>> -> memref<1x80x128xf32, #tpu.memory_space<hbm>>
          %dma_start3A_185 = tpu.memref_squeeze %dma_start3A_184 : memref<1x80x128xf32, #tpu.memory_space<hbm>> -> memref<80x128xf32, #tpu.memory_space<hbm>>
          %dma_start3A_186 = arith.constant 0 : i32
          %dma_start3A_187 = arith.constant 0 : i32
          %dma_start3A_188 = tpu.memref_slice %arg9[%scan3A_148, %dma_start3A_186, %dma_start3A_187] : memref<3x80x128xf32, #tpu.memory_space<vmem>> -> memref<1x80x128xf32, #tpu.memory_space<vmem>>
          %dma_start3A_189 = tpu.memref_squeeze %dma_start3A_188 : memref<1x80x128xf32, #tpu.memory_space<vmem>> -> memref<80x128xf32, #tpu.memory_space<vmem>>
          tpu.enqueue_dma source(%dma_start3A_189 : memref<80x128xf32, #tpu.memory_space<vmem>>) target(%dma_start3A_185 : memref<80x128xf32, #tpu.memory_space<hbm>>) target_semaphore(%run_scoped3A_175 : memref<!tpu.dma_semaphore, #tpu.memory_space<semaphore_mem>>)
          %dma_wait3A_190 = arith.constant 0 : i32
          %dma_wait3A_191 = arith.constant 0 : i32
          %dma_wait3A_192 = tpu.memref_slice %arg9[%scan3A_148, %dma_wait3A_190, %dma_wait3A_191] : memref<3x80x128xf32, #tpu.memory_space<vmem>> -> memref<1x80x128xf32, #tpu.memory_space<vmem>>
          %dma_wait3A_193 = tpu.memref_squeeze %dma_wait3A_192 : memref<1x80x128xf32, #tpu.memory_space<vmem>> -> memref<80x128xf32, #tpu.memory_space<vmem>>
          %dma_wait3A_194 = arith.constant 0 : i32
          %dma_wait3A_195 = tpu.memref_slice %arg5[%arg0, %mul3A_167, %dma_wait3A_194] : memref<2x10000x128xf32, #tpu.memory_space<hbm>> -> memref<1x80x128xf32, #tpu.memory_space<hbm>>
          %dma_wait3A_196 = tpu.memref_squeeze %dma_wait3A_195 : memref<1x80x128xf32, #tpu.memory_space<hbm>> -> memref<80x128xf32, #tpu.memory_space<hbm>>
          %dma_wait3A_197 = arith.constant 0 : i32
          %dma_wait3A_198 = tpu.memref_slice %arg5[%arg0, %mul3A_167, %dma_wait3A_197] : memref<2x10000x128xf32, #tpu.memory_space<hbm>> -> memref<1x80x128xf32, #tpu.memory_space<hbm>>
          %dma_wait3A_199 = tpu.memref_squeeze %dma_wait3A_198 : memref<1x80x128xf32, #tpu.memory_space<hbm>> -> memref<80x128xf32, #tpu.memory_space<hbm>>
          %dma_wait3A_200 = arith.constant 0 : i32
          %dma_wait3A_201 = arith.constant 0 : i32
          %dma_wait3A_202 = tpu.memref_slice %arg9[%scan3A_148, %dma_wait3A_200, %dma_wait3A_201] : memref<3x80x128xf32, #tpu.memory_space<vmem>> -> memref<1x80x128xf32, #tpu.memory_space<vmem>>
          %dma_wait3A_203 = tpu.memref_squeeze %dma_wait3A_202 : memref<1x80x128xf32, #tpu.memory_space<vmem>> -> memref<80x128xf32, #tpu.memory_space<vmem>>
          tpu.wait_dma2 semaphore(%run_scoped3A_175 : memref<!tpu.dma_semaphore, #tpu.memory_space<semaphore_mem>>) src(%dma_wait3A_203 : memref<80x128xf32, #tpu.memory_space<vmem>>) dst(%dma_wait3A_199 : memref<80x128xf32, #tpu.memory_space<hbm>>)
          tpu.yield
        }) : () -> ()
        %mul3A_168 = arith.constant 80 : i32
        %mul3A_169 = arith.muli %add3A_160, %mul3A_168 : i32
        "tpu.region"() ({
          %run_scoped3A_175 = tpu.sem_alloc : memref<!tpu.dma_semaphore, #tpu.memory_space<semaphore_mem>>
          %dma_start3A_176 = tpu.memref_slice %arg18[%mul3A_169] : memref<10000xf32, #tpu.memory_space<vmem_shared>> -> memref<80xf32, #tpu.memory_space<vmem_shared>>
          %dma_start3A_177 = tpu.memref_slice %arg18[%mul3A_169] : memref<10000xf32, #tpu.memory_space<vmem_shared>> -> memref<80xf32, #tpu.memory_space<vmem_shared>>
          tpu.enqueue_dma source(%dma_start3A_177 : memref<80xf32, #tpu.memory_space<vmem_shared>>) target(%arg17 : memref<80xf32, #tpu.memory_space<vmem>>) target_semaphore(%run_scoped3A_175 : memref<!tpu.dma_semaphore, #tpu.memory_space<semaphore_mem>>)
          %dma_wait3A_178 = tpu.memref_slice %arg18[%mul3A_169] : memref<10000xf32, #tpu.memory_space<vmem_shared>> -> memref<80xf32, #tpu.memory_space<vmem_shared>>
          %dma_wait3A_179 = tpu.memref_slice %arg18[%mul3A_169] : memref<10000xf32, #tpu.memory_space<vmem_shared>> -> memref<80xf32, #tpu.memory_space<vmem_shared>>
          tpu.wait_dma2 semaphore(%run_scoped3A_175 : memref<!tpu.dma_semaphore, #tpu.memory_space<semaphore_mem>>) src(%dma_wait3A_179 : memref<80xf32, #tpu.memory_space<vmem_shared>>) dst(%arg17 : memref<80xf32, #tpu.memory_space<vmem>>)
          tpu.yield
        }) : () -> ()
        %mul3A_170 = arith.constant 10000 : i32
        %mul3A_171 = arith.muli %arg0, %mul3A_170 : i32
        %mul3A_172 = arith.constant 80 : i32
        %mul3A_173 = arith.muli %add3A_160, %mul3A_172 : i32
        %add3A_174 = arith.addi %mul3A_171, %mul3A_173 : i32
        "tpu.region"() ({
          %run_scoped3A_175 = tpu.sem_alloc : memref<!tpu.dma_semaphore, #tpu.memory_space<semaphore_mem>>
          %dma_start3A_176 = tpu.memref_slice %arg6[%add3A_174] : memref<20000xf32, #tpu.memory_space<hbm>> -> memref<80xf32, #tpu.memory_space<hbm>>
          %dma_start3A_177 = tpu.memref_slice %arg6[%add3A_174] : memref<20000xf32, #tpu.memory_space<hbm>> -> memref<80xf32, #tpu.memory_space<hbm>>
          tpu.enqueue_dma source(%arg17 : memref<80xf32, #tpu.memory_space<vmem>>) target(%dma_start3A_177 : memref<80xf32, #tpu.memory_space<hbm>>) target_semaphore(%run_scoped3A_175 : memref<!tpu.dma_semaphore, #tpu.memory_space<semaphore_mem>>)
          %dma_wait3A_178 = tpu.memref_slice %arg6[%add3A_174] : memref<20000xf32, #tpu.memory_space<hbm>> -> memref<80xf32, #tpu.memory_space<hbm>>
          %dma_wait3A_179 = tpu.memref_slice %arg6[%add3A_174] : memref<20000xf32, #tpu.memory_space<hbm>> -> memref<80xf32, #tpu.memory_space<hbm>>
          tpu.wait_dma2 semaphore(%run_scoped3A_175 : memref<!tpu.dma_semaphore, #tpu.memory_space<semaphore_mem>>) src(%arg17 : memref<80xf32, #tpu.memory_space<vmem>>) dst(%dma_wait3A_179 : memref<80xf32, #tpu.memory_space<hbm>>)
          tpu.yield
        }) : () -> ()
      } else {
      }
      %scan3A_163 = arith.constant 0 : i32
      scf.yield %scan3A_163 : i32
    }
    %scan3A_155 = arith.constant 8 : i32
    return
  }
}

#map = affine_map<(d0, d1) -> (0, 0)>
#map1 = affine_map<(d0, d1) -> (0)>
#map2 = affine_map<(d0, d1) -> (0, 0, 0)>
module attributes {stable_mosaic.version = 14 : i64} {
  func.func @agg(%arg0: i32, %arg1: i32, %arg2: memref<10000x128xf32, #tpu.memory_space<hbm>>, %arg3: memref<320000xi32, #tpu.memory_space<hbm>>, %arg4: memref<320000xi32, #tpu.memory_space<hbm>>, %arg5: memref<2x10000x128xf32, #tpu.memory_space<hbm>>, %arg6: memref<10000xi32, #tpu.memory_space<vmem>>, %arg7: memref<3x80xi32, #tpu.memory_space<vmem>>, %arg8: memref<3x80x128xf32, #tpu.memory_space<vmem>>, %arg9: memref<10000x128xf32, #tpu.memory_space<vmem_shared>>, %arg10: memref<!tpu.dma_semaphore, #tpu.memory_space<semaphore_mem>>, %arg11: memref<!tpu.dma_semaphore, #tpu.memory_space<semaphore_mem>>, %arg12: memref<!tpu.dma_semaphore, #tpu.memory_space<semaphore_mem>>, %arg13: memref<!tpu.dma_semaphore, #tpu.memory_space<semaphore_mem>>, %arg14: memref<!tpu.dma_semaphore, #tpu.memory_space<semaphore_mem>>, %arg15: memref<!tpu.dma_semaphore, #tpu.memory_space<semaphore_mem>>) attributes {dimension_semantics = [#tpu.dimension_semantics<core_parallel>, #tpu.dimension_semantics<subcore_parallel>], iteration_bounds = array<i64: 2, 16>, scalar_prefetch = 0 : i64, scratch_operands = 10 : i64, tpu.core_type = #tpu.core_type<sc_vector_subcore>, window_params = [{transform_indices = #map}, {transform_indices = #map1}, {transform_indices = #map1}, {transform_indices = #map2}]} {
    %mul3A = arith.constant 16 : i32
    %mul3A_0 = arith.muli %arg0, %mul3A : i32
    %add3A = arith.addi %mul3A_0, %arg1 : i32
    %scan3A = arith.constant 0 : i32
    %scan3A_1 = arith.constant 0 : i32
    %scan3A_2 = arith.constant 0 : i32
    %scan3A_3 = arith.constant 80 : i32
    %scan3A_4 = arith.addi %scan3A_2, %scan3A_3 : i32
    %scan3A_5 = arith.constant 1 : i32
    %scan3A_6 = scf.for %scan3A_140 = %scan3A_2 to %scan3A_4 step %scan3A_5 iter_args(%scan3A_141 = %scan3A_1) -> (i32)  : i32 {
      %scan3A_142 = arith.constant 0 : i32
      %scan3A_143 = arith.constant 0 : i32
      %scan3A_144 = arith.constant 8 : i32
      %scan3A_145 = arith.addi %scan3A_143, %scan3A_144 : i32
      %scan3A_146 = arith.constant 1 : i32
      %scan3A_147 = scf.for %scan3A_149 = %scan3A_143 to %scan3A_145 step %scan3A_146 iter_args(%scan3A_150 = %scan3A_142) -> (i32)  : i32 {
        %broadcast_in_dim3A = arith.constant 0.000000e+00 : f32
        %broadcast_in_dim3A_151 = vector.broadcast %broadcast_in_dim3A : f32 to vector<16xf32>
        %mul3A_152 = arith.constant 16 : i32
        %mul3A_153 = arith.muli %scan3A_149, %mul3A_152 : i32
        %swap3A = arith.constant 0 : i32
        %swap3A_154 = arith.constant 0 : i32
        %swap3A_155 = tpu.memref_slice %arg8[%scan3A, %swap3A, %swap3A_154] : memref<3x80x128xf32, #tpu.memory_space<vmem>> -> memref<1x80x128xf32, #tpu.memory_space<vmem>>
        %swap3A_156 = tpu.memref_squeeze %swap3A_155 : memref<1x80x128xf32, #tpu.memory_space<vmem>> -> memref<80x128xf32, #tpu.memory_space<vmem>>
        %swap3A_157 = arith.index_cast %scan3A_140 : i32 to index
        %swap3A_158 = arith.index_cast %mul3A_153 : i32 to index
        %swap3A_159 = tpu.vector_load %swap3A_156[%swap3A_157, %swap3A_158] {strides = array<i32>} : memref<80x128xf32, #tpu.memory_space<vmem>>, vector<1x16xf32>,
        %swap3A_160 = vector.shape_cast %swap3A_159 : vector<1x16xf32> to vector<16xf32>
        %swap3A_161 = vector.shape_cast %broadcast_in_dim3A_151 : vector<16xf32> to vector<1x16xf32>
        tpu.vector_store %swap3A_156[%swap3A_157, %swap3A_158], %swap3A_161 {strides = array<i32>} : memref<80x128xf32, #tpu.memory_space<vmem>>, vector<1x16xf32>,
        %scan3A_162 = arith.constant 0 : i32
        scf.yield %scan3A_162 : i32
      }
      %scan3A_148 = arith.constant 8 : i32
      scf.yield %scan3A_147 : i32
    }
    %scan3A_7 = arith.constant 80 : i32
    %scan3A_8 = arith.constant 0 : i32
    %scan3A_9 = arith.constant 0 : i32
    %scan3A_10 = arith.constant 0 : i32
    %scan3A_11 = arith.constant 8 : i32
    %scan3A_12 = arith.addi %scan3A_10, %scan3A_11 : i32
    %scan3A_13 = arith.constant 1 : i32
    %scan3A_14 = scf.for %scan3A_140 = %scan3A_10 to %scan3A_12 step %scan3A_13 iter_args(%scan3A_141 = %scan3A_9) -> (i32)  : i32 {
      %mul3A_142 = arith.constant 16 : i32
      %mul3A_143 = arith.muli %scan3A_140, %mul3A_142 : i32
      %add3A_144 = arith.addi %arg1, %mul3A_143 : i32
      %lt3A = arith.constant 125 : i32
      %lt3A_145 = arith.cmpi slt, %add3A_144, %lt3A : i32
      %convert_element_type3A = arith.extui %lt3A_145 : i1 to i32
      %cond3A = arith.constant 0 : i32
      %cond3A_146 = arith.cmpi ne, %convert_element_type3A, %cond3A : i32
      scf.if %cond3A_146 {
        %mul3A_148 = arith.constant 80 : i32
        %mul3A_149 = arith.muli %add3A_144, %mul3A_148 : i32
        "tpu.region"() ({
          %run_scoped3A_150 = tpu.sem_alloc : memref<!tpu.dma_semaphore, #tpu.memory_space<semaphore_mem>>
          %dma_start3A_151 = arith.constant 0 : i32
          %dma_start3A_152 = arith.constant 0 : i32
          %dma_start3A_153 = tpu.memref_slice %arg8[%scan3A_8, %dma_start3A_151, %dma_start3A_152] : memref<3x80x128xf32, #tpu.memory_space<vmem>> -> memref<1x80x128xf32, #tpu.memory_space<vmem>>
          %dma_start3A_154 = tpu.memref_squeeze %dma_start3A_153 : memref<1x80x128xf32, #tpu.memory_space<vmem>> -> memref<80x128xf32, #tpu.memory_space<vmem>>
          %dma_start3A_155 = arith.constant 0 : i32
          %dma_start3A_156 = tpu.memref_slice %arg9[%mul3A_149, %dma_start3A_155] : memref<10000x128xf32, #tpu.memory_space<vmem_shared>> -> memref<80x128xf32, #tpu.memory_space<vmem_shared>>
          %dma_start3A_157 = arith.constant 0 : i32
          %dma_start3A_158 = tpu.memref_slice %arg9[%mul3A_149, %dma_start3A_157] : memref<10000x128xf32, #tpu.memory_space<vmem_shared>> -> memref<80x128xf32, #tpu.memory_space<vmem_shared>>
          %dma_start3A_159 = arith.constant 0 : i32
          %dma_start3A_160 = arith.constant 0 : i32
          %dma_start3A_161 = tpu.memref_slice %arg8[%scan3A_8, %dma_start3A_159, %dma_start3A_160] : memref<3x80x128xf32, #tpu.memory_space<vmem>> -> memref<1x80x128xf32, #tpu.memory_space<vmem>>
          %dma_start3A_162 = tpu.memref_squeeze %dma_start3A_161 : memref<1x80x128xf32, #tpu.memory_space<vmem>> -> memref<80x128xf32, #tpu.memory_space<vmem>>
          tpu.enqueue_dma source(%dma_start3A_162 : memref<80x128xf32, #tpu.memory_space<vmem>>) target(%dma_start3A_158 : memref<80x128xf32, #tpu.memory_space<vmem_shared>>) target_semaphore(%run_scoped3A_150 : memref<!tpu.dma_semaphore, #tpu.memory_space<semaphore_mem>>)
          %dma_wait3A_163 = arith.constant 0 : i32
          %dma_wait3A_164 = arith.constant 0 : i32
          %dma_wait3A_165 = tpu.memref_slice %arg8[%scan3A_8, %dma_wait3A_163, %dma_wait3A_164] : memref<3x80x128xf32, #tpu.memory_space<vmem>> -> memref<1x80x128xf32, #tpu.memory_space<vmem>>
          %dma_wait3A_166 = tpu.memref_squeeze %dma_wait3A_165 : memref<1x80x128xf32, #tpu.memory_space<vmem>> -> memref<80x128xf32, #tpu.memory_space<vmem>>
          %dma_wait3A_167 = arith.constant 0 : i32
          %dma_wait3A_168 = tpu.memref_slice %arg9[%mul3A_149, %dma_wait3A_167] : memref<10000x128xf32, #tpu.memory_space<vmem_shared>> -> memref<80x128xf32, #tpu.memory_space<vmem_shared>>
          %dma_wait3A_169 = arith.constant 0 : i32
          %dma_wait3A_170 = tpu.memref_slice %arg9[%mul3A_149, %dma_wait3A_169] : memref<10000x128xf32, #tpu.memory_space<vmem_shared>> -> memref<80x128xf32, #tpu.memory_space<vmem_shared>>
          %dma_wait3A_171 = arith.constant 0 : i32
          %dma_wait3A_172 = arith.constant 0 : i32
          %dma_wait3A_173 = tpu.memref_slice %arg8[%scan3A_8, %dma_wait3A_171, %dma_wait3A_172] : memref<3x80x128xf32, #tpu.memory_space<vmem>> -> memref<1x80x128xf32, #tpu.memory_space<vmem>>
          %dma_wait3A_174 = tpu.memref_squeeze %dma_wait3A_173 : memref<1x80x128xf32, #tpu.memory_space<vmem>> -> memref<80x128xf32, #tpu.memory_space<vmem>>
          tpu.wait_dma2 semaphore(%run_scoped3A_150 : memref<!tpu.dma_semaphore, #tpu.memory_space<semaphore_mem>>) src(%dma_wait3A_174 : memref<80x128xf32, #tpu.memory_space<vmem>>) dst(%dma_wait3A_170 : memref<80x128xf32, #tpu.memory_space<vmem_shared>>)
          tpu.yield
        }) : () -> ()
      } else {
      }
      %scan3A_147 = arith.constant 0 : i32
      scf.yield %scan3A_147 : i32
    }
    %scan3A_15 = arith.constant 8 : i32
    %mul3A_16 = arith.constant 10000 : i32
    %mul3A_17 = arith.muli %add3A, %mul3A_16 : i32
    "tpu.region"() ({
      %run_scoped3A_140 = tpu.sem_alloc : memref<!tpu.dma_semaphore, #tpu.memory_space<semaphore_mem>>
      %dma_start3A_141 = tpu.memref_slice %arg3[%mul3A_17] : memref<320000xi32, #tpu.memory_space<hbm>> -> memref<10000xi32, #tpu.memory_space<hbm>>
      %dma_start3A_142 = tpu.memref_slice %arg3[%mul3A_17] : memref<320000xi32, #tpu.memory_space<hbm>> -> memref<10000xi32, #tpu.memory_space<hbm>>
      tpu.enqueue_dma source(%dma_start3A_142 : memref<10000xi32, #tpu.memory_space<hbm>>) target(%arg6 : memref<10000xi32, #tpu.memory_space<vmem>>) target_semaphore(%run_scoped3A_140 : memref<!tpu.dma_semaphore, #tpu.memory_space<semaphore_mem>>)
      %dma_wait3A_143 = tpu.memref_slice %arg3[%mul3A_17] : memref<320000xi32, #tpu.memory_space<hbm>> -> memref<10000xi32, #tpu.memory_space<hbm>>
      %dma_wait3A_144 = tpu.memref_slice %arg3[%mul3A_17] : memref<320000xi32, #tpu.memory_space<hbm>> -> memref<10000xi32, #tpu.memory_space<hbm>>
      tpu.wait_dma2 semaphore(%run_scoped3A_140 : memref<!tpu.dma_semaphore, #tpu.memory_space<semaphore_mem>>) src(%dma_wait3A_144 : memref<10000xi32, #tpu.memory_space<hbm>>) dst(%arg6 : memref<10000xi32, #tpu.memory_space<vmem>>)
      tpu.yield
    }) : () -> ()
    %dma_start3A = arith.constant 0 : i32
    %dma_start3A_18 = arith.constant 0 : i32
    %dma_start3A_19 = arith.constant 0 : i32
    %dma_start3A_20 = tpu.memref_slice %arg8[%dma_start3A, %dma_start3A_18, %dma_start3A_19] : memref<3x80x128xf32, #tpu.memory_space<vmem>> -> memref<1x80x128xf32, #tpu.memory_space<vmem>>
    %dma_start3A_21 = tpu.memref_squeeze %dma_start3A_20 : memref<1x80x128xf32, #tpu.memory_space<vmem>> -> memref<80x128xf32, #tpu.memory_space<vmem>>
    %dma_start3A_22 = arith.constant 0 : i32
    %dma_start3A_23 = tpu.memref_slice %arg6[%dma_start3A_22] : memref<10000xi32, #tpu.memory_space<vmem>> -> memref<80xi32, #tpu.memory_space<vmem>>
    %dma_start3A_24 = arith.constant 0 : i32
    %dma_start3A_25 = arith.constant 0 : i32
    %dma_start3A_26 = tpu.memref_slice %arg2[%dma_start3A_24, %dma_start3A_25] : memref<10000x128xf32, #tpu.memory_space<hbm>> -> memref<10000x128xf32, #tpu.memory_space<hbm>>
    tpu.enqueue_indirect_dma source(%dma_start3A_26 : memref<10000x128xf32, #tpu.memory_space<hbm>>) target(%dma_start3A_21 : memref<80x128xf32, #tpu.memory_space<vmem>>) offsets(%dma_start3A_23 : memref<80xi32, #tpu.memory_space<vmem>>) semaphore(%arg10 : memref<!tpu.dma_semaphore, #tpu.memory_space<semaphore_mem>>)
    %add3A_27 = arith.constant 0 : i32
    %add3A_28 = arith.addi %mul3A_17, %add3A_27 : i32
    %dma_start3A_29 = arith.constant 0 : i32
    %dma_start3A_30 = arith.constant 0 : i32
    %dma_start3A_31 = tpu.memref_slice %arg7[%dma_start3A_29, %dma_start3A_30] : memref<3x80xi32, #tpu.memory_space<vmem>> -> memref<1x80xi32, #tpu.memory_space<vmem>>
    %dma_start3A_32 = tpu.memref_squeeze %dma_start3A_31 : memref<1x80xi32, #tpu.memory_space<vmem>> -> memref<80xi32, #tpu.memory_space<vmem>>
    %dma_start3A_33 = tpu.memref_slice %arg4[%add3A_28] : memref<320000xi32, #tpu.memory_space<hbm>> -> memref<80xi32, #tpu.memory_space<hbm>>
    %dma_start3A_34 = arith.constant 0 : i32
    %dma_start3A_35 = tpu.memref_slice %arg7[%dma_start3A_29, %dma_start3A_34] : memref<3x80xi32, #tpu.memory_space<vmem>> -> memref<1x80xi32, #tpu.memory_space<vmem>>
    %dma_start3A_36 = tpu.memref_squeeze %dma_start3A_35 : memref<1x80xi32, #tpu.memory_space<vmem>> -> memref<80xi32, #tpu.memory_space<vmem>>
    %dma_start3A_37 = tpu.memref_slice %arg4[%add3A_28] : memref<320000xi32, #tpu.memory_space<hbm>> -> memref<80xi32, #tpu.memory_space<hbm>>
    tpu.enqueue_dma source(%dma_start3A_37 : memref<80xi32, #tpu.memory_space<hbm>>) target(%dma_start3A_36 : memref<80xi32, #tpu.memory_space<vmem>>) target_semaphore(%arg13 : memref<!tpu.dma_semaphore, #tpu.memory_space<semaphore_mem>>)
    %dma_start3A_38 = arith.constant 1 : i32
    %dma_start3A_39 = arith.constant 0 : i32
    %dma_start3A_40 = arith.constant 0 : i32
    %dma_start3A_41 = tpu.memref_slice %arg8[%dma_start3A_38, %dma_start3A_39, %dma_start3A_40] : memref<3x80x128xf32, #tpu.memory_space<vmem>> -> memref<1x80x128xf32, #tpu.memory_space<vmem>>
    %dma_start3A_42 = tpu.memref_squeeze %dma_start3A_41 : memref<1x80x128xf32, #tpu.memory_space<vmem>> -> memref<80x128xf32, #tpu.memory_space<vmem>>
    %dma_start3A_43 = arith.constant 80 : i32
    %dma_start3A_44 = tpu.memref_slice %arg6[%dma_start3A_43] : memref<10000xi32, #tpu.memory_space<vmem>> -> memref<80xi32, #tpu.memory_space<vmem>>
    %dma_start3A_45 = arith.constant 0 : i32
    %dma_start3A_46 = arith.constant 0 : i32
    %dma_start3A_47 = tpu.memref_slice %arg2[%dma_start3A_45, %dma_start3A_46] : memref<10000x128xf32, #tpu.memory_space<hbm>> -> memref<10000x128xf32, #tpu.memory_space<hbm>>
    tpu.enqueue_indirect_dma source(%dma_start3A_47 : memref<10000x128xf32, #tpu.memory_space<hbm>>) target(%dma_start3A_42 : memref<80x128xf32, #tpu.memory_space<vmem>>) offsets(%dma_start3A_44 : memref<80xi32, #tpu.memory_space<vmem>>) semaphore(%arg11 : memref<!tpu.dma_semaphore, #tpu.memory_space<semaphore_mem>>)
    %add3A_48 = arith.constant 80 : i32
    %add3A_49 = arith.addi %mul3A_17, %add3A_48 : i32
    %dma_start3A_50 = arith.constant 1 : i32
    %dma_start3A_51 = arith.constant 0 : i32
    %dma_start3A_52 = tpu.memref_slice %arg7[%dma_start3A_50, %dma_start3A_51] : memref<3x80xi32, #tpu.memory_space<vmem>> -> memref<1x80xi32, #tpu.memory_space<vmem>>
    %dma_start3A_53 = tpu.memref_squeeze %dma_start3A_52 : memref<1x80xi32, #tpu.memory_space<vmem>> -> memref<80xi32, #tpu.memory_space<vmem>>
    %dma_start3A_54 = tpu.memref_slice %arg4[%add3A_49] : memref<320000xi32, #tpu.memory_space<hbm>> -> memref<80xi32, #tpu.memory_space<hbm>>
    %dma_start3A_55 = arith.constant 0 : i32
    %dma_start3A_56 = tpu.memref_slice %arg7[%dma_start3A_50, %dma_start3A_55] : memref<3x80xi32, #tpu.memory_space<vmem>> -> memref<1x80xi32, #tpu.memory_space<vmem>>
    %dma_start3A_57 = tpu.memref_squeeze %dma_start3A_56 : memref<1x80xi32, #tpu.memory_space<vmem>> -> memref<80xi32, #tpu.memory_space<vmem>>
    %dma_start3A_58 = tpu.memref_slice %arg4[%add3A_49] : memref<320000xi32, #tpu.memory_space<hbm>> -> memref<80xi32, #tpu.memory_space<hbm>>
    tpu.enqueue_dma source(%dma_start3A_58 : memref<80xi32, #tpu.memory_space<hbm>>) target(%dma_start3A_57 : memref<80xi32, #tpu.memory_space<vmem>>) target_semaphore(%arg14 : memref<!tpu.dma_semaphore, #tpu.memory_space<semaphore_mem>>)
    %dma_start3A_59 = arith.constant 2 : i32
    %dma_start3A_60 = arith.constant 0 : i32
    %dma_start3A_61 = arith.constant 0 : i32
    %dma_start3A_62 = tpu.memref_slice %arg8[%dma_start3A_59, %dma_start3A_60, %dma_start3A_61] : memref<3x80x128xf32, #tpu.memory_space<vmem>> -> memref<1x80x128xf32, #tpu.memory_space<vmem>>
    %dma_start3A_63 = tpu.memref_squeeze %dma_start3A_62 : memref<1x80x128xf32, #tpu.memory_space<vmem>> -> memref<80x128xf32, #tpu.memory_space<vmem>>
    %dma_start3A_64 = arith.constant 160 : i32
    %dma_start3A_65 = tpu.memref_slice %arg6[%dma_start3A_64] : memref<10000xi32, #tpu.memory_space<vmem>> -> memref<80xi32, #tpu.memory_space<vmem>>
    %dma_start3A_66 = arith.constant 0 : i32
    %dma_start3A_67 = arith.constant 0 : i32
    %dma_start3A_68 = tpu.memref_slice %arg2[%dma_start3A_66, %dma_start3A_67] : memref<10000x128xf32, #tpu.memory_space<hbm>> -> memref<10000x128xf32, #tpu.memory_space<hbm>>
    tpu.enqueue_indirect_dma source(%dma_start3A_68 : memref<10000x128xf32, #tpu.memory_space<hbm>>) target(%dma_start3A_63 : memref<80x128xf32, #tpu.memory_space<vmem>>) offsets(%dma_start3A_65 : memref<80xi32, #tpu.memory_space<vmem>>) semaphore(%arg12 : memref<!tpu.dma_semaphore, #tpu.memory_space<semaphore_mem>>)
    %add3A_69 = arith.constant 160 : i32
    %add3A_70 = arith.addi %mul3A_17, %add3A_69 : i32
    %dma_start3A_71 = arith.constant 2 : i32
    %dma_start3A_72 = arith.constant 0 : i32
    %dma_start3A_73 = tpu.memref_slice %arg7[%dma_start3A_71, %dma_start3A_72] : memref<3x80xi32, #tpu.memory_space<vmem>> -> memref<1x80xi32, #tpu.memory_space<vmem>>
    %dma_start3A_74 = tpu.memref_squeeze %dma_start3A_73 : memref<1x80xi32, #tpu.memory_space<vmem>> -> memref<80xi32, #tpu.memory_space<vmem>>
    %dma_start3A_75 = tpu.memref_slice %arg4[%add3A_70] : memref<320000xi32, #tpu.memory_space<hbm>> -> memref<80xi32, #tpu.memory_space<hbm>>
    %dma_start3A_76 = arith.constant 0 : i32
    %dma_start3A_77 = tpu.memref_slice %arg7[%dma_start3A_71, %dma_start3A_76] : memref<3x80xi32, #tpu.memory_space<vmem>> -> memref<1x80xi32, #tpu.memory_space<vmem>>
    %dma_start3A_78 = tpu.memref_squeeze %dma_start3A_77 : memref<1x80xi32, #tpu.memory_space<vmem>> -> memref<80xi32, #tpu.memory_space<vmem>>
    %dma_start3A_79 = tpu.memref_slice %arg4[%add3A_70] : memref<320000xi32, #tpu.memory_space<hbm>> -> memref<80xi32, #tpu.memory_space<hbm>>
    tpu.enqueue_dma source(%dma_start3A_79 : memref<80xi32, #tpu.memory_space<hbm>>) target(%dma_start3A_78 : memref<80xi32, #tpu.memory_space<vmem>>) target_semaphore(%arg15 : memref<!tpu.dma_semaphore, #tpu.memory_space<semaphore_mem>>)
    %barrier3A = arith.constant 0 : index
    tpu.barrier barrier_id(%barrier3A)
    %scan3A_80 = arith.constant 0 : i32
    %scan3A_81 = arith.constant 0 : i32
    %scan3A_82 = arith.constant 41 : i32
    %scan3A_83 = arith.addi %scan3A_81, %scan3A_82 : i32
    %scan3A_84 = arith.constant 1 : i32
    %scan3A_85 = scf.for %scan3A_140 = %scan3A_81 to %scan3A_83 step %scan3A_84 iter_args(%scan3A_141 = %scan3A_80) -> (i32)  : i32 {
      %mul3A_142 = arith.constant 3 : i32
      %mul3A_143 = arith.muli %scan3A_140, %mul3A_142 : i32
      %add3A_144 = arith.constant 0 : i32
      %add3A_145 = arith.addi %mul3A_143, %add3A_144 : i32
      %dma_wait3A_146 = arith.constant 0 : i32
      %dma_wait3A_147 = arith.constant 0 : i32
      %dma_wait3A_148 = arith.constant 0 : i32
      %dma_wait3A_149 = tpu.memref_slice %arg8[%dma_wait3A_146, %dma_wait3A_147, %dma_wait3A_148] : memref<3x80x128xf32, #tpu.memory_space<vmem>> -> memref<1x80x128xf32, #tpu.memory_space<vmem>>
      %dma_wait3A_150 = tpu.memref_squeeze %dma_wait3A_149 : memref<1x80x128xf32, #tpu.memory_space<vmem>> -> memref<80x128xf32, #tpu.memory_space<vmem>>
      %dma_wait3A_151 = arith.constant 0 : i32
      %dma_wait3A_152 = tpu.memref_slice %arg6[%dma_wait3A_151] : memref<10000xi32, #tpu.memory_space<vmem>> -> memref<80xi32, #tpu.memory_space<vmem>>
      %dma_wait3A_153 = arith.constant 0 : i32
      %dma_wait3A_154 = arith.constant 0 : i32
      %dma_wait3A_155 = tpu.memref_slice %arg2[%dma_wait3A_153, %dma_wait3A_154] : memref<10000x128xf32, #tpu.memory_space<hbm>> -> memref<10000x128xf32, #tpu.memory_space<hbm>>
      tpu.wait_indirect_dma semaphore(%arg10 : memref<!tpu.dma_semaphore, #tpu.memory_space<semaphore_mem>>) src(%dma_wait3A_155 : memref<10000x128xf32, #tpu.memory_space<hbm>>) dst(%dma_wait3A_150 : memref<80x128xf32, #tpu.memory_space<vmem>>)
      %dma_wait3A_156 = arith.constant 0 : i32
      %dma_wait3A_157 = arith.constant 0 : i32
      %dma_wait3A_158 = tpu.memref_slice %arg7[%dma_wait3A_156, %dma_wait3A_157] : memref<3x80xi32, #tpu.memory_space<vmem>> -> memref<1x80xi32, #tpu.memory_space<vmem>>
      %dma_wait3A_159 = tpu.memref_squeeze %dma_wait3A_158 : memref<1x80xi32, #tpu.memory_space<vmem>> -> memref<80xi32, #tpu.memory_space<vmem>>
      %dma_wait3A_160 = arith.constant 0 : i32
      %dma_wait3A_161 = tpu.memref_slice %arg4[%dma_wait3A_160] : memref<320000xi32, #tpu.memory_space<hbm>> -> memref<80xi32, #tpu.memory_space<hbm>>
      %dma_wait3A_162 = arith.constant 0 : i32
      %dma_wait3A_163 = tpu.memref_slice %arg7[%dma_wait3A_156, %dma_wait3A_162] : memref<3x80xi32, #tpu.memory_space<vmem>> -> memref<1x80xi32, #tpu.memory_space<vmem>>
      %dma_wait3A_164 = tpu.memref_squeeze %dma_wait3A_163 : memref<1x80xi32, #tpu.memory_space<vmem>> -> memref<80xi32, #tpu.memory_space<vmem>>
      %dma_wait3A_165 = arith.constant 0 : i32
      %dma_wait3A_166 = tpu.memref_slice %arg4[%dma_wait3A_165] : memref<320000xi32, #tpu.memory_space<hbm>> -> memref<80xi32, #tpu.memory_space<hbm>>
      tpu.wait_dma2 semaphore(%arg13 : memref<!tpu.dma_semaphore, #tpu.memory_space<semaphore_mem>>) src(%dma_wait3A_166 : memref<80xi32, #tpu.memory_space<hbm>>) dst(%dma_wait3A_164 : memref<80xi32, #tpu.memory_space<vmem>>)
      %run_scoped3A_167 = arith.constant 0 : i32
      %run_scoped3A_168 = arith.constant 0 : i32
      "tpu.region"() ({
        %run_scoped3A_242 = tpu.sem_alloc : memref<!tpu.dma_semaphore, #tpu.memory_space<semaphore_mem>>
        %dma_start3A_243 = arith.constant 0 : i32
        %dma_start3A_244 = arith.constant 0 : i32
        %dma_start3A_245 = tpu.memref_slice %arg8[%run_scoped3A_167, %dma_start3A_243, %dma_start3A_244] : memref<3x80x128xf32, #tpu.memory_space<vmem>> -> memref<1x80x128xf32, #tpu.memory_space<vmem>>
        %dma_start3A_246 = tpu.memref_squeeze %dma_start3A_245 : memref<1x80x128xf32, #tpu.memory_space<vmem>> -> memref<80x128xf32, #tpu.memory_space<vmem>>
        %dma_start3A_247 = arith.constant 0 : i32
        %dma_start3A_248 = tpu.memref_slice %arg7[%run_scoped3A_168, %dma_start3A_247] : memref<3x80xi32, #tpu.memory_space<vmem>> -> memref<1x80xi32, #tpu.memory_space<vmem>>
        %dma_start3A_249 = tpu.memref_squeeze %dma_start3A_248 : memref<1x80xi32, #tpu.memory_space<vmem>> -> memref<80xi32, #tpu.memory_space<vmem>>
        %dma_start3A_250 = arith.constant 0 : i32
        %dma_start3A_251 = arith.constant 0 : i32
        %dma_start3A_252 = tpu.memref_slice %arg9[%dma_start3A_250, %dma_start3A_251] : memref<10000x128xf32, #tpu.memory_space<vmem_shared>> -> memref<10000x128xf32, #tpu.memory_space<vmem_shared>>
        tpu.enqueue_indirect_dma source(%dma_start3A_246 : memref<80x128xf32, #tpu.memory_space<vmem>>) target(%dma_start3A_252 : memref<10000x128xf32, #tpu.memory_space<vmem_shared>>) offsets(%dma_start3A_249 : memref<80xi32, #tpu.memory_space<vmem>>) semaphore(%run_scoped3A_242 : memref<!tpu.dma_semaphore, #tpu.memory_space<semaphore_mem>>) {add = true}
        %dma_wait3A_253 = arith.constant 0 : i32
        %dma_wait3A_254 = arith.constant 0 : i32
        %dma_wait3A_255 = tpu.memref_slice %arg8[%run_scoped3A_167, %dma_wait3A_253, %dma_wait3A_254] : memref<3x80x128xf32, #tpu.memory_space<vmem>> -> memref<1x80x128xf32, #tpu.memory_space<vmem>>
        %dma_wait3A_256 = tpu.memref_squeeze %dma_wait3A_255 : memref<1x80x128xf32, #tpu.memory_space<vmem>> -> memref<80x128xf32, #tpu.memory_space<vmem>>
        %dma_wait3A_257 = arith.constant 0 : i32
        %dma_wait3A_258 = tpu.memref_slice %arg7[%run_scoped3A_168, %dma_wait3A_257] : memref<3x80xi32, #tpu.memory_space<vmem>> -> memref<1x80xi32, #tpu.memory_space<vmem>>
        %dma_wait3A_259 = tpu.memref_squeeze %dma_wait3A_258 : memref<1x80xi32, #tpu.memory_space<vmem>> -> memref<80xi32, #tpu.memory_space<vmem>>
        %dma_wait3A_260 = arith.constant 0 : i32
        %dma_wait3A_261 = arith.constant 0 : i32
        %dma_wait3A_262 = tpu.memref_slice %arg9[%dma_wait3A_260, %dma_wait3A_261] : memref<10000x128xf32, #tpu.memory_space<vmem_shared>> -> memref<10000x128xf32, #tpu.memory_space<vmem_shared>>
        tpu.wait_indirect_dma semaphore(%run_scoped3A_242 : memref<!tpu.dma_semaphore, #tpu.memory_space<semaphore_mem>>) src(%dma_wait3A_256 : memref<80x128xf32, #tpu.memory_space<vmem>>) dst(%dma_wait3A_262 : memref<10000x128xf32, #tpu.memory_space<vmem_shared>>)
        tpu.yield
      }) : () -> ()
      %add3A_169 = arith.constant 3 : i32
      %add3A_170 = arith.addi %add3A_145, %add3A_169 : i32
      %lt3A = arith.constant 125 : i32
      %lt3A_171 = arith.cmpi slt, %add3A_170, %lt3A : i32
      %convert_element_type3A = arith.extui %lt3A_171 : i1 to i32
      %cond3A = arith.constant 0 : i32
      %cond3A_172 = arith.cmpi ne, %convert_element_type3A, %cond3A : i32
      scf.if %cond3A_172 {
        %add3A_242 = arith.constant 3 : i32
        %add3A_243 = arith.addi %add3A_145, %add3A_242 : i32
        %mul3A_244 = arith.constant 80 : i32
        %mul3A_245 = arith.muli %add3A_243, %mul3A_244 : i32
        %dma_start3A_246 = arith.constant 0 : i32
        %dma_start3A_247 = arith.constant 0 : i32
        %dma_start3A_248 = arith.constant 0 : i32
        %dma_start3A_249 = tpu.memref_slice %arg8[%dma_start3A_246, %dma_start3A_247, %dma_start3A_248] : memref<3x80x128xf32, #tpu.memory_space<vmem>> -> memref<1x80x128xf32, #tpu.memory_space<vmem>>
        %dma_start3A_250 = tpu.memref_squeeze %dma_start3A_249 : memref<1x80x128xf32, #tpu.memory_space<vmem>> -> memref<80x128xf32, #tpu.memory_space<vmem>>
        %dma_start3A_251 = tpu.memref_slice %arg6[%mul3A_245] : memref<10000xi32, #tpu.memory_space<vmem>> -> memref<80xi32, #tpu.memory_space<vmem>>
        %dma_start3A_252 = arith.constant 0 : i32
        %dma_start3A_253 = arith.constant 0 : i32
        %dma_start3A_254 = tpu.memref_slice %arg2[%dma_start3A_252, %dma_start3A_253] : memref<10000x128xf32, #tpu.memory_space<hbm>> -> memref<10000x128xf32, #tpu.memory_space<hbm>>
        tpu.enqueue_indirect_dma source(%dma_start3A_254 : memref<10000x128xf32, #tpu.memory_space<hbm>>) target(%dma_start3A_250 : memref<80x128xf32, #tpu.memory_space<vmem>>) offsets(%dma_start3A_251 : memref<80xi32, #tpu.memory_space<vmem>>) semaphore(%arg10 : memref<!tpu.dma_semaphore, #tpu.memory_space<semaphore_mem>>)
        %add3A_255 = arith.constant 3 : i32
        %add3A_256 = arith.addi %add3A_145, %add3A_255 : i32
        %mul3A_257 = arith.constant 80 : i32
        %mul3A_258 = arith.muli %add3A_256, %mul3A_257 : i32
        %add3A_259 = arith.addi %mul3A_17, %mul3A_258 : i32
        %dma_start3A_260 = arith.constant 0 : i32
        %dma_start3A_261 = arith.constant 0 : i32
        %dma_start3A_262 = tpu.memref_slice %arg7[%dma_start3A_260, %dma_start3A_261] : memref<3x80xi32, #tpu.memory_space<vmem>> -> memref<1x80xi32, #tpu.memory_space<vmem>>
        %dma_start3A_263 = tpu.memref_squeeze %dma_start3A_262 : memref<1x80xi32, #tpu.memory_space<vmem>> -> memref<80xi32, #tpu.memory_space<vmem>>
        %dma_start3A_264 = tpu.memref_slice %arg4[%add3A_259] : memref<320000xi32, #tpu.memory_space<hbm>> -> memref<80xi32, #tpu.memory_space<hbm>>
        %dma_start3A_265 = arith.constant 0 : i32
        %dma_start3A_266 = tpu.memref_slice %arg7[%dma_start3A_260, %dma_start3A_265] : memref<3x80xi32, #tpu.memory_space<vmem>> -> memref<1x80xi32, #tpu.memory_space<vmem>>
        %dma_start3A_267 = tpu.memref_squeeze %dma_start3A_266 : memref<1x80xi32, #tpu.memory_space<vmem>> -> memref<80xi32, #tpu.memory_space<vmem>>
        %dma_start3A_268 = tpu.memref_slice %arg4[%add3A_259] : memref<320000xi32, #tpu.memory_space<hbm>> -> memref<80xi32, #tpu.memory_space<hbm>>
        tpu.enqueue_dma source(%dma_start3A_268 : memref<80xi32, #tpu.memory_space<hbm>>) target(%dma_start3A_267 : memref<80xi32, #tpu.memory_space<vmem>>) target_semaphore(%arg13 : memref<!tpu.dma_semaphore, #tpu.memory_space<semaphore_mem>>)
      } else {
      }
      %mul3A_173 = arith.constant 3 : i32
      %mul3A_174 = arith.muli %scan3A_140, %mul3A_173 : i32
      %add3A_175 = arith.constant 1 : i32
      %add3A_176 = arith.addi %mul3A_174, %add3A_175 : i32
      %dma_wait3A_177 = arith.constant 1 : i32
      %dma_wait3A_178 = arith.constant 0 : i32
      %dma_wait3A_179 = arith.constant 0 : i32
      %dma_wait3A_180 = tpu.memref_slice %arg8[%dma_wait3A_177, %dma_wait3A_178, %dma_wait3A_179] : memref<3x80x128xf32, #tpu.memory_space<vmem>> -> memref<1x80x128xf32, #tpu.memory_space<vmem>>
      %dma_wait3A_181 = tpu.memref_squeeze %dma_wait3A_180 : memref<1x80x128xf32, #tpu.memory_space<vmem>> -> memref<80x128xf32, #tpu.memory_space<vmem>>
      %dma_wait3A_182 = arith.constant 0 : i32
      %dma_wait3A_183 = tpu.memref_slice %arg6[%dma_wait3A_182] : memref<10000xi32, #tpu.memory_space<vmem>> -> memref<80xi32, #tpu.memory_space<vmem>>
      %dma_wait3A_184 = arith.constant 0 : i32
      %dma_wait3A_185 = arith.constant 0 : i32
      %dma_wait3A_186 = tpu.memref_slice %arg2[%dma_wait3A_184, %dma_wait3A_185] : memref<10000x128xf32, #tpu.memory_space<hbm>> -> memref<10000x128xf32, #tpu.memory_space<hbm>>
      tpu.wait_indirect_dma semaphore(%arg11 : memref<!tpu.dma_semaphore, #tpu.memory_space<semaphore_mem>>) src(%dma_wait3A_186 : memref<10000x128xf32, #tpu.memory_space<hbm>>) dst(%dma_wait3A_181 : memref<80x128xf32, #tpu.memory_space<vmem>>)
      %dma_wait3A_187 = arith.constant 1 : i32
      %dma_wait3A_188 = arith.constant 0 : i32
      %dma_wait3A_189 = tpu.memref_slice %arg7[%dma_wait3A_187, %dma_wait3A_188] : memref<3x80xi32, #tpu.memory_space<vmem>> -> memref<1x80xi32, #tpu.memory_space<vmem>>
      %dma_wait3A_190 = tpu.memref_squeeze %dma_wait3A_189 : memref<1x80xi32, #tpu.memory_space<vmem>> -> memref<80xi32, #tpu.memory_space<vmem>>
      %dma_wait3A_191 = arith.constant 0 : i32
      %dma_wait3A_192 = tpu.memref_slice %arg4[%dma_wait3A_191] : memref<320000xi32, #tpu.memory_space<hbm>> -> memref<80xi32, #tpu.memory_space<hbm>>
      %dma_wait3A_193 = arith.constant 0 : i32
      %dma_wait3A_194 = tpu.memref_slice %arg7[%dma_wait3A_187, %dma_wait3A_193] : memref<3x80xi32, #tpu.memory_space<vmem>> -> memref<1x80xi32, #tpu.memory_space<vmem>>
      %dma_wait3A_195 = tpu.memref_squeeze %dma_wait3A_194 : memref<1x80xi32, #tpu.memory_space<vmem>> -> memref<80xi32, #tpu.memory_space<vmem>>
      %dma_wait3A_196 = arith.constant 0 : i32
      %dma_wait3A_197 = tpu.memref_slice %arg4[%dma_wait3A_196] : memref<320000xi32, #tpu.memory_space<hbm>> -> memref<80xi32, #tpu.memory_space<hbm>>
      tpu.wait_dma2 semaphore(%arg14 : memref<!tpu.dma_semaphore, #tpu.memory_space<semaphore_mem>>) src(%dma_wait3A_197 : memref<80xi32, #tpu.memory_space<hbm>>) dst(%dma_wait3A_195 : memref<80xi32, #tpu.memory_space<vmem>>)
      %run_scoped3A_198 = arith.constant 1 : i32
      %run_scoped3A_199 = arith.constant 1 : i32
      "tpu.region"() ({
        %run_scoped3A_242 = tpu.sem_alloc : memref<!tpu.dma_semaphore, #tpu.memory_space<semaphore_mem>>
        %dma_start3A_243 = arith.constant 0 : i32
        %dma_start3A_244 = arith.constant 0 : i32
        %dma_start3A_245 = tpu.memref_slice %arg8[%run_scoped3A_198, %dma_start3A_243, %dma_start3A_244] : memref<3x80x128xf32, #tpu.memory_space<vmem>> -> memref<1x80x128xf32, #tpu.memory_space<vmem>>
        %dma_start3A_246 = tpu.memref_squeeze %dma_start3A_245 : memref<1x80x128xf32, #tpu.memory_space<vmem>> -> memref<80x128xf32, #tpu.memory_space<vmem>>
        %dma_start3A_247 = arith.constant 0 : i32
        %dma_start3A_248 = tpu.memref_slice %arg7[%run_scoped3A_199, %dma_start3A_247] : memref<3x80xi32, #tpu.memory_space<vmem>> -> memref<1x80xi32, #tpu.memory_space<vmem>>
        %dma_start3A_249 = tpu.memref_squeeze %dma_start3A_248 : memref<1x80xi32, #tpu.memory_space<vmem>> -> memref<80xi32, #tpu.memory_space<vmem>>
        %dma_start3A_250 = arith.constant 0 : i32
        %dma_start3A_251 = arith.constant 0 : i32
        %dma_start3A_252 = tpu.memref_slice %arg9[%dma_start3A_250, %dma_start3A_251] : memref<10000x128xf32, #tpu.memory_space<vmem_shared>> -> memref<10000x128xf32, #tpu.memory_space<vmem_shared>>
        tpu.enqueue_indirect_dma source(%dma_start3A_246 : memref<80x128xf32, #tpu.memory_space<vmem>>) target(%dma_start3A_252 : memref<10000x128xf32, #tpu.memory_space<vmem_shared>>) offsets(%dma_start3A_249 : memref<80xi32, #tpu.memory_space<vmem>>) semaphore(%run_scoped3A_242 : memref<!tpu.dma_semaphore, #tpu.memory_space<semaphore_mem>>) {add = true}
        %dma_wait3A_253 = arith.constant 0 : i32
        %dma_wait3A_254 = arith.constant 0 : i32
        %dma_wait3A_255 = tpu.memref_slice %arg8[%run_scoped3A_198, %dma_wait3A_253, %dma_wait3A_254] : memref<3x80x128xf32, #tpu.memory_space<vmem>> -> memref<1x80x128xf32, #tpu.memory_space<vmem>>
        %dma_wait3A_256 = tpu.memref_squeeze %dma_wait3A_255 : memref<1x80x128xf32, #tpu.memory_space<vmem>> -> memref<80x128xf32, #tpu.memory_space<vmem>>
        %dma_wait3A_257 = arith.constant 0 : i32
        %dma_wait3A_258 = tpu.memref_slice %arg7[%run_scoped3A_199, %dma_wait3A_257] : memref<3x80xi32, #tpu.memory_space<vmem>> -> memref<1x80xi32, #tpu.memory_space<vmem>>
        %dma_wait3A_259 = tpu.memref_squeeze %dma_wait3A_258 : memref<1x80xi32, #tpu.memory_space<vmem>> -> memref<80xi32, #tpu.memory_space<vmem>>
        %dma_wait3A_260 = arith.constant 0 : i32
        %dma_wait3A_261 = arith.constant 0 : i32
        %dma_wait3A_262 = tpu.memref_slice %arg9[%dma_wait3A_260, %dma_wait3A_261] : memref<10000x128xf32, #tpu.memory_space<vmem_shared>> -> memref<10000x128xf32, #tpu.memory_space<vmem_shared>>
        tpu.wait_indirect_dma semaphore(%run_scoped3A_242 : memref<!tpu.dma_semaphore, #tpu.memory_space<semaphore_mem>>) src(%dma_wait3A_256 : memref<80x128xf32, #tpu.memory_space<vmem>>) dst(%dma_wait3A_262 : memref<10000x128xf32, #tpu.memory_space<vmem_shared>>)
        tpu.yield
      }) : () -> ()
      %add3A_200 = arith.constant 3 : i32
      %add3A_201 = arith.addi %add3A_176, %add3A_200 : i32
      %lt3A_202 = arith.constant 125 : i32
      %lt3A_203 = arith.cmpi slt, %add3A_201, %lt3A_202 : i32
      %convert_element_type3A_204 = arith.extui %lt3A_203 : i1 to i32
      %cond3A_205 = arith.constant 0 : i32
      %cond3A_206 = arith.cmpi ne, %convert_element_type3A_204, %cond3A_205 : i32
      scf.if %cond3A_206 {
        %add3A_242 = arith.constant 3 : i32
        %add3A_243 = arith.addi %add3A_176, %add3A_242 : i32
        %mul3A_244 = arith.constant 80 : i32
        %mul3A_245 = arith.muli %add3A_243, %mul3A_244 : i32
        %dma_start3A_246 = arith.constant 1 : i32
        %dma_start3A_247 = arith.constant 0 : i32
        %dma_start3A_248 = arith.constant 0 : i32
        %dma_start3A_249 = tpu.memref_slice %arg8[%dma_start3A_246, %dma_start3A_247, %dma_start3A_248] : memref<3x80x128xf32, #tpu.memory_space<vmem>> -> memref<1x80x128xf32, #tpu.memory_space<vmem>>
        %dma_start3A_250 = tpu.memref_squeeze %dma_start3A_249 : memref<1x80x128xf32, #tpu.memory_space<vmem>> -> memref<80x128xf32, #tpu.memory_space<vmem>>
        %dma_start3A_251 = tpu.memref_slice %arg6[%mul3A_245] : memref<10000xi32, #tpu.memory_space<vmem>> -> memref<80xi32, #tpu.memory_space<vmem>>
        %dma_start3A_252 = arith.constant 0 : i32
        %dma_start3A_253 = arith.constant 0 : i32
        %dma_start3A_254 = tpu.memref_slice %arg2[%dma_start3A_252, %dma_start3A_253] : memref<10000x128xf32, #tpu.memory_space<hbm>> -> memref<10000x128xf32, #tpu.memory_space<hbm>>
        tpu.enqueue_indirect_dma source(%dma_start3A_254 : memref<10000x128xf32, #tpu.memory_space<hbm>>) target(%dma_start3A_250 : memref<80x128xf32, #tpu.memory_space<vmem>>) offsets(%dma_start3A_251 : memref<80xi32, #tpu.memory_space<vmem>>) semaphore(%arg11 : memref<!tpu.dma_semaphore, #tpu.memory_space<semaphore_mem>>)
        %add3A_255 = arith.constant 3 : i32
        %add3A_256 = arith.addi %add3A_176, %add3A_255 : i32
        %mul3A_257 = arith.constant 80 : i32
        %mul3A_258 = arith.muli %add3A_256, %mul3A_257 : i32
        %add3A_259 = arith.addi %mul3A_17, %mul3A_258 : i32
        %dma_start3A_260 = arith.constant 1 : i32
        %dma_start3A_261 = arith.constant 0 : i32
        %dma_start3A_262 = tpu.memref_slice %arg7[%dma_start3A_260, %dma_start3A_261] : memref<3x80xi32, #tpu.memory_space<vmem>> -> memref<1x80xi32, #tpu.memory_space<vmem>>
        %dma_start3A_263 = tpu.memref_squeeze %dma_start3A_262 : memref<1x80xi32, #tpu.memory_space<vmem>> -> memref<80xi32, #tpu.memory_space<vmem>>
        %dma_start3A_264 = tpu.memref_slice %arg4[%add3A_259] : memref<320000xi32, #tpu.memory_space<hbm>> -> memref<80xi32, #tpu.memory_space<hbm>>
        %dma_start3A_265 = arith.constant 0 : i32
        %dma_start3A_266 = tpu.memref_slice %arg7[%dma_start3A_260, %dma_start3A_265] : memref<3x80xi32, #tpu.memory_space<vmem>> -> memref<1x80xi32, #tpu.memory_space<vmem>>
        %dma_start3A_267 = tpu.memref_squeeze %dma_start3A_266 : memref<1x80xi32, #tpu.memory_space<vmem>> -> memref<80xi32, #tpu.memory_space<vmem>>
        %dma_start3A_268 = tpu.memref_slice %arg4[%add3A_259] : memref<320000xi32, #tpu.memory_space<hbm>> -> memref<80xi32, #tpu.memory_space<hbm>>
        tpu.enqueue_dma source(%dma_start3A_268 : memref<80xi32, #tpu.memory_space<hbm>>) target(%dma_start3A_267 : memref<80xi32, #tpu.memory_space<vmem>>) target_semaphore(%arg14 : memref<!tpu.dma_semaphore, #tpu.memory_space<semaphore_mem>>)
      } else {
      }
      %mul3A_207 = arith.constant 3 : i32
      %mul3A_208 = arith.muli %scan3A_140, %mul3A_207 : i32
      %add3A_209 = arith.constant 2 : i32
      %add3A_210 = arith.addi %mul3A_208, %add3A_209 : i32
      %dma_wait3A_211 = arith.constant 2 : i32
      %dma_wait3A_212 = arith.constant 0 : i32
      %dma_wait3A_213 = arith.constant 0 : i32
      %dma_wait3A_214 = tpu.memref_slice %arg8[%dma_wait3A_211, %dma_wait3A_212, %dma_wait3A_213] : memref<3x80x128xf32, #tpu.memory_space<vmem>> -> memref<1x80x128xf32, #tpu.memory_space<vmem>>
      %dma_wait3A_215 = tpu.memref_squeeze %dma_wait3A_214 : memref<1x80x128xf32, #tpu.memory_space<vmem>> -> memref<80x128xf32, #tpu.memory_space<vmem>>
      %dma_wait3A_216 = arith.constant 0 : i32
      %dma_wait3A_217 = tpu.memref_slice %arg6[%dma_wait3A_216] : memref<10000xi32, #tpu.memory_space<vmem>> -> memref<80xi32, #tpu.memory_space<vmem>>
      %dma_wait3A_218 = arith.constant 0 : i32
      %dma_wait3A_219 = arith.constant 0 : i32
      %dma_wait3A_220 = tpu.memref_slice %arg2[%dma_wait3A_218, %dma_wait3A_219] : memref<10000x128xf32, #tpu.memory_space<hbm>> -> memref<10000x128xf32, #tpu.memory_space<hbm>>
      tpu.wait_indirect_dma semaphore(%arg12 : memref<!tpu.dma_semaphore, #tpu.memory_space<semaphore_mem>>) src(%dma_wait3A_220 : memref<10000x128xf32, #tpu.memory_space<hbm>>) dst(%dma_wait3A_215 : memref<80x128xf32, #tpu.memory_space<vmem>>)
      %dma_wait3A_221 = arith.constant 2 : i32
      %dma_wait3A_222 = arith.constant 0 : i32
      %dma_wait3A_223 = tpu.memref_slice %arg7[%dma_wait3A_221, %dma_wait3A_222] : memref<3x80xi32, #tpu.memory_space<vmem>> -> memref<1x80xi32, #tpu.memory_space<vmem>>
      %dma_wait3A_224 = tpu.memref_squeeze %dma_wait3A_223 : memref<1x80xi32, #tpu.memory_space<vmem>> -> memref<80xi32, #tpu.memory_space<vmem>>
      %dma_wait3A_225 = arith.constant 0 : i32
      %dma_wait3A_226 = tpu.memref_slice %arg4[%dma_wait3A_225] : memref<320000xi32, #tpu.memory_space<hbm>> -> memref<80xi32, #tpu.memory_space<hbm>>
      %dma_wait3A_227 = arith.constant 0 : i32
      %dma_wait3A_228 = tpu.memref_slice %arg7[%dma_wait3A_221, %dma_wait3A_227] : memref<3x80xi32, #tpu.memory_space<vmem>> -> memref<1x80xi32, #tpu.memory_space<vmem>>
      %dma_wait3A_229 = tpu.memref_squeeze %dma_wait3A_228 : memref<1x80xi32, #tpu.memory_space<vmem>> -> memref<80xi32, #tpu.memory_space<vmem>>
      %dma_wait3A_230 = arith.constant 0 : i32
      %dma_wait3A_231 = tpu.memref_slice %arg4[%dma_wait3A_230] : memref<320000xi32, #tpu.memory_space<hbm>> -> memref<80xi32, #tpu.memory_space<hbm>>
      tpu.wait_dma2 semaphore(%arg15 : memref<!tpu.dma_semaphore, #tpu.memory_space<semaphore_mem>>) src(%dma_wait3A_231 : memref<80xi32, #tpu.memory_space<hbm>>) dst(%dma_wait3A_229 : memref<80xi32, #tpu.memory_space<vmem>>)
      %run_scoped3A_232 = arith.constant 2 : i32
      %run_scoped3A_233 = arith.constant 2 : i32
      "tpu.region"() ({
        %run_scoped3A_242 = tpu.sem_alloc : memref<!tpu.dma_semaphore, #tpu.memory_space<semaphore_mem>>
        %dma_start3A_243 = arith.constant 0 : i32
        %dma_start3A_244 = arith.constant 0 : i32
        %dma_start3A_245 = tpu.memref_slice %arg8[%run_scoped3A_232, %dma_start3A_243, %dma_start3A_244] : memref<3x80x128xf32, #tpu.memory_space<vmem>> -> memref<1x80x128xf32, #tpu.memory_space<vmem>>
        %dma_start3A_246 = tpu.memref_squeeze %dma_start3A_245 : memref<1x80x128xf32, #tpu.memory_space<vmem>> -> memref<80x128xf32, #tpu.memory_space<vmem>>
        %dma_start3A_247 = arith.constant 0 : i32
        %dma_start3A_248 = tpu.memref_slice %arg7[%run_scoped3A_233, %dma_start3A_247] : memref<3x80xi32, #tpu.memory_space<vmem>> -> memref<1x80xi32, #tpu.memory_space<vmem>>
        %dma_start3A_249 = tpu.memref_squeeze %dma_start3A_248 : memref<1x80xi32, #tpu.memory_space<vmem>> -> memref<80xi32, #tpu.memory_space<vmem>>
        %dma_start3A_250 = arith.constant 0 : i32
        %dma_start3A_251 = arith.constant 0 : i32
        %dma_start3A_252 = tpu.memref_slice %arg9[%dma_start3A_250, %dma_start3A_251] : memref<10000x128xf32, #tpu.memory_space<vmem_shared>> -> memref<10000x128xf32, #tpu.memory_space<vmem_shared>>
        tpu.enqueue_indirect_dma source(%dma_start3A_246 : memref<80x128xf32, #tpu.memory_space<vmem>>) target(%dma_start3A_252 : memref<10000x128xf32, #tpu.memory_space<vmem_shared>>) offsets(%dma_start3A_249 : memref<80xi32, #tpu.memory_space<vmem>>) semaphore(%run_scoped3A_242 : memref<!tpu.dma_semaphore, #tpu.memory_space<semaphore_mem>>) {add = true}
        %dma_wait3A_253 = arith.constant 0 : i32
        %dma_wait3A_254 = arith.constant 0 : i32
        %dma_wait3A_255 = tpu.memref_slice %arg8[%run_scoped3A_232, %dma_wait3A_253, %dma_wait3A_254] : memref<3x80x128xf32, #tpu.memory_space<vmem>> -> memref<1x80x128xf32, #tpu.memory_space<vmem>>
        %dma_wait3A_256 = tpu.memref_squeeze %dma_wait3A_255 : memref<1x80x128xf32, #tpu.memory_space<vmem>> -> memref<80x128xf32, #tpu.memory_space<vmem>>
        %dma_wait3A_257 = arith.constant 0 : i32
        %dma_wait3A_258 = tpu.memref_slice %arg7[%run_scoped3A_233, %dma_wait3A_257] : memref<3x80xi32, #tpu.memory_space<vmem>> -> memref<1x80xi32, #tpu.memory_space<vmem>>
        %dma_wait3A_259 = tpu.memref_squeeze %dma_wait3A_258 : memref<1x80xi32, #tpu.memory_space<vmem>> -> memref<80xi32, #tpu.memory_space<vmem>>
        %dma_wait3A_260 = arith.constant 0 : i32
        %dma_wait3A_261 = arith.constant 0 : i32
        %dma_wait3A_262 = tpu.memref_slice %arg9[%dma_wait3A_260, %dma_wait3A_261] : memref<10000x128xf32, #tpu.memory_space<vmem_shared>> -> memref<10000x128xf32, #tpu.memory_space<vmem_shared>>
        tpu.wait_indirect_dma semaphore(%run_scoped3A_242 : memref<!tpu.dma_semaphore, #tpu.memory_space<semaphore_mem>>) src(%dma_wait3A_256 : memref<80x128xf32, #tpu.memory_space<vmem>>) dst(%dma_wait3A_262 : memref<10000x128xf32, #tpu.memory_space<vmem_shared>>)
        tpu.yield
      }) : () -> ()
      %add3A_234 = arith.constant 3 : i32
      %add3A_235 = arith.addi %add3A_210, %add3A_234 : i32
      %lt3A_236 = arith.constant 125 : i32
      %lt3A_237 = arith.cmpi slt, %add3A_235, %lt3A_236 : i32
      %convert_element_type3A_238 = arith.extui %lt3A_237 : i1 to i32
      %cond3A_239 = arith.constant 0 : i32
      %cond3A_240 = arith.cmpi ne, %convert_element_type3A_238, %cond3A_239 : i32
      scf.if %cond3A_240 {
        %add3A_242 = arith.constant 3 : i32
        %add3A_243 = arith.addi %add3A_210, %add3A_242 : i32
        %mul3A_244 = arith.constant 80 : i32
        %mul3A_245 = arith.muli %add3A_243, %mul3A_244 : i32
        %dma_start3A_246 = arith.constant 2 : i32
        %dma_start3A_247 = arith.constant 0 : i32
        %dma_start3A_248 = arith.constant 0 : i32
        %dma_start3A_249 = tpu.memref_slice %arg8[%dma_start3A_246, %dma_start3A_247, %dma_start3A_248] : memref<3x80x128xf32, #tpu.memory_space<vmem>> -> memref<1x80x128xf32, #tpu.memory_space<vmem>>
        %dma_start3A_250 = tpu.memref_squeeze %dma_start3A_249 : memref<1x80x128xf32, #tpu.memory_space<vmem>> -> memref<80x128xf32, #tpu.memory_space<vmem>>
        %dma_start3A_251 = tpu.memref_slice %arg6[%mul3A_245] : memref<10000xi32, #tpu.memory_space<vmem>> -> memref<80xi32, #tpu.memory_space<vmem>>
        %dma_start3A_252 = arith.constant 0 : i32
        %dma_start3A_253 = arith.constant 0 : i32
        %dma_start3A_254 = tpu.memref_slice %arg2[%dma_start3A_252, %dma_start3A_253] : memref<10000x128xf32, #tpu.memory_space<hbm>> -> memref<10000x128xf32, #tpu.memory_space<hbm>>
        tpu.enqueue_indirect_dma source(%dma_start3A_254 : memref<10000x128xf32, #tpu.memory_space<hbm>>) target(%dma_start3A_250 : memref<80x128xf32, #tpu.memory_space<vmem>>) offsets(%dma_start3A_251 : memref<80xi32, #tpu.memory_space<vmem>>) semaphore(%arg12 : memref<!tpu.dma_semaphore, #tpu.memory_space<semaphore_mem>>)
        %add3A_255 = arith.constant 3 : i32
        %add3A_256 = arith.addi %add3A_210, %add3A_255 : i32
        %mul3A_257 = arith.constant 80 : i32
        %mul3A_258 = arith.muli %add3A_256, %mul3A_257 : i32
        %add3A_259 = arith.addi %mul3A_17, %mul3A_258 : i32
        %dma_start3A_260 = arith.constant 2 : i32
        %dma_start3A_261 = arith.constant 0 : i32
        %dma_start3A_262 = tpu.memref_slice %arg7[%dma_start3A_260, %dma_start3A_261] : memref<3x80xi32, #tpu.memory_space<vmem>> -> memref<1x80xi32, #tpu.memory_space<vmem>>
        %dma_start3A_263 = tpu.memref_squeeze %dma_start3A_262 : memref<1x80xi32, #tpu.memory_space<vmem>> -> memref<80xi32, #tpu.memory_space<vmem>>
        %dma_start3A_264 = tpu.memref_slice %arg4[%add3A_259] : memref<320000xi32, #tpu.memory_space<hbm>> -> memref<80xi32, #tpu.memory_space<hbm>>
        %dma_start3A_265 = arith.constant 0 : i32
        %dma_start3A_266 = tpu.memref_slice %arg7[%dma_start3A_260, %dma_start3A_265] : memref<3x80xi32, #tpu.memory_space<vmem>> -> memref<1x80xi32, #tpu.memory_space<vmem>>
        %dma_start3A_267 = tpu.memref_squeeze %dma_start3A_266 : memref<1x80xi32, #tpu.memory_space<vmem>> -> memref<80xi32, #tpu.memory_space<vmem>>
        %dma_start3A_268 = tpu.memref_slice %arg4[%add3A_259] : memref<320000xi32, #tpu.memory_space<hbm>> -> memref<80xi32, #tpu.memory_space<hbm>>
        tpu.enqueue_dma source(%dma_start3A_268 : memref<80xi32, #tpu.memory_space<hbm>>) target(%dma_start3A_267 : memref<80xi32, #tpu.memory_space<vmem>>) target_semaphore(%arg15 : memref<!tpu.dma_semaphore, #tpu.memory_space<semaphore_mem>>)
      } else {
      }
      %scan3A_241 = arith.constant 0 : i32
      scf.yield %scan3A_241 : i32
    }
    %scan3A_86 = arith.constant 41 : i32
    %dma_wait3A = arith.constant 0 : i32
    %dma_wait3A_87 = arith.constant 0 : i32
    %dma_wait3A_88 = arith.constant 0 : i32
    %dma_wait3A_89 = tpu.memref_slice %arg8[%dma_wait3A, %dma_wait3A_87, %dma_wait3A_88] : memref<3x80x128xf32, #tpu.memory_space<vmem>> -> memref<1x80x128xf32, #tpu.memory_space<vmem>>
    %dma_wait3A_90 = tpu.memref_squeeze %dma_wait3A_89 : memref<1x80x128xf32, #tpu.memory_space<vmem>> -> memref<80x128xf32, #tpu.memory_space<vmem>>
    %dma_wait3A_91 = arith.constant 0 : i32
    %dma_wait3A_92 = tpu.memref_slice %arg6[%dma_wait3A_91] : memref<10000xi32, #tpu.memory_space<vmem>> -> memref<80xi32, #tpu.memory_space<vmem>>
    %dma_wait3A_93 = arith.constant 0 : i32
    %dma_wait3A_94 = arith.constant 0 : i32
    %dma_wait3A_95 = tpu.memref_slice %arg2[%dma_wait3A_93, %dma_wait3A_94] : memref<10000x128xf32, #tpu.memory_space<hbm>> -> memref<10000x128xf32, #tpu.memory_space<hbm>>
    tpu.wait_indirect_dma semaphore(%arg10 : memref<!tpu.dma_semaphore, #tpu.memory_space<semaphore_mem>>) src(%dma_wait3A_95 : memref<10000x128xf32, #tpu.memory_space<hbm>>) dst(%dma_wait3A_90 : memref<80x128xf32, #tpu.memory_space<vmem>>)
    %dma_wait3A_96 = arith.constant 0 : i32
    %dma_wait3A_97 = arith.constant 0 : i32
    %dma_wait3A_98 = tpu.memref_slice %arg7[%dma_wait3A_96, %dma_wait3A_97] : memref<3x80xi32, #tpu.memory_space<vmem>> -> memref<1x80xi32, #tpu.memory_space<vmem>>
    %dma_wait3A_99 = tpu.memref_squeeze %dma_wait3A_98 : memref<1x80xi32, #tpu.memory_space<vmem>> -> memref<80xi32, #tpu.memory_space<vmem>>
    %dma_wait3A_100 = arith.constant 0 : i32
    %dma_wait3A_101 = tpu.memref_slice %arg4[%dma_wait3A_100] : memref<320000xi32, #tpu.memory_space<hbm>> -> memref<80xi32, #tpu.memory_space<hbm>>
    %dma_wait3A_102 = arith.constant 0 : i32
    %dma_wait3A_103 = tpu.memref_slice %arg7[%dma_wait3A_96, %dma_wait3A_102] : memref<3x80xi32, #tpu.memory_space<vmem>> -> memref<1x80xi32, #tpu.memory_space<vmem>>
    %dma_wait3A_104 = tpu.memref_squeeze %dma_wait3A_103 : memref<1x80xi32, #tpu.memory_space<vmem>> -> memref<80xi32, #tpu.memory_space<vmem>>
    %dma_wait3A_105 = arith.constant 0 : i32
    %dma_wait3A_106 = tpu.memref_slice %arg4[%dma_wait3A_105] : memref<320000xi32, #tpu.memory_space<hbm>> -> memref<80xi32, #tpu.memory_space<hbm>>
    tpu.wait_dma2 semaphore(%arg13 : memref<!tpu.dma_semaphore, #tpu.memory_space<semaphore_mem>>) src(%dma_wait3A_106 : memref<80xi32, #tpu.memory_space<hbm>>) dst(%dma_wait3A_104 : memref<80xi32, #tpu.memory_space<vmem>>)
    %run_scoped3A = arith.constant 0 : i32
    %run_scoped3A_107 = arith.constant 0 : i32
    "tpu.region"() ({
      %run_scoped3A_140 = tpu.sem_alloc : memref<!tpu.dma_semaphore, #tpu.memory_space<semaphore_mem>>
      %dma_start3A_141 = arith.constant 0 : i32
      %dma_start3A_142 = arith.constant 0 : i32
      %dma_start3A_143 = tpu.memref_slice %arg8[%run_scoped3A, %dma_start3A_141, %dma_start3A_142] : memref<3x80x128xf32, #tpu.memory_space<vmem>> -> memref<1x80x128xf32, #tpu.memory_space<vmem>>
      %dma_start3A_144 = tpu.memref_squeeze %dma_start3A_143 : memref<1x80x128xf32, #tpu.memory_space<vmem>> -> memref<80x128xf32, #tpu.memory_space<vmem>>
      %dma_start3A_145 = arith.constant 0 : i32
      %dma_start3A_146 = tpu.memref_slice %arg7[%run_scoped3A_107, %dma_start3A_145] : memref<3x80xi32, #tpu.memory_space<vmem>> -> memref<1x80xi32, #tpu.memory_space<vmem>>
      %dma_start3A_147 = tpu.memref_squeeze %dma_start3A_146 : memref<1x80xi32, #tpu.memory_space<vmem>> -> memref<80xi32, #tpu.memory_space<vmem>>
      %dma_start3A_148 = arith.constant 0 : i32
      %dma_start3A_149 = arith.constant 0 : i32
      %dma_start3A_150 = tpu.memref_slice %arg9[%dma_start3A_148, %dma_start3A_149] : memref<10000x128xf32, #tpu.memory_space<vmem_shared>> -> memref<10000x128xf32, #tpu.memory_space<vmem_shared>>
      tpu.enqueue_indirect_dma source(%dma_start3A_144 : memref<80x128xf32, #tpu.memory_space<vmem>>) target(%dma_start3A_150 : memref<10000x128xf32, #tpu.memory_space<vmem_shared>>) offsets(%dma_start3A_147 : memref<80xi32, #tpu.memory_space<vmem>>) semaphore(%run_scoped3A_140 : memref<!tpu.dma_semaphore, #tpu.memory_space<semaphore_mem>>) {add = true}
      %dma_wait3A_151 = arith.constant 0 : i32
      %dma_wait3A_152 = arith.constant 0 : i32
      %dma_wait3A_153 = tpu.memref_slice %arg8[%run_scoped3A, %dma_wait3A_151, %dma_wait3A_152] : memref<3x80x128xf32, #tpu.memory_space<vmem>> -> memref<1x80x128xf32, #tpu.memory_space<vmem>>
      %dma_wait3A_154 = tpu.memref_squeeze %dma_wait3A_153 : memref<1x80x128xf32, #tpu.memory_space<vmem>> -> memref<80x128xf32, #tpu.memory_space<vmem>>
      %dma_wait3A_155 = arith.constant 0 : i32
      %dma_wait3A_156 = tpu.memref_slice %arg7[%run_scoped3A_107, %dma_wait3A_155] : memref<3x80xi32, #tpu.memory_space<vmem>> -> memref<1x80xi32, #tpu.memory_space<vmem>>
      %dma_wait3A_157 = tpu.memref_squeeze %dma_wait3A_156 : memref<1x80xi32, #tpu.memory_space<vmem>> -> memref<80xi32, #tpu.memory_space<vmem>>
      %dma_wait3A_158 = arith.constant 0 : i32
      %dma_wait3A_159 = arith.constant 0 : i32
      %dma_wait3A_160 = tpu.memref_slice %arg9[%dma_wait3A_158, %dma_wait3A_159] : memref<10000x128xf32, #tpu.memory_space<vmem_shared>> -> memref<10000x128xf32, #tpu.memory_space<vmem_shared>>
      tpu.wait_indirect_dma semaphore(%run_scoped3A_140 : memref<!tpu.dma_semaphore, #tpu.memory_space<semaphore_mem>>) src(%dma_wait3A_154 : memref<80x128xf32, #tpu.memory_space<vmem>>) dst(%dma_wait3A_160 : memref<10000x128xf32, #tpu.memory_space<vmem_shared>>)
      tpu.yield
    }) : () -> ()
    %dma_wait3A_108 = arith.constant 1 : i32
    %dma_wait3A_109 = arith.constant 0 : i32
    %dma_wait3A_110 = arith.constant 0 : i32
    %dma_wait3A_111 = tpu.memref_slice %arg8[%dma_wait3A_108, %dma_wait3A_109, %dma_wait3A_110] : memref<3x80x128xf32, #tpu.memory_space<vmem>> -> memref<1x80x128xf32, #tpu.memory_space<vmem>>
    %dma_wait3A_112 = tpu.memref_squeeze %dma_wait3A_111 : memref<1x80x128xf32, #tpu.memory_space<vmem>> -> memref<80x128xf32, #tpu.memory_space<vmem>>
    %dma_wait3A_113 = arith.constant 0 : i32
    %dma_wait3A_114 = tpu.memref_slice %arg6[%dma_wait3A_113] : memref<10000xi32, #tpu.memory_space<vmem>> -> memref<80xi32, #tpu.memory_space<vmem>>
    %dma_wait3A_115 = arith.constant 0 : i32
    %dma_wait3A_116 = arith.constant 0 : i32
    %dma_wait3A_117 = tpu.memref_slice %arg2[%dma_wait3A_115, %dma_wait3A_116] : memref<10000x128xf32, #tpu.memory_space<hbm>> -> memref<10000x128xf32, #tpu.memory_space<hbm>>
    tpu.wait_indirect_dma semaphore(%arg11 : memref<!tpu.dma_semaphore, #tpu.memory_space<semaphore_mem>>) src(%dma_wait3A_117 : memref<10000x128xf32, #tpu.memory_space<hbm>>) dst(%dma_wait3A_112 : memref<80x128xf32, #tpu.memory_space<vmem>>)
    %dma_wait3A_118 = arith.constant 1 : i32
    %dma_wait3A_119 = arith.constant 0 : i32
    %dma_wait3A_120 = tpu.memref_slice %arg7[%dma_wait3A_118, %dma_wait3A_119] : memref<3x80xi32, #tpu.memory_space<vmem>> -> memref<1x80xi32, #tpu.memory_space<vmem>>
    %dma_wait3A_121 = tpu.memref_squeeze %dma_wait3A_120 : memref<1x80xi32, #tpu.memory_space<vmem>> -> memref<80xi32, #tpu.memory_space<vmem>>
    %dma_wait3A_122 = arith.constant 0 : i32
    %dma_wait3A_123 = tpu.memref_slice %arg4[%dma_wait3A_122] : memref<320000xi32, #tpu.memory_space<hbm>> -> memref<80xi32, #tpu.memory_space<hbm>>
    %dma_wait3A_124 = arith.constant 0 : i32
    %dma_wait3A_125 = tpu.memref_slice %arg7[%dma_wait3A_118, %dma_wait3A_124] : memref<3x80xi32, #tpu.memory_space<vmem>> -> memref<1x80xi32, #tpu.memory_space<vmem>>
    %dma_wait3A_126 = tpu.memref_squeeze %dma_wait3A_125 : memref<1x80xi32, #tpu.memory_space<vmem>> -> memref<80xi32, #tpu.memory_space<vmem>>
    %dma_wait3A_127 = arith.constant 0 : i32
    %dma_wait3A_128 = tpu.memref_slice %arg4[%dma_wait3A_127] : memref<320000xi32, #tpu.memory_space<hbm>> -> memref<80xi32, #tpu.memory_space<hbm>>
    tpu.wait_dma2 semaphore(%arg14 : memref<!tpu.dma_semaphore, #tpu.memory_space<semaphore_mem>>) src(%dma_wait3A_128 : memref<80xi32, #tpu.memory_space<hbm>>) dst(%dma_wait3A_126 : memref<80xi32, #tpu.memory_space<vmem>>)
    %run_scoped3A_129 = arith.constant 1 : i32
    %run_scoped3A_130 = arith.constant 1 : i32
    "tpu.region"() ({
      %run_scoped3A_140 = tpu.sem_alloc : memref<!tpu.dma_semaphore, #tpu.memory_space<semaphore_mem>>
      %dma_start3A_141 = arith.constant 0 : i32
      %dma_start3A_142 = arith.constant 0 : i32
      %dma_start3A_143 = tpu.memref_slice %arg8[%run_scoped3A_129, %dma_start3A_141, %dma_start3A_142] : memref<3x80x128xf32, #tpu.memory_space<vmem>> -> memref<1x80x128xf32, #tpu.memory_space<vmem>>
      %dma_start3A_144 = tpu.memref_squeeze %dma_start3A_143 : memref<1x80x128xf32, #tpu.memory_space<vmem>> -> memref<80x128xf32, #tpu.memory_space<vmem>>
      %dma_start3A_145 = arith.constant 0 : i32
      %dma_start3A_146 = tpu.memref_slice %arg7[%run_scoped3A_130, %dma_start3A_145] : memref<3x80xi32, #tpu.memory_space<vmem>> -> memref<1x80xi32, #tpu.memory_space<vmem>>
      %dma_start3A_147 = tpu.memref_squeeze %dma_start3A_146 : memref<1x80xi32, #tpu.memory_space<vmem>> -> memref<80xi32, #tpu.memory_space<vmem>>
      %dma_start3A_148 = arith.constant 0 : i32
      %dma_start3A_149 = arith.constant 0 : i32
      %dma_start3A_150 = tpu.memref_slice %arg9[%dma_start3A_148, %dma_start3A_149] : memref<10000x128xf32, #tpu.memory_space<vmem_shared>> -> memref<10000x128xf32, #tpu.memory_space<vmem_shared>>
      tpu.enqueue_indirect_dma source(%dma_start3A_144 : memref<80x128xf32, #tpu.memory_space<vmem>>) target(%dma_start3A_150 : memref<10000x128xf32, #tpu.memory_space<vmem_shared>>) offsets(%dma_start3A_147 : memref<80xi32, #tpu.memory_space<vmem>>) semaphore(%run_scoped3A_140 : memref<!tpu.dma_semaphore, #tpu.memory_space<semaphore_mem>>) {add = true}
      %dma_wait3A_151 = arith.constant 0 : i32
      %dma_wait3A_152 = arith.constant 0 : i32
      %dma_wait3A_153 = tpu.memref_slice %arg8[%run_scoped3A_129, %dma_wait3A_151, %dma_wait3A_152] : memref<3x80x128xf32, #tpu.memory_space<vmem>> -> memref<1x80x128xf32, #tpu.memory_space<vmem>>
      %dma_wait3A_154 = tpu.memref_squeeze %dma_wait3A_153 : memref<1x80x128xf32, #tpu.memory_space<vmem>> -> memref<80x128xf32, #tpu.memory_space<vmem>>
      %dma_wait3A_155 = arith.constant 0 : i32
      %dma_wait3A_156 = tpu.memref_slice %arg7[%run_scoped3A_130, %dma_wait3A_155] : memref<3x80xi32, #tpu.memory_space<vmem>> -> memref<1x80xi32, #tpu.memory_space<vmem>>
      %dma_wait3A_157 = tpu.memref_squeeze %dma_wait3A_156 : memref<1x80xi32, #tpu.memory_space<vmem>> -> memref<80xi32, #tpu.memory_space<vmem>>
      %dma_wait3A_158 = arith.constant 0 : i32
      %dma_wait3A_159 = arith.constant 0 : i32
      %dma_wait3A_160 = tpu.memref_slice %arg9[%dma_wait3A_158, %dma_wait3A_159] : memref<10000x128xf32, #tpu.memory_space<vmem_shared>> -> memref<10000x128xf32, #tpu.memory_space<vmem_shared>>
      tpu.wait_indirect_dma semaphore(%run_scoped3A_140 : memref<!tpu.dma_semaphore, #tpu.memory_space<semaphore_mem>>) src(%dma_wait3A_154 : memref<80x128xf32, #tpu.memory_space<vmem>>) dst(%dma_wait3A_160 : memref<10000x128xf32, #tpu.memory_space<vmem_shared>>)
      tpu.yield
    }) : () -> ()
    %barrier3A_131 = arith.constant 0 : index
    tpu.barrier barrier_id(%barrier3A_131)
    %scan3A_132 = arith.constant 0 : i32
    %scan3A_133 = arith.constant 0 : i32
    %scan3A_134 = arith.constant 0 : i32
    %scan3A_135 = arith.constant 8 : i32
    %scan3A_136 = arith.addi %scan3A_134, %scan3A_135 : i32
    %scan3A_137 = arith.constant 1 : i32
    %scan3A_138 = scf.for %scan3A_140 = %scan3A_134 to %scan3A_136 step %scan3A_137 iter_args(%scan3A_141 = %scan3A_133) -> (i32)  : i32 {
      %mul3A_142 = arith.constant 16 : i32
      %mul3A_143 = arith.muli %scan3A_140, %mul3A_142 : i32
      %add3A_144 = arith.addi %arg1, %mul3A_143 : i32
      %lt3A = arith.constant 125 : i32
      %lt3A_145 = arith.cmpi slt, %add3A_144, %lt3A : i32
      %convert_element_type3A = arith.extui %lt3A_145 : i1 to i32
      %cond3A = arith.constant 0 : i32
      %cond3A_146 = arith.cmpi ne, %convert_element_type3A, %cond3A : i32
      scf.if %cond3A_146 {
        %mul3A_148 = arith.constant 80 : i32
        %mul3A_149 = arith.muli %add3A_144, %mul3A_148 : i32
        "tpu.region"() ({
          %run_scoped3A_152 = tpu.sem_alloc : memref<!tpu.dma_semaphore, #tpu.memory_space<semaphore_mem>>
          %dma_start3A_153 = arith.constant 0 : i32
          %dma_start3A_154 = arith.constant 0 : i32
          %dma_start3A_155 = tpu.memref_slice %arg8[%scan3A_132, %dma_start3A_153, %dma_start3A_154] : memref<3x80x128xf32, #tpu.memory_space<vmem>> -> memref<1x80x128xf32, #tpu.memory_space<vmem>>
          %dma_start3A_156 = tpu.memref_squeeze %dma_start3A_155 : memref<1x80x128xf32, #tpu.memory_space<vmem>> -> memref<80x128xf32, #tpu.memory_space<vmem>>
          %dma_start3A_157 = arith.constant 0 : i32
          %dma_start3A_158 = tpu.memref_slice %arg9[%mul3A_149, %dma_start3A_157] : memref<10000x128xf32, #tpu.memory_space<vmem_shared>> -> memref<80x128xf32, #tpu.memory_space<vmem_shared>>
          %dma_start3A_159 = arith.constant 0 : i32
          %dma_start3A_160 = arith.constant 0 : i32
          %dma_start3A_161 = tpu.memref_slice %arg8[%scan3A_132, %dma_start3A_159, %dma_start3A_160] : memref<3x80x128xf32, #tpu.memory_space<vmem>> -> memref<1x80x128xf32, #tpu.memory_space<vmem>>
          %dma_start3A_162 = tpu.memref_squeeze %dma_start3A_161 : memref<1x80x128xf32, #tpu.memory_space<vmem>> -> memref<80x128xf32, #tpu.memory_space<vmem>>
          %dma_start3A_163 = arith.constant 0 : i32
          %dma_start3A_164 = tpu.memref_slice %arg9[%mul3A_149, %dma_start3A_163] : memref<10000x128xf32, #tpu.memory_space<vmem_shared>> -> memref<80x128xf32, #tpu.memory_space<vmem_shared>>
          tpu.enqueue_dma source(%dma_start3A_164 : memref<80x128xf32, #tpu.memory_space<vmem_shared>>) target(%dma_start3A_162 : memref<80x128xf32, #tpu.memory_space<vmem>>) target_semaphore(%run_scoped3A_152 : memref<!tpu.dma_semaphore, #tpu.memory_space<semaphore_mem>>)
          %dma_wait3A_165 = arith.constant 0 : i32
          %dma_wait3A_166 = arith.constant 0 : i32
          %dma_wait3A_167 = tpu.memref_slice %arg8[%scan3A_132, %dma_wait3A_165, %dma_wait3A_166] : memref<3x80x128xf32, #tpu.memory_space<vmem>> -> memref<1x80x128xf32, #tpu.memory_space<vmem>>
          %dma_wait3A_168 = tpu.memref_squeeze %dma_wait3A_167 : memref<1x80x128xf32, #tpu.memory_space<vmem>> -> memref<80x128xf32, #tpu.memory_space<vmem>>
          %dma_wait3A_169 = arith.constant 0 : i32
          %dma_wait3A_170 = tpu.memref_slice %arg9[%mul3A_149, %dma_wait3A_169] : memref<10000x128xf32, #tpu.memory_space<vmem_shared>> -> memref<80x128xf32, #tpu.memory_space<vmem_shared>>
          %dma_wait3A_171 = arith.constant 0 : i32
          %dma_wait3A_172 = arith.constant 0 : i32
          %dma_wait3A_173 = tpu.memref_slice %arg8[%scan3A_132, %dma_wait3A_171, %dma_wait3A_172] : memref<3x80x128xf32, #tpu.memory_space<vmem>> -> memref<1x80x128xf32, #tpu.memory_space<vmem>>
          %dma_wait3A_174 = tpu.memref_squeeze %dma_wait3A_173 : memref<1x80x128xf32, #tpu.memory_space<vmem>> -> memref<80x128xf32, #tpu.memory_space<vmem>>
          %dma_wait3A_175 = arith.constant 0 : i32
          %dma_wait3A_176 = tpu.memref_slice %arg9[%mul3A_149, %dma_wait3A_175] : memref<10000x128xf32, #tpu.memory_space<vmem_shared>> -> memref<80x128xf32, #tpu.memory_space<vmem_shared>>
          tpu.wait_dma2 semaphore(%run_scoped3A_152 : memref<!tpu.dma_semaphore, #tpu.memory_space<semaphore_mem>>) src(%dma_wait3A_176 : memref<80x128xf32, #tpu.memory_space<vmem_shared>>) dst(%dma_wait3A_174 : memref<80x128xf32, #tpu.memory_space<vmem>>)
          tpu.yield
        }) : () -> ()
        %mul3A_150 = arith.constant 80 : i32
        %mul3A_151 = arith.muli %add3A_144, %mul3A_150 : i32
        "tpu.region"() ({
          %run_scoped3A_152 = tpu.sem_alloc : memref<!tpu.dma_semaphore, #tpu.memory_space<semaphore_mem>>
          %dma_start3A_153 = arith.constant 0 : i32
          %dma_start3A_154 = arith.constant 0 : i32
          %dma_start3A_155 = tpu.memref_slice %arg8[%scan3A_132, %dma_start3A_153, %dma_start3A_154] : memref<3x80x128xf32, #tpu.memory_space<vmem>> -> memref<1x80x128xf32, #tpu.memory_space<vmem>>
          %dma_start3A_156 = tpu.memref_squeeze %dma_start3A_155 : memref<1x80x128xf32, #tpu.memory_space<vmem>> -> memref<80x128xf32, #tpu.memory_space<vmem>>
          %dma_start3A_157 = arith.constant 0 : i32
          %dma_start3A_158 = tpu.memref_slice %arg5[%arg0, %mul3A_151, %dma_start3A_157] : memref<2x10000x128xf32, #tpu.memory_space<hbm>> -> memref<1x80x128xf32, #tpu.memory_space<hbm>>
          %dma_start3A_159 = tpu.memref_squeeze %dma_start3A_158 : memref<1x80x128xf32, #tpu.memory_space<hbm>> -> memref<80x128xf32, #tpu.memory_space<hbm>>
          %dma_start3A_160 = arith.constant 0 : i32
          %dma_start3A_161 = tpu.memref_slice %arg5[%arg0, %mul3A_151, %dma_start3A_160] : memref<2x10000x128xf32, #tpu.memory_space<hbm>> -> memref<1x80x128xf32, #tpu.memory_space<hbm>>
          %dma_start3A_162 = tpu.memref_squeeze %dma_start3A_161 : memref<1x80x128xf32, #tpu.memory_space<hbm>> -> memref<80x128xf32, #tpu.memory_space<hbm>>
          %dma_start3A_163 = arith.constant 0 : i32
          %dma_start3A_164 = arith.constant 0 : i32
          %dma_start3A_165 = tpu.memref_slice %arg8[%scan3A_132, %dma_start3A_163, %dma_start3A_164] : memref<3x80x128xf32, #tpu.memory_space<vmem>> -> memref<1x80x128xf32, #tpu.memory_space<vmem>>
          %dma_start3A_166 = tpu.memref_squeeze %dma_start3A_165 : memref<1x80x128xf32, #tpu.memory_space<vmem>> -> memref<80x128xf32, #tpu.memory_space<vmem>>
          tpu.enqueue_dma source(%dma_start3A_166 : memref<80x128xf32, #tpu.memory_space<vmem>>) target(%dma_start3A_162 : memref<80x128xf32, #tpu.memory_space<hbm>>) target_semaphore(%run_scoped3A_152 : memref<!tpu.dma_semaphore, #tpu.memory_space<semaphore_mem>>)
          %dma_wait3A_167 = arith.constant 0 : i32
          %dma_wait3A_168 = arith.constant 0 : i32
          %dma_wait3A_169 = tpu.memref_slice %arg8[%scan3A_132, %dma_wait3A_167, %dma_wait3A_168] : memref<3x80x128xf32, #tpu.memory_space<vmem>> -> memref<1x80x128xf32, #tpu.memory_space<vmem>>
          %dma_wait3A_170 = tpu.memref_squeeze %dma_wait3A_169 : memref<1x80x128xf32, #tpu.memory_space<vmem>> -> memref<80x128xf32, #tpu.memory_space<vmem>>
          %dma_wait3A_171 = arith.constant 0 : i32
          %dma_wait3A_172 = tpu.memref_slice %arg5[%arg0, %mul3A_151, %dma_wait3A_171] : memref<2x10000x128xf32, #tpu.memory_space<hbm>> -> memref<1x80x128xf32, #tpu.memory_space<hbm>>
          %dma_wait3A_173 = tpu.memref_squeeze %dma_wait3A_172 : memref<1x80x128xf32, #tpu.memory_space<hbm>> -> memref<80x128xf32, #tpu.memory_space<hbm>>
          %dma_wait3A_174 = arith.constant 0 : i32
          %dma_wait3A_175 = tpu.memref_slice %arg5[%arg0, %mul3A_151, %dma_wait3A_174] : memref<2x10000x128xf32, #tpu.memory_space<hbm>> -> memref<1x80x128xf32, #tpu.memory_space<hbm>>
          %dma_wait3A_176 = tpu.memref_squeeze %dma_wait3A_175 : memref<1x80x128xf32, #tpu.memory_space<hbm>> -> memref<80x128xf32, #tpu.memory_space<hbm>>
          %dma_wait3A_177 = arith.constant 0 : i32
          %dma_wait3A_178 = arith.constant 0 : i32
          %dma_wait3A_179 = tpu.memref_slice %arg8[%scan3A_132, %dma_wait3A_177, %dma_wait3A_178] : memref<3x80x128xf32, #tpu.memory_space<vmem>> -> memref<1x80x128xf32, #tpu.memory_space<vmem>>
          %dma_wait3A_180 = tpu.memref_squeeze %dma_wait3A_179 : memref<1x80x128xf32, #tpu.memory_space<vmem>> -> memref<80x128xf32, #tpu.memory_space<vmem>>
          tpu.wait_dma2 semaphore(%run_scoped3A_152 : memref<!tpu.dma_semaphore, #tpu.memory_space<semaphore_mem>>) src(%dma_wait3A_180 : memref<80x128xf32, #tpu.memory_space<vmem>>) dst(%dma_wait3A_176 : memref<80x128xf32, #tpu.memory_space<hbm>>)
          tpu.yield
        }) : () -> ()
      } else {
      }
      %scan3A_147 = arith.constant 0 : i32
      scf.yield %scan3A_147 : i32
    }
    %scan3A_139 = arith.constant 8 : i32
    return
  }
}

module attributes {stable_mosaic.version = 14 : i64} {
  func.func @_pre_body(%arg0: i32, %arg1: memref<1000x128xf32, #tpu.memory_space<vmem>>, %arg2: memref<128x128xf32, #tpu.memory_space<vmem>>, %arg3: memref<1x128xf32, #tpu.memory_space<vmem>>, %arg4: memref<128x128xf32, #tpu.memory_space<vmem>>, %arg5: memref<1000x128xf32, #tpu.memory_space<vmem>>, %arg6: memref<1000x128xf32, #tpu.memory_space<vmem>>) attributes {dimension_semantics = [#tpu.dimension_semantics<arbitrary>], iteration_bounds = array<i64: 10>, scalar_prefetch = 0 : i64, scratch_operands = 0 : i64, tpu.core_type = #tpu.core_type<tc>, window_params = [{transform_indices = @transform_0, window_bounds = array<i64: 1000, 128>}, {pipeline_mode = #tpu.pipeline_mode<synchronous>, transform_indices = @transform_1, window_bounds = array<i64: 128, 128>}, {pipeline_mode = #tpu.pipeline_mode<synchronous>, transform_indices = @transform_2, window_bounds = array<i64: 1, 128>}, {pipeline_mode = #tpu.pipeline_mode<synchronous>, transform_indices = @transform_3, window_bounds = array<i64: 128, 128>}, {transform_indices = @transform_4, window_bounds = array<i64: 1000, 128>}, {transform_indices = @transform_5, window_bounds = array<i64: 1000, 128>}]} {
    %get3A = arith.constant 0 : index
    %get3A_0 = arith.constant 0 : index
    %get3A_1 = vector.load %arg1[%get3A, %get3A_0] : memref<1000x128xf32, #tpu.memory_space<vmem>>, vector<1000x128xf32>
    %get3A_2 = arith.constant 0 : index
    %get3A_3 = arith.constant 0 : index
    %get3A_4 = vector.load %arg2[%get3A_2, %get3A_3] : memref<128x128xf32, #tpu.memory_space<vmem>>, vector<128x128xf32>
    %transpose3A = tpu.transpose %get3A_4, [1, 0] : vector<128x128xf32> -> vector<128x128xf32>
    %dot_general3A = arith.constant dense<0.000000e+00> : vector<1000x128xf32>
    %dot_general3A_5 = tpu.matmul %get3A_1, %transpose3A, %dot_general3A {dimension_numbers = #tpu.dot_dimension_numbers<[1], [0], [0], [1], [0, 0, 1, 1], [], []>, transpose_lhs_hint = false} : vector<1000x128xf32>, vector<128x128xf32>, vector<1000x128xf32> -> vector<1000x128xf32>
    %get3A_6 = arith.constant 0 : index
    %get3A_7 = arith.constant 0 : index
    %get3A_8 = vector.load %arg3[%get3A_6, %get3A_7] : memref<1x128xf32, #tpu.memory_space<vmem>>, vector<1x128xf32>
    %add3A = vector.broadcast %get3A_8 : vector<1x128xf32> to vector<1000x128xf32>
    %add3A_9 = arith.addf %dot_general3A_5, %add3A : vector<1000x128xf32>
    %swap3A = arith.constant 0 : index
    %swap3A_10 = arith.constant 0 : index
    %swap3A_11 = vector.load %arg5[%swap3A, %swap3A_10] : memref<1000x128xf32, #tpu.memory_space<vmem>>, vector<1000x128xf32>
    tpu.vector_store %arg5[%swap3A, %swap3A_10], %add3A_9 {strides = array<i32>} : memref<1000x128xf32, #tpu.memory_space<vmem>>, vector<1000x128xf32>,
    %get3A_12 = arith.constant 0 : index
    %get3A_13 = arith.constant 0 : index
    %get3A_14 = vector.load %arg4[%get3A_12, %get3A_13] : memref<128x128xf32, #tpu.memory_space<vmem>>, vector<128x128xf32>
    %transpose3A_15 = tpu.transpose %get3A_14, [1, 0] : vector<128x128xf32> -> vector<128x128xf32>
    %dot_general3A_16 = arith.constant dense<0.000000e+00> : vector<1000x128xf32>
    %dot_general3A_17 = tpu.matmul %add3A_9, %transpose3A_15, %dot_general3A_16 {dimension_numbers = #tpu.dot_dimension_numbers<[1], [0], [0], [1], [0, 0, 1, 1], [], []>, transpose_lhs_hint = false} : vector<1000x128xf32>, vector<128x128xf32>, vector<1000x128xf32> -> vector<1000x128xf32>
    %swap3A_18 = arith.constant 0 : index
    %swap3A_19 = arith.constant 0 : index
    %swap3A_20 = vector.load %arg6[%swap3A_18, %swap3A_19] : memref<1000x128xf32, #tpu.memory_space<vmem>>, vector<1000x128xf32>
    tpu.vector_store %arg6[%swap3A_18, %swap3A_19], %dot_general3A_17 {strides = array<i32>} : memref<1000x128xf32, #tpu.memory_space<vmem>>, vector<1000x128xf32>,
    return
  }
  func.func @transform_0(%arg0: i32) -> (i32, i32) {
    %c0_i32 = arith.constant 0 : i32
    %c0_i32_0 = arith.constant 0 : i32
    return %arg0, %c0_i32 : i32, i32
  }
  func.func @transform_1(%arg0: i32) -> (i32, i32) {
    %c0_i32 = arith.constant 0 : i32
    %c0_i32_0 = arith.constant 0 : i32
    %c0_i32_1 = arith.constant 0 : i32
    return %c0_i32, %c0_i32_0 : i32, i32
  }
  func.func @transform_2(%arg0: i32) -> (i32, i32) {
    %c0_i32 = arith.constant 0 : i32
    %c0_i32_0 = arith.constant 0 : i32
    %c0_i32_1 = arith.constant 0 : i32
    return %c0_i32, %c0_i32_0 : i32, i32
  }
  func.func @transform_3(%arg0: i32) -> (i32, i32) {
    %c0_i32 = arith.constant 0 : i32
    %c0_i32_0 = arith.constant 0 : i32
    %c0_i32_1 = arith.constant 0 : i32
    return %c0_i32, %c0_i32_0 : i32, i32
  }
  func.func @transform_4(%arg0: i32) -> (i32, i32) {
    %c0_i32 = arith.constant 0 : i32
    %c0_i32_0 = arith.constant 0 : i32
    return %arg0, %c0_i32 : i32, i32
  }
  func.func @transform_5(%arg0: i32) -> (i32, i32) {
    %c0_i32 = arith.constant 0 : i32
    %c0_i32_0 = arith.constant 0 : i32
    return %arg0, %c0_i32 : i32, i32
  }
}

module attributes {stable_mosaic.version = 14 : i64} {
  func.func @_combine1_body(%arg0: i32, %arg1: memref<2x1000x128xf32, #tpu.memory_space<vmem>>, %arg2: memref<2x1000x1xf32, #tpu.memory_space<vmem>>, %arg3: memref<1000x128xf32, #tpu.memory_space<vmem>>, %arg4: memref<128x128xf32, #tpu.memory_space<vmem>>, %arg5: memref<1x128xf32, #tpu.memory_space<vmem>>, %arg6: memref<128x128xf32, #tpu.memory_space<vmem>>, %arg7: memref<1000x128xf32, #tpu.memory_space<vmem>>, %arg8: memref<1000x128xf32, #tpu.memory_space<vmem>>) attributes {dimension_semantics = [#tpu.dimension_semantics<arbitrary>], iteration_bounds = array<i64: 10>, scalar_prefetch = 0 : i64, scratch_operands = 0 : i64, tpu.core_type = #tpu.core_type<tc>, window_params = [{transform_indices = @transform_0, window_bounds = array<i64: 2, 1000, 128>}, {transform_indices = @transform_1, window_bounds = array<i64: 2, 1000, 1>}, {transform_indices = @transform_2, window_bounds = array<i64: 1000, 128>}, {pipeline_mode = #tpu.pipeline_mode<synchronous>, transform_indices = @transform_3, window_bounds = array<i64: 128, 128>}, {pipeline_mode = #tpu.pipeline_mode<synchronous>, transform_indices = @transform_4, window_bounds = array<i64: 1, 128>}, {pipeline_mode = #tpu.pipeline_mode<synchronous>, transform_indices = @transform_5, window_bounds = array<i64: 128, 128>}, {transform_indices = @transform_6, window_bounds = array<i64: 1000, 128>}, {transform_indices = @transform_7, window_bounds = array<i64: 1000, 128>}]} {
    %get3A = arith.constant 0 : index
    %get3A_0 = arith.constant 0 : index
    %get3A_1 = arith.constant 0 : index
    %get3A_2 = vector.load %arg1[%get3A, %get3A_0, %get3A_1] : memref<2x1000x128xf32, #tpu.memory_space<vmem>>, vector<1x1000x128xf32>
    %get3A_3 = vector.shape_cast %get3A_2 : vector<1x1000x128xf32> to vector<1000x128xf32>
    %get3A_4 = arith.constant 1 : index
    %get3A_5 = arith.constant 0 : index
    %get3A_6 = arith.constant 0 : index
    %get3A_7 = vector.load %arg1[%get3A_4, %get3A_5, %get3A_6] : memref<2x1000x128xf32, #tpu.memory_space<vmem>>, vector<1x1000x128xf32>
    %get3A_8 = vector.shape_cast %get3A_7 : vector<1x1000x128xf32> to vector<1000x128xf32>
    %add3A = arith.addf %get3A_3, %get3A_8 : vector<1000x128xf32>
    %get3A_9 = arith.constant 0 : index
    %get3A_10 = arith.constant 0 : index
    %get3A_11 = arith.constant 0 : index
    %get3A_12 = vector.load %arg2[%get3A_9, %get3A_10, %get3A_11] : memref<2x1000x1xf32, #tpu.memory_space<vmem>>, vector<1x1000x1xf32>
    %get3A_13 = vector.shape_cast %get3A_12 : vector<1x1000x1xf32> to vector<1000x1xf32>
    %get3A_14 = arith.constant 1 : index
    %get3A_15 = arith.constant 0 : index
    %get3A_16 = arith.constant 0 : index
    %get3A_17 = vector.load %arg2[%get3A_14, %get3A_15, %get3A_16] : memref<2x1000x1xf32, #tpu.memory_space<vmem>>, vector<1x1000x1xf32>
    %get3A_18 = vector.shape_cast %get3A_17 : vector<1x1000x1xf32> to vector<1000x1xf32>
    %add3A_19 = arith.addf %get3A_13, %get3A_18 : vector<1000x1xf32>
    %max3A = arith.constant 1.000000e+00 : f32
    %max3A_20 = vector.broadcast %max3A : f32 to vector<1000x1xf32>
    %max3A_21 = arith.maximumf %add3A_19, %max3A_20 : vector<1000x1xf32>
    %div3A = vector.broadcast %max3A_21 : vector<1000x1xf32> to vector<1000x128xf32>
    %div3A_22 = arith.divf %add3A, %div3A : vector<1000x128xf32>
    %get3A_23 = arith.constant 0 : index
    %get3A_24 = arith.constant 0 : index
    %get3A_25 = vector.load %arg4[%get3A_23, %get3A_24] : memref<128x128xf32, #tpu.memory_space<vmem>>, vector<128x128xf32>
    %transpose3A = tpu.transpose %get3A_25, [1, 0] : vector<128x128xf32> -> vector<128x128xf32>
    %dot_general3A = arith.constant dense<0.000000e+00> : vector<1000x128xf32>
    %dot_general3A_26 = tpu.matmul %div3A_22, %transpose3A, %dot_general3A {dimension_numbers = #tpu.dot_dimension_numbers<[1], [0], [0], [1], [0, 0, 1, 1], [], []>, transpose_lhs_hint = false} : vector<1000x128xf32>, vector<128x128xf32>, vector<1000x128xf32> -> vector<1000x128xf32>
    %get3A_27 = arith.constant 0 : index
    %get3A_28 = arith.constant 0 : index
    %get3A_29 = vector.load %arg5[%get3A_27, %get3A_28] : memref<1x128xf32, #tpu.memory_space<vmem>>, vector<1x128xf32>
    %add3A_30 = vector.broadcast %get3A_29 : vector<1x128xf32> to vector<1000x128xf32>
    %add3A_31 = arith.addf %dot_general3A_26, %add3A_30 : vector<1000x128xf32>
    %get3A_32 = arith.constant 0 : index
    %get3A_33 = arith.constant 0 : index
    %get3A_34 = vector.load %arg3[%get3A_32, %get3A_33] : memref<1000x128xf32, #tpu.memory_space<vmem>>, vector<1000x128xf32>
    %add3A_35 = arith.addf %add3A_31, %get3A_34 : vector<1000x128xf32>
    %max3A_36 = arith.constant 0.000000e+00 : f32
    %max3A_37 = vector.broadcast %max3A_36 : f32 to vector<1000x128xf32>
    %max3A_38 = arith.maximumf %add3A_35, %max3A_37 : vector<1000x128xf32>
    %swap3A = arith.constant 0 : index
    %swap3A_39 = arith.constant 0 : index
    %swap3A_40 = vector.load %arg7[%swap3A, %swap3A_39] : memref<1000x128xf32, #tpu.memory_space<vmem>>, vector<1000x128xf32>
    tpu.vector_store %arg7[%swap3A, %swap3A_39], %max3A_38 {strides = array<i32>} : memref<1000x128xf32, #tpu.memory_space<vmem>>, vector<1000x128xf32>,
    %get3A_41 = arith.constant 0 : index
    %get3A_42 = arith.constant 0 : index
    %get3A_43 = vector.load %arg6[%get3A_41, %get3A_42] : memref<128x128xf32, #tpu.memory_space<vmem>>, vector<128x128xf32>
    %transpose3A_44 = tpu.transpose %get3A_43, [1, 0] : vector<128x128xf32> -> vector<128x128xf32>
    %dot_general3A_45 = arith.constant dense<0.000000e+00> : vector<1000x128xf32>
    %dot_general3A_46 = tpu.matmul %max3A_38, %transpose3A_44, %dot_general3A_45 {dimension_numbers = #tpu.dot_dimension_numbers<[1], [0], [0], [1], [0, 0, 1, 1], [], []>, transpose_lhs_hint = false} : vector<1000x128xf32>, vector<128x128xf32>, vector<1000x128xf32> -> vector<1000x128xf32>
    %swap3A_47 = arith.constant 0 : index
    %swap3A_48 = arith.constant 0 : index
    %swap3A_49 = vector.load %arg8[%swap3A_47, %swap3A_48] : memref<1000x128xf32, #tpu.memory_space<vmem>>, vector<1000x128xf32>
    tpu.vector_store %arg8[%swap3A_47, %swap3A_48], %dot_general3A_46 {strides = array<i32>} : memref<1000x128xf32, #tpu.memory_space<vmem>>, vector<1000x128xf32>,
    return
  }
  func.func @transform_0(%arg0: i32) -> (i32, i32, i32) {
    %c0_i32 = arith.constant 0 : i32
    %c0_i32_0 = arith.constant 0 : i32
    %c0_i32_1 = arith.constant 0 : i32
    return %c0_i32, %arg0, %c0_i32_0 : i32, i32, i32
  }
  func.func @transform_1(%arg0: i32) -> (i32, i32, i32) {
    %c0_i32 = arith.constant 0 : i32
    %c0_i32_0 = arith.constant 0 : i32
    %c0_i32_1 = arith.constant 0 : i32
    return %c0_i32, %arg0, %c0_i32_0 : i32, i32, i32
  }
  func.func @transform_2(%arg0: i32) -> (i32, i32) {
    %c0_i32 = arith.constant 0 : i32
    %c0_i32_0 = arith.constant 0 : i32
    return %arg0, %c0_i32 : i32, i32
  }
  func.func @transform_3(%arg0: i32) -> (i32, i32) {
    %c0_i32 = arith.constant 0 : i32
    %c0_i32_0 = arith.constant 0 : i32
    %c0_i32_1 = arith.constant 0 : i32
    return %c0_i32, %c0_i32_0 : i32, i32
  }
  func.func @transform_4(%arg0: i32) -> (i32, i32) {
    %c0_i32 = arith.constant 0 : i32
    %c0_i32_0 = arith.constant 0 : i32
    %c0_i32_1 = arith.constant 0 : i32
    return %c0_i32, %c0_i32_0 : i32, i32
  }
  func.func @transform_5(%arg0: i32) -> (i32, i32) {
    %c0_i32 = arith.constant 0 : i32
    %c0_i32_0 = arith.constant 0 : i32
    %c0_i32_1 = arith.constant 0 : i32
    return %c0_i32, %c0_i32_0 : i32, i32
  }
  func.func @transform_6(%arg0: i32) -> (i32, i32) {
    %c0_i32 = arith.constant 0 : i32
    %c0_i32_0 = arith.constant 0 : i32
    return %arg0, %c0_i32 : i32, i32
  }
  func.func @transform_7(%arg0: i32) -> (i32, i32) {
    %c0_i32 = arith.constant 0 : i32
    %c0_i32_0 = arith.constant 0 : i32
    return %arg0, %c0_i32 : i32, i32
  }
}

module attributes {stable_mosaic.version = 14 : i64} {
  func.func @_combine2_body(%arg0: i32, %arg1: memref<2x1000x128xf32, #tpu.memory_space<vmem>>, %arg2: memref<2x1000x1xf32, #tpu.memory_space<vmem>>, %arg3: memref<1000x128xf32, #tpu.memory_space<vmem>>, %arg4: memref<128x128xf32, #tpu.memory_space<vmem>>, %arg5: memref<1x128xf32, #tpu.memory_space<vmem>>, %arg6: memref<47x128xf32, #tpu.memory_space<vmem>>, %arg7: memref<1x47xf32, #tpu.memory_space<vmem>>, %arg8: memref<1000x47xf32, #tpu.memory_space<vmem>>) attributes {dimension_semantics = [#tpu.dimension_semantics<arbitrary>], iteration_bounds = array<i64: 10>, scalar_prefetch = 0 : i64, scratch_operands = 0 : i64, tpu.core_type = #tpu.core_type<tc>, window_params = [{transform_indices = @transform_0, window_bounds = array<i64: 2, 1000, 128>}, {transform_indices = @transform_1, window_bounds = array<i64: 2, 1000, 1>}, {transform_indices = @transform_2, window_bounds = array<i64: 1000, 128>}, {pipeline_mode = #tpu.pipeline_mode<synchronous>, transform_indices = @transform_3, window_bounds = array<i64: 128, 128>}, {pipeline_mode = #tpu.pipeline_mode<synchronous>, transform_indices = @transform_4, window_bounds = array<i64: 1, 128>}, {pipeline_mode = #tpu.pipeline_mode<synchronous>, transform_indices = @transform_5, window_bounds = array<i64: 47, 128>}, {pipeline_mode = #tpu.pipeline_mode<synchronous>, transform_indices = @transform_6, window_bounds = array<i64: 1, 47>}, {transform_indices = @transform_7, window_bounds = array<i64: 1000, 47>}]} {
    %get3A = arith.constant 0 : index
    %get3A_0 = arith.constant 0 : index
    %get3A_1 = arith.constant 0 : index
    %get3A_2 = vector.load %arg1[%get3A, %get3A_0, %get3A_1] : memref<2x1000x128xf32, #tpu.memory_space<vmem>>, vector<1x1000x128xf32>
    %get3A_3 = vector.shape_cast %get3A_2 : vector<1x1000x128xf32> to vector<1000x128xf32>
    %get3A_4 = arith.constant 1 : index
    %get3A_5 = arith.constant 0 : index
    %get3A_6 = arith.constant 0 : index
    %get3A_7 = vector.load %arg1[%get3A_4, %get3A_5, %get3A_6] : memref<2x1000x128xf32, #tpu.memory_space<vmem>>, vector<1x1000x128xf32>
    %get3A_8 = vector.shape_cast %get3A_7 : vector<1x1000x128xf32> to vector<1000x128xf32>
    %add3A = arith.addf %get3A_3, %get3A_8 : vector<1000x128xf32>
    %get3A_9 = arith.constant 0 : index
    %get3A_10 = arith.constant 0 : index
    %get3A_11 = arith.constant 0 : index
    %get3A_12 = vector.load %arg2[%get3A_9, %get3A_10, %get3A_11] : memref<2x1000x1xf32, #tpu.memory_space<vmem>>, vector<1x1000x1xf32>
    %get3A_13 = vector.shape_cast %get3A_12 : vector<1x1000x1xf32> to vector<1000x1xf32>
    %get3A_14 = arith.constant 1 : index
    %get3A_15 = arith.constant 0 : index
    %get3A_16 = arith.constant 0 : index
    %get3A_17 = vector.load %arg2[%get3A_14, %get3A_15, %get3A_16] : memref<2x1000x1xf32, #tpu.memory_space<vmem>>, vector<1x1000x1xf32>
    %get3A_18 = vector.shape_cast %get3A_17 : vector<1x1000x1xf32> to vector<1000x1xf32>
    %add3A_19 = arith.addf %get3A_13, %get3A_18 : vector<1000x1xf32>
    %max3A = arith.constant 1.000000e+00 : f32
    %max3A_20 = vector.broadcast %max3A : f32 to vector<1000x1xf32>
    %max3A_21 = arith.maximumf %add3A_19, %max3A_20 : vector<1000x1xf32>
    %div3A = vector.broadcast %max3A_21 : vector<1000x1xf32> to vector<1000x128xf32>
    %div3A_22 = arith.divf %add3A, %div3A : vector<1000x128xf32>
    %get3A_23 = arith.constant 0 : index
    %get3A_24 = arith.constant 0 : index
    %get3A_25 = vector.load %arg4[%get3A_23, %get3A_24] : memref<128x128xf32, #tpu.memory_space<vmem>>, vector<128x128xf32>
    %transpose3A = tpu.transpose %get3A_25, [1, 0] : vector<128x128xf32> -> vector<128x128xf32>
    %dot_general3A = arith.constant dense<0.000000e+00> : vector<1000x128xf32>
    %dot_general3A_26 = tpu.matmul %div3A_22, %transpose3A, %dot_general3A {dimension_numbers = #tpu.dot_dimension_numbers<[1], [0], [0], [1], [0, 0, 1, 1], [], []>, transpose_lhs_hint = false} : vector<1000x128xf32>, vector<128x128xf32>, vector<1000x128xf32> -> vector<1000x128xf32>
    %get3A_27 = arith.constant 0 : index
    %get3A_28 = arith.constant 0 : index
    %get3A_29 = vector.load %arg5[%get3A_27, %get3A_28] : memref<1x128xf32, #tpu.memory_space<vmem>>, vector<1x128xf32>
    %add3A_30 = vector.broadcast %get3A_29 : vector<1x128xf32> to vector<1000x128xf32>
    %add3A_31 = arith.addf %dot_general3A_26, %add3A_30 : vector<1000x128xf32>
    %get3A_32 = arith.constant 0 : index
    %get3A_33 = arith.constant 0 : index
    %get3A_34 = vector.load %arg3[%get3A_32, %get3A_33] : memref<1000x128xf32, #tpu.memory_space<vmem>>, vector<1000x128xf32>
    %add3A_35 = arith.addf %add3A_31, %get3A_34 : vector<1000x128xf32>
    %max3A_36 = arith.constant 0.000000e+00 : f32
    %max3A_37 = vector.broadcast %max3A_36 : f32 to vector<1000x128xf32>
    %max3A_38 = arith.maximumf %add3A_35, %max3A_37 : vector<1000x128xf32>
    %get3A_39 = arith.constant 0 : index
    %get3A_40 = arith.constant 0 : index
    %get3A_41 = vector.load %arg6[%get3A_39, %get3A_40] : memref<47x128xf32, #tpu.memory_space<vmem>>, vector<47x128xf32>
    %transpose3A_42 = tpu.transpose %get3A_41, [1, 0] : vector<47x128xf32> -> vector<128x47xf32>
    %dot_general3A_43 = arith.constant dense<0.000000e+00> : vector<1000x47xf32>
    %dot_general3A_44 = tpu.matmul %max3A_38, %transpose3A_42, %dot_general3A_43 {dimension_numbers = #tpu.dot_dimension_numbers<[1], [0], [0], [1], [0, 0, 1, 1], [], []>, transpose_lhs_hint = false} : vector<1000x128xf32>, vector<128x47xf32>, vector<1000x47xf32> -> vector<1000x47xf32>
    %get3A_45 = arith.constant 0 : index
    %get3A_46 = arith.constant 0 : index
    %get3A_47 = vector.load %arg7[%get3A_45, %get3A_46] : memref<1x47xf32, #tpu.memory_space<vmem>>, vector<1x47xf32>
    %add3A_48 = vector.broadcast %get3A_47 : vector<1x47xf32> to vector<1000x47xf32>
    %add3A_49 = arith.addf %dot_general3A_44, %add3A_48 : vector<1000x47xf32>
    %reduce_max3A = arith.constant dense<0xFF800000> : vector<1000xf32>
    %reduce_max3A_50 = vector.multi_reduction <maximumf>, %add3A_49, %reduce_max3A [1] : vector<1000x47xf32> to vector<1000xf32>
    %broadcast_in_dim3A = vector.shape_cast %reduce_max3A_50 : vector<1000xf32> to vector<1000x1xf32>
    %sub3A = vector.broadcast %broadcast_in_dim3A : vector<1000x1xf32> to vector<1000x47xf32>
    %sub3A_51 = arith.subf %add3A_49, %sub3A : vector<1000x47xf32>
    %exp3A = math.exp %sub3A_51 : vector<1000x47xf32>
    %reduce_sum3A = arith.constant dense<0.000000e+00> : vector<1000xf32>
    %reduce_sum3A_52 = vector.multi_reduction <add>, %exp3A, %reduce_sum3A [1] : vector<1000x47xf32> to vector<1000xf32>
    %broadcast_in_dim3A_53 = vector.shape_cast %reduce_sum3A_52 : vector<1000xf32> to vector<1000x1xf32>
    %log3A = math.log %broadcast_in_dim3A_53 : vector<1000x1xf32>
    %sub3A_54 = vector.broadcast %log3A : vector<1000x1xf32> to vector<1000x47xf32>
    %sub3A_55 = arith.subf %sub3A_51, %sub3A_54 : vector<1000x47xf32>
    %swap3A = arith.constant 0 : index
    %swap3A_56 = arith.constant 0 : index
    %swap3A_57 = vector.load %arg8[%swap3A, %swap3A_56] : memref<1000x47xf32, #tpu.memory_space<vmem>>, vector<1000x47xf32>
    tpu.vector_store %arg8[%swap3A, %swap3A_56], %sub3A_55 {strides = array<i32>} : memref<1000x47xf32, #tpu.memory_space<vmem>>, vector<1000x47xf32>,
    return
  }
  func.func @transform_0(%arg0: i32) -> (i32, i32, i32) {
    %c0_i32 = arith.constant 0 : i32
    %c0_i32_0 = arith.constant 0 : i32
    %c0_i32_1 = arith.constant 0 : i32
    return %c0_i32, %arg0, %c0_i32_0 : i32, i32, i32
  }
  func.func @transform_1(%arg0: i32) -> (i32, i32, i32) {
    %c0_i32 = arith.constant 0 : i32
    %c0_i32_0 = arith.constant 0 : i32
    %c0_i32_1 = arith.constant 0 : i32
    return %c0_i32, %arg0, %c0_i32_0 : i32, i32, i32
  }
  func.func @transform_2(%arg0: i32) -> (i32, i32) {
    %c0_i32 = arith.constant 0 : i32
    %c0_i32_0 = arith.constant 0 : i32
    return %arg0, %c0_i32 : i32, i32
  }
  func.func @transform_3(%arg0: i32) -> (i32, i32) {
    %c0_i32 = arith.constant 0 : i32
    %c0_i32_0 = arith.constant 0 : i32
    %c0_i32_1 = arith.constant 0 : i32
    return %c0_i32, %c0_i32_0 : i32, i32
  }
  func.func @transform_4(%arg0: i32) -> (i32, i32) {
    %c0_i32 = arith.constant 0 : i32
    %c0_i32_0 = arith.constant 0 : i32
    %c0_i32_1 = arith.constant 0 : i32
    return %c0_i32, %c0_i32_0 : i32, i32
  }
  func.func @transform_5(%arg0: i32) -> (i32, i32) {
    %c0_i32 = arith.constant 0 : i32
    %c0_i32_0 = arith.constant 0 : i32
    %c0_i32_1 = arith.constant 0 : i32
    return %c0_i32, %c0_i32_0 : i32, i32
  }
  func.func @transform_6(%arg0: i32) -> (i32, i32) {
    %c0_i32 = arith.constant 0 : i32
    %c0_i32_0 = arith.constant 0 : i32
    %c0_i32_1 = arith.constant 0 : i32
    return %c0_i32, %c0_i32_0 : i32, i32
  }
  func.func @transform_7(%arg0: i32) -> (i32, i32) {
    %c0_i32 = arith.constant 0 : i32
    %c0_i32_0 = arith.constant 0 : i32
    return %arg0, %c0_i32 : i32, i32
  }
}

</mosaic_0001>

<sc_bundles>
// kernel: kernel.10.cloned.1.call-start
scs
__scs_entry_jumppad:
0x0: {  	(pc) =	sbr.rel $0x88, $3  }
0x1: {  	(tag) =	ssettag $0x0;
	lr =	simm.s32 $0x1  }
0x2: {  	[smem:$0x3F95] =	sst lr;
	_ =	strace $0xD0000000  }
0x3: {  	_ = 	snop  }
0x4: {  	_ = 	snop  }
0x5: {  	_ = 	snop  }
0x6: {  	_ = 	snop  }
0x7: {  	_ = 	snop  }
__scs_overlays_trampoline_lowered:
0x8: {  	[smem:$0x3FA4] =	sst s0  }
0x9: {  	[smem:$0x3FA5] =	sst s1  }
0xa: {  	[smem:$0x3FA6] =	sst s2  }
0xb: {  	[smem:$0x3FA7] =	sst s3  }
0xc: {  	[smem:$0x3FA8] =	sst s4  }
0xd: {  	[smem:$0x3FA9] =	sst s5  }
0xe: {  	[smem:$0x3FAA] =	sst s6  }
0xf: {  	[smem:$0x3FAB] =	sst s7  }
0x10: {  	[smem:$0x3FAC] =	sst s8  }
0x11: {  	[smem:$0x3FAD] =	sst s9;
	s0 =	simm.s32 @!p0 $0x0  }
0x12: {  	s1 =	sld [smem:$0x3F93];
	s0 =	simm.s32 @p0 $0x1  }
0x13: {  	[smem:$0x3FAE] =	sst s0;
	s0 =	simm.s32 @!p1 $0x0  }
0x14: {  	s2 =	sld [smem:$0x3F92];
	s0 =	simm.s32 @p1 $0x1  }
0x15: {  	[smem:$0x3FAF] =	sst s0;
	s0 =	simm.s32 @!p2 $0x0  }
0x16: {  	s3 =	sld [smem:$0x3FDB];
	s0 =	simm.s32 @p2 $0x1  }
0x17: {  	s4 =	simm.s32 $0x1BF5;
	[smem:$0x3FB1] =	sst s0  }
0x18: {  	s0 =	sld [smem:$0x3F94];
	_ =	swait.ge [sflag:s4], $0x0  }
0x19: {  	s7 =	sld [smem:$0x3F95]  }
0x1a: {  	s8 =	sadd.s32 $0xFFFFE003, lr  }
0x1b: {  	s9 =	sadd.s32 $0xFFFFFEF7, lr;
	s5 =	simm.s32 $0xFFFFFFFF;
	p2 =	slt.u32 s8, $0xFFFFF086  }
0x1c: {  	p1 =	slt.u32 s9, $0xF7A;
	s5 =	simm.s32 @!p2 $0x0  }
0x1d: {  	s5 =	simm.s32 @p1 $0x1;
	p0 =	seq.s32 s7, s2  }
0x1e: {  	s7 =	smul.u32 @!p0 $0xF7A, s2;
	p2 =	seq.s32 @!p0 s5, $0x0  }
0x1f: {  	s9 =	smul.u32 $0xF7A, s1;
	s8 =	simm.s32 @!p0 $0x1BF5;
	p2 =	por !p2, p0  }
0x20: {  	[sflag:s8] =	ssyncset.s32 @!p0 $0xFFFFF086;
	s6 =	sadd.s32 @!p0 s3, s7;
	s7 =	simm.s32 @!p0 $0x108  }
0x21: {  	s3 =	sadd.s32 s3, s9;
	s6 =	sadd.s32 @!p0 $0x88, s6;
	s7 =	simm.s32 @p2 $0x1082  }
0x22: {  	[simem:s7], [sflag:s8] =	dma.local @!p0 [hbm:s6], $0xF7A  }
0x23: {  	s9 =	sor.u32 $0xD0000000, s2;
	s6 =	simm.s32 $0x108;
	_ =	swait.ge @!p0 [sflag:s8], $0x0  }
0x24: {  	s3 =	sadd.s32 $0x88, s3;
	s6 =	simm.s32 @!p1 $0x1082;
	[sflag:s4] =	ssyncset.s32 $0xFFFFF086  }
0x25: {  	[simem:s6], [sflag:s4] =	dma.local [hbm:s3], $0xF7A  }
0x26: {  	[smem:$0x3F95] =	sst s1;
	(tag) =	ssettag s2;
	_ =	strace s9  }
0x27: {  	s1 =	sld [smem:$0x3FA5]  }
0x28: {  	s2 =	sld [smem:$0x3FA6]  }
0x29: {  	s4 =	sld [smem:$0x3FA8]  }
0x2a: {  	p0 =	seq.s32 s5, $0x0;
	s5 =	sld [smem:$0x3FA9]  }
0x2b: {  	s6 =	sld [smem:$0x3FAA]  }
0x2c: {  	s7 =	sld [smem:$0x3FAB]  }
0x2d: {  	s3 =	simm.s32 $0x108;
	s8 =	sld [smem:$0x3FAC]  }
0x2e: {  	s3 =	simm.s32 @!p0 $0x1082;
	s9 =	sld [smem:$0x3FAD]  }
0x2f: {  	lr =	sadd.s32 s0, s3;
	s0 =	sld [smem:$0x3FA4]  }
0x30: {  	s3 =	sld [smem:$0x3FA7]  }
0x31: {  	[smem:$0x3FB0] =	sst s10  }
0x32: {  	s10 =	sld [smem:$0x3FAE];
	_ =	sdelay $0x3  }
0x33: {  	p0 =	seq.s32 s10, $0x1;
	s10 =	sld [smem:$0x3FB0];
	_ =	sdelay $0x3  }
0x34: {  	[smem:$0x3FB0] =	sst s10  }
0x35: {  	s10 =	sld [smem:$0x3FAF];
	_ =	sdelay $0x3  }
0x36: {  	p1 =	seq.s32 s10, $0x1;
	s10 =	sld [smem:$0x3FB0];
	_ =	sdelay $0x3  }
0x37: {  	[smem:$0x3FB0] =	sst s10  }
0x38: {  	s10 =	sld [smem:$0x3FB1]  }
0x39: {  	_ = 	snop;
	(pc) =	sbr.ind lr, $3  }
0x3a: {  	_ = 	snop  }
0x3b: {  	_ = 	snop  }
0x3c: {  	p2 =	seq.s32 s10, $0x1;
	s10 =	sld [smem:$0x3FB0]  }
0x3d: {  	_ =	shalt  }
0x3e: {  	_ =	shalt  }
0x3f: {  	_ =	shalt  }
0x40: {  	_ =	shalt  }
0x41: {  	_ =	shalt  }
0x42: {  	_ =	shalt  }
0x43: {  	_ =	shalt  }
0x44: {  	_ =	shalt  }
0x45: {  	_ =	shalt  }
0x46: {  	_ =	shalt  }
0x47: {  	_ =	shalt  }
0x48: {  	_ =	shalt  }
0x49: {  	_ =	shalt  }
0x4a: {  	_ =	shalt  }
0x4b: {  	_ =	shalt  }
0x4c: {  	_ =	shalt  }
0x4d: {  	_ =	shalt  }
0x4e: {  	_ =	shalt  }
0x4f: {  	_ =	shalt  }
0x50: {  	_ =	shalt  }
0x51: {  	_ =	shalt  }
0x52: {  	_ =	shalt  }
0x53: {  	_ =	shalt  }
0x54: {  	_ =	shalt  }
0x55: {  	_ =	shalt  }
0x56: {  	_ =	shalt  }
0x57: {  	_ =	shalt  }
0x58: {  	_ =	shalt  }
0x59: {  	_ =	shalt  }
0x5a: {  	_ =	shalt  }
0x5b: {  	_ =	shalt  }
0x5c: {  	_ =	shalt  }
0x5d: {  	_ =	shalt  }
0x5e: {  	_ =	shalt  }
0x5f: {  	_ =	shalt  }
0x60: {  	_ =	shalt  }
0x61: {  	_ =	shalt  }
0x62: {  	_ =	shalt  }
0x63: {  	_ =	shalt  }
0x64: {  	_ =	shalt  }
0x65: {  	_ =	shalt  }
0x66: {  	_ =	shalt  }
0x67: {  	_ =	shalt  }
0x68: {  	_ =	shalt  }
0x69: {  	_ =	shalt  }
0x6a: {  	_ =	shalt  }
0x6b: {  	_ =	shalt  }
0x6c: {  	_ =	shalt  }
0x6d: {  	_ =	shalt  }
0x6e: {  	_ =	shalt  }
0x6f: {  	_ =	shalt  }
0x70: {  	_ =	shalt  }
0x71: {  	_ =	shalt  }
0x72: {  	_ =	shalt  }
0x73: {  	_ =	shalt  }
0x74: {  	_ =	shalt  }
0x75: {  	_ =	shalt  }
0x76: {  	_ =	shalt  }
0x77: {  	_ =	shalt  }
0x78: {  	_ =	shalt  }
0x79: {  	_ =	shalt  }
0x7a: {  	_ =	shalt  }
0x7b: {  	_ =	shalt  }
0x7c: {  	_ =	shalt  }
0x7d: {  	_ =	shalt  }
0x7e: {  	_ =	shalt  }
0x7f: {  	_ =	shalt  }
0x80: {  	_ =	shalt  }
0x81: {  	_ =	shalt  }
0x82: {  	_ =	shalt  }
0x83: {  	_ =	shalt  }
0x84: {  	_ =	shalt  }
0x85: {  	_ =	shalt  }
0x86: {  	_ =	shalt  }
0x87: {  	_ =	shalt  }
.Lfunc_end0:
.L_simem_size_0:
called_computation.1_lowered:
.L_overlay_start_0:
0x88: {  	s2 =	sld [smem:$0x3FD9]  }
0x89: {  	s3 =	sld [smem:$0x3FFE];
	_ =	sdelay $0x1  }
0x8a: {  	s1 =	srdreg.scid  }
0x8b: {  	s0 =	sand.u32 $0x1, s1  }
0x8c: {  	s17 =	sshll.u32 s0, $0xA;
	s2 =	sadd.s32 s3, s2  }
0x8d: {  	s2 =	sadd.s32 s2, s17  }
0x8e: {  	[smem:$0x3FBC] =	sst s2  }
0x8f: {  	_ = 	snop  }
0x90: {  	s2 =	sld [smem:$0x3FD0];
	(tm) =	ssettm $0x1  }
0x91: {  	s18 =	sld [smem:$0x3FFB];
	_ =	sdelay $0x3  }
0x92: {  	_ =	strace s18  }
0x93: {  	s3 =	sld [smem:$0x3FFC];
	_ =	sdelay $0x3  }
0x94: {  	_ =	strace s3  }
0x95: {  	s3 =	sld [smem:$0x3FFD];
	_ =	sdelay $0x3  }
0x96: {  	_ =	strace s3  }
0x97: {  	_ =	strace $0x8FFFFFFF  }
0x98: {  	s19 =	sld [smem:$0x3FDB];
	_ =	sdelay $0x1  }
0x99: {  	s4 =	simm.s32 $_scs_section_size  }
0x9a: {  	s5 =	simm.s32 $_size__tile_overlayer_lowered;
	s6 =	simm.s32 $_tile_overlayer_lowered  }
0x9b: {  	s22 =	simm.s32 $0x1BFF;
	s21 =	sshll.u32 s6, $0x1;
	s3 =	sadd.s32 s4, s19  }
0x9c: {  	s7 =	simm.s32 $0x0;
	s20 =	sshll.u32 s5, $0x1;
	s5 =	sadd.s32 s21, s3  }
0x9d: {  	[timem:s7], [sflag:s22] =	dma.local [hbm:s5], s20  }
0x9e: {  	_ =	swait.ge [sflag:s22], s20  }
0x9f: {  	s4 =	ssub.s32 $0x0, s20;
	[sflag:s22] =	ssyncset.done $0x0  }
0xa0: {  	[sflag:s22] =	ssyncadd.s32 s4;
	_ =	sdelay $0x1  }
0xa1: {  	s23 =	simm.s32 $0x1B8B  }
0xa2: {  	_ =	swait.ge [sflag:s23], $0x1  }
0xa3: {  	[sflag:s23] =	ssyncset.done $0x0  }
0xa4: {  	s25 =	simm.s32 $0x1B8E;
	s24 =	sld [smem:$0x3FFE];
	[sflag:s23] =	ssyncadd.s32 $0xFFFFFFFF  }
0xa5: {  	s26 =	simm.s32 $execute0_lowered;
	[smem:$0x3FD2] =	sst s25  }
0xa6: {  	s5 =	sshll.u32 s26, $0x1;
	_ =	strace $0x80000049;
	[dreg:$0x1] =	wrdreg $0xFFFFFFFF  }
0xa7: {  	s28 =	simm.s32 $_size_execute0_lowered;
	s3 =	sadd.s32 s3, s5;
	[dreg:$0x0] =	wrdreg $0x0  }
0xa8: {  	s5 =	sshll.u32 s28, $0x1;
	[dreg:$0x2] =	wrdreg s3  }
0xa9: {  	[dreg:$0x3] =	wrdreg s5  }
0xaa: {  	[dreg:$0x4] =	wrdreg $0xC0  }
0xab: {  	_ =	task [dreg:s7], $0x5FFFF  }
0xac: {  	[dreg:$0x1] =	wrdreg $0xFFFFFFFF  }
0xad: {  	[dreg:$0x0] =	wrdreg $0x60  }
0xae: {  	[dreg:$0x2] =	wrdreg s24  }
0xaf: {  	[dreg:$0x3] =	wrdreg s2  }
0xb0: {  	[dreg:$0x4] =	wrdreg $0xA1800  }
0xb1: {  	[dreg:$0x5] =	wrdreg $0x9  }
0xb2: {  	_ =	task.clear_ibuf [dreg:s7], $0x6FFFF;
	_ =	strace $0x90000049  }
0xb3: {  	s29 =	simm.s32 $0x9;
	_ =	strace $0x8000004B  }
0xb4: {  	_ =	swait.ge [sflag:s29], $0x1  }
0xb5: {  	[sflag:s29] =	ssyncadd.s32 $0xFFFFFFFF  }
0xb6: {  	_ =	strace $0x9000004B  }
0xb7: {  	_ =	sfence  }
0xb8: {  	s30 =	sld [smem:$0x0];
	_ =	sdelay $0x2  }
0xb9: {  	s31 =	sshll.u32 s1, $0xD;
	s1 =	sshrl.u32 s1, $0x2  }
0xba: {  	s3 =	sand.u32 $0x4000, s31;
	s1 =	sadd.s32 s1, s30  }
0xbb: {  	s0 =	sor.u32 s3, s0;
	s1 =	sshll.u32 s1, $0x11  }
0xbc: {  	s0 =	sor.u32 s1, s0  }
0xbd: {  	s0 =	sadd.s32 $0x8F2B, s0  }
0xbe: {  	[sflag:s0] =	ssyncadd.remote.s32 $0x1  }
0xbf: {  	_ =	sfence.sel $0xFFFF  }
0xc0: {  	[dreg:$0x0] =	wrdreg $0xFFFFFFFF;
	(pc) =	sbr.abs _section_cstart, $3  }
0xc1: {  	[dreg:$0x1] =	wrdreg $0xFFFFFFFF  }
0xc2: {  	_ =	task.clear_ibuf [dreg:s7], $0x2FFFF;
	_ =	strace $0x9FFFFFFF  }
0xc3: {  	(tm) =	ssettm $0x7FFFFFFF  }
tec
execute0_lowered:
.L_overlay_start_1:
0x0: {  	(tag) =	ssettag $0x1  }
0x1: {  	s0 =	rddreg [dreg:$0x0]  }
0x2: {  	s1 =	srdreg.scid;
	s2 =	rddreg [dreg:$0x1]  }
0x3: {  	s21 =	stileid.u32;
	s3 =	rddreg [dreg:$0x2]  }
0x4: {  	s29 =	simm.s32 $0x5;
	s9 =	sor.u32 $0x10, s21;
	s11 =	smul.u32 $0x2800, s21  }
0x5: {  	s30 =	simm.s32 $0x3;
	s10 =	sor.u32 $0x20, s21;
	s13 =	smul.u32 $0x2800, s9  }
0x6: {  	s31 =	simm.s32 $0x6;
	s12 =	sor.u32 $0x30, s21;
	s18 =	smul.u32 $0x2800, s10  }
0x7: {  	s1 =	sand.u32 $0x1, s1;
	s14 =	sor.u32 $0x40, s21;
	s25 =	smul.u32 $0x2800, s12  }
0x8: {  	s8 =	sadd.s32 $0x33400, s0;
	s15 =	sor.u32 $0x50, s21;
	s19 =	smul.u32 $0x2800, s14  }
0x9: {  	s16 =	sor.u32 $0x60, s21;
	s4 =	sshll.u32 s1, $0x4;
	s20 =	smul.u32 $0x2800, s15  }
0xa: {  	s6 =	ssub.s32 $0x2, s1;
	s9 =	smul.u32 $0xA000, s9;
	s5 =	sor.u32 s21, s4  }
0xb: {  	s17 =	sor.u32 $0x70, s21;
	s7 =	sshrl.u32 s6, $0x1;
	s5 =	smul.u32 $0x2710, s5  }
0xc: {  	s4 =	simm.s32 $0x0;
	s6 =	ssub.s32 s6, s7;
	s7 =	smul.u32 $0x138800, s1  }
0xd: {  	p0 =	sgt.u32 s17, $0x7C;
	[smem:$0x7FF] =	sst s4;
	s1 =	smul.u32 $0x27100, s1  }
0xe: {  	_ =	strace $0x8000004A;
	s6 =	smax.u32 s6, $0x1;
	s5 =	sshrl.u32 s5, $0x3  }
0xf: {  	s11 =	sadd.s32 s7, s11;
	s24 =	sadd.s32 s7, s13;
	s18 =	sadd.s32 s7, s18  }
0x10: {  	s13 =	sadd.s32 s7, s25;
	s22 =	sadd.s32 s7, s19;
	s25 =	smul.u32 $0x2800, s17  }
0x11: {  	s23 =	sadd.s32 s7, s20;
	s19 =	smul.u32 $0xA000, s21;
	[dreg:$0xe] =	wrdreg s6  }
0x12: {  	s11 =	sshrl.u32 s11, $0x3;
	s18 =	sshrl.u32 s18, $0x3;
	s28 =	sshrl.u32 s13, $0x3  }
0x13: {  	s13 =	sshrl.u32 s22, $0x3;
	s22 =	smul.u32 $0xA000, s10;
	s10 =	sadd.s32 s2, s5  }
0x14: {  	s20 =	sadd.s32 s5, s0;
	s11 =	sadd.s32 s8, s11;
	[dreg:$0xd] =	wrdreg s10  }
0x15: {  	s26 =	sadd.s32 s8, s18;
	s18 =	sshrl.u32 s23, $0x3;
	[dreg:$0x4] =	wrdreg s11  }
0x16: {  	s23 =	sshrl.u32 s19, $0x2;
	s19 =	sadd.s32 $0xA, s10;
	[dreg:$0x6] =	wrdreg s26  }
0x17: {  	s11 =	sshrl.u32 s24, $0x3;
	s26 =	sadd.s32 s8, s13;
	[dreg:$0x17] =	wrdreg s19  }
0x18: {  	s24 =	smul.u32 $0x2800, s16;
	s11 =	sadd.s32 s8, s11;
	[dreg:$0x8] =	wrdreg s26  }
0x19: {  	s26 =	sshrl.u32 s9, $0x2;
	s9 =	smul.u32 $0xA000, s16;
	[dreg:$0x5] =	wrdreg s11  }
0x1a: {  	s11 =	sadd.s32 s8, s28;
	s28 =	sadd.s32 s8, s18;
	s18 =	smul.u32 $0x2710, s21  }
0x1b: {  	s13 =	sadd.s32 s7, s24;
	s7 =	sadd.s32 s7, s25;
	s24 =	smul.u32 $0xA000, s12  }
0x1c: {  	s21 =	sadd.s32 $0x2400, s20;
	s25 =	smul.u32 $0xA000, s14;
	[dreg:$0x7] =	wrdreg s11  }
0x1d: {  	s20 =	sadd.s32 s23, s3;
	s14 =	smul.u32 $0xA000, s17;
	[dreg:$0x9] =	wrdreg s28  }
0x1e: {  	s11 =	sshrl.u32 s13, $0x3;
	s7 =	sshrl.u32 s7, $0x3;
	s13 =	sadd.s32 $0xC200, s0  }
0x1f: {  	[dreg:$0xc] =	wrdreg s21;
	s0 =	sshrl.u32 s22, $0x2;
	s28 =	smul.u32 $0xA000, s15  }
0x20: {  	s22 =	sadd.s32 s26, s3;
	s12 =	sshrl.u32 s9, $0x2;
	s21 =	sadd.s32 $0x14, s10  }
0x21: {  	s26 =	sadd.s32 $0x4CE, s10;
	s9 =	simm.s32 $0x2800;
	s11 =	sadd.s32 s8, s11  }
0x22: {  	s7 =	sadd.s32 s8, s7;
	s1 =	sadd.s32 s18, s1;
	[dreg:$0x18] =	wrdreg s21  }
0x23: {  	s23 =	sadd.s32 s0, s3;
	s5 =	sshrl.u32 s25, $0x2;
	[dreg:$0x19] =	wrdreg s26  }
0x24: {  	s0 =	sadd.s32 s12, s3;
	s12 =	simm.s32 $0x1;
	[dreg:$0xa] =	wrdreg s11  }
0x25: {  	[dreg:$0xb] =	wrdreg s7;
	s7 =	sshrl.u32 s24, $0x2;
	s8 =	sshrl.u32 s28, $0x2  }
0x26: {  	s25 =	sadd.s32 s5, s3;
	[dreg:$0x12] =	wrdreg s0;
	s15 =	sadd.s32 $0x190, s1  }
0x27: {  	s16 =	sadd.s32 $0x140, s1;
	s5 =	sshrl.u32 s14, $0x2;
	s18 =	sadd.s32 $0xF0, s1  }
0x28: {  	s28 =	sadd.s32 $0x4D8, s10;
	s10 =	simm.s32 $0x7980;
	s14 =	simm.s32 $0x4  }
0x29: {  	s1 =	simm.s32 $0x8;
	s24 =	sadd.s32 s7, s3;
	[dreg:$0x16] =	wrdreg s18  }
0x2a: {  	s11 =	sadd.s32 s8, s3;
	s0 =	sshrl.u32 s15, $0x3;
	[dreg:$0x1a] =	wrdreg s28  }
0x2b: {  	s6 =	sshrl.u32 s16, $0x3;
	s5 =	sadd.s32 s5, s3;
	[dreg:$0x10] =	wrdreg s25  }
0x2c: {  	s7 =	simm.s32 $0x2780;
	s8 =	simm.s32 $0x5180;
	[dreg:$0x11] =	wrdreg s11  }
0x2d: {  	s16 =	simm.s32 $0x2;
	s15 =	simm.s32 $0x0;
	[dreg:$0x13] =	wrdreg s5  }
0x2e: {  	s0 =	sadd.s32 s0, s2;
	s17 =	sadd.s32 s6, s2;
	[dreg:$0xf] =	wrdreg s24  }
0x2f: {  	s5 =	simm.s32 $0x7;
	s6 =	simm.s32 $0x50;
	[dreg:$0x14] =	wrdreg s0  }
0x30: {  	v0 =	vimm.f32 $0.0e+00;
	s11 =	simm.s32 $0x2880;
	[dreg:$0x15] =	wrdreg s17;
	s0 =	simm.s32 $0x2980  }
.LBB2_1:
0x31: {  	s17 =	simm.s32 $0x70;
	s18 =	simm.s32 $0x3C0  }
.LBB2_2:
0x32: {  	p1 =	sne.s32 s18, $0x9FC0;
	[tilespmem:s17+$0x2980] =	vst v0  }
0x33: {  	[tilespmem:s17+$0x2910] =	vst v0  }
0x34: {  	[tilespmem:s17+$0x2920] =	vst v0  }
.Ltmp0:
0x35: {  	[tilespmem:s17+$0x2930] =	vst v0;
	(pc) =	sbr.rel @p1 .LBB2_2-.Ltmp0, $4  }
0x36: {  	[tilespmem:s17+$0x2940] =	vst v0  }
0x37: {  	[tilespmem:s17+$0x2950] =	vst v0  }
0x38: {  	[tilespmem:s17+$0x2960] =	vst v0  }
0x39: {  	[tilespmem:s17+$0x2970] =	vst v0;
	s17 =	sshra.s32 s18, $0x2;
	s18 =	sadd.s32 $0x200, s18  }
0x3a: {  	[tilespmem:s17+$0x2980] =	vst v0  }
0x3b: {  	[tilespmem:s17+$0x2910] =	vst v0  }
0x3c: {  	[tilespmem:s17+$0x2920] =	vst v0  }
0x3d: {  	[tilespmem:s17+$0x2930] =	vst v0  }
0x3e: {  	[tilespmem:s17+$0x2940] =	vst v0  }
0x3f: {  	[tilespmem:s17+$0x2950] =	vst v0  }
0x40: {  	[tilespmem:s17+$0x2960] =	vst v0  }
0x41: {  	[tilespmem:s17+$0x2970] =	vst v0  }
0x42: {  	[spmem:s20] =	stream.linear.scatter [tilespmem:s0], [sflag:$0x7], $0x2800, $0x38;
	[tilespmem:$0x1DA00] =	vst v63  }
0x43: {  	_ =	swait.ge [sflag:s5], $0x2800  }
0x44: {  	[sflag:s5] =	ssyncset.done $0x0  }
0x45: {  	[sflag:s5] =	ssyncadd.s32 $0xFFFFD800  }
0x46: {  	[spmem:s22] =	stream.linear.scatter [tilespmem:s0], [sflag:$0x7], $0x2800, $0x38;
	[tilespmem:$0x1DA00] =	vst v63  }
0x47: {  	_ =	swait.ge [sflag:s5], $0x2800  }
0x48: {  	[sflag:s5] =	ssyncset.done $0x0  }
0x49: {  	[sflag:s5] =	ssyncadd.s32 $0xFFFFD800  }
0x4a: {  	[spmem:s23] =	stream.linear.scatter [tilespmem:s0], [sflag:$0x7], $0x2800, $0x38;
	[tilespmem:$0x1DA00] =	vst v63  }
0x4b: {  	_ =	swait.ge [sflag:s5], $0x2800  }
0x4c: {  	[sflag:s5] =	ssyncset.done $0x0  }
0x4d: {  	[sflag:s5] =	ssyncadd.s32 $0xFFFFD800  }
0x4e: {  	[spmem:s24] =	stream.linear.scatter [tilespmem:s0], [sflag:$0x7], $0x2800, $0x38;
	[tilespmem:$0x1DA00] =	vst v63  }
0x4f: {  	_ =	swait.ge [sflag:s5], $0x2800  }
0x50: {  	[sflag:s5] =	ssyncset.done $0x0  }
0x51: {  	[sflag:s5] =	ssyncadd.s32 $0xFFFFD800  }
0x52: {  	[spmem:s25] =	stream.linear.scatter [tilespmem:s0], [sflag:$0x7], $0x2800, $0x38;
	[tilespmem:$0x1DA00] =	vst v63  }
0x53: {  	_ =	swait.ge [sflag:s5], $0x2800  }
0x54: {  	[sflag:s5] =	ssyncset.done $0x0  }
0x55: {  	s25 =	rddreg [dreg:$0x11];
	[sflag:s5] =	ssyncadd.s32 $0xFFFFD800  }
0x56: {  	[spmem:s25] =	stream.linear.scatter [tilespmem:s0], [sflag:$0x7], $0x2800, $0x38;
	[tilespmem:$0x1DA00] =	vst v63  }
0x57: {  	_ =	swait.ge [sflag:s5], $0x2800  }
0x58: {  	[sflag:s5] =	ssyncset.done $0x0  }
0x59: {  	s18 =	rddreg [dreg:$0x12];
	[sflag:s5] =	ssyncadd.s32 $0xFFFFD800  }
0x5a: {  	[spmem:s18] =	stream.linear.scatter [tilespmem:s0], [sflag:$0x7], $0x2800, $0x38;
	[tilespmem:$0x1DA00] =	vst v63  }
0x5b: {  	_ =	swait.ge [sflag:s5], $0x2800  }
0x5c: {  	[sflag:s5] =	ssyncset.done $0x0  }
0x5d: {  	s17 =	simm.s32 @!p0 $0x2980;
	s18 =	rddreg [dreg:$0x13];
	[sflag:s5] =	ssyncadd.s32 $0xFFFFD800  }
0x5e: {  	[spmem:s18] =	stream.linear.scatter @!p0 [tilespmem:s17], [sflag:$0x7], $0x2800, $0x38;
	[tilespmem:$0x1DA00] =	vst v63  }
0x5f: {  	s17 =	simm.s32 @!p0 $0x7  }
0x60: {  	_ =	swait.ge @!p0 [sflag:s17], $0x2800  }
0x61: {  	s26 =	smov.u32 s20;
	[sflag:s17] =	ssyncset.done @!p0 $0x0  }
0x62: {  	s19 =	simm.s32 $0x0;
	s20 =	rddreg [dreg:$0xc];
	[sflag:s17] =	ssyncadd.s32 @!p0 $0xFFFFD800  }
0x63: {  	[tilespmem:s19], [sflag:$0x7] =	stream.linear.gather [hbm4b:s20+s19], $0x2710, $0x38;
	[tilespmem:$0x1DA00] =	vst v63  }
0x64: {  	_ =	swait.ge [sflag:s5], $0x2710  }
0x65: {  	[sflag:s5] =	ssyncset.done $0x0  }
0x66: {  	[sflag:s5] =	ssyncadd.s32 $0xFFFFD8F0  }
0x67: {  	[tilespmem:s0], [sflag:$0x1] =	stream.indirect.gather [hbm4b:s13+s6], $0x80, s19, s6, $0xb8;
	[tilespmem:$0x1DA00] =	vst v63  }
0x68: {  	s28 =	smov.u32 s22;
	s22 =	rddreg [dreg:$0xd]  }
0x69: {  	[tilespmem:s7], [sflag:$0x4] =	stream.linear.gather [hbm4b:s22+s19], $0x50, $0x38;
	[tilespmem:$0x1DA00] =	vst v63  }
0x6a: {  	_ = 	snop  }
0x6b: {  	[tilespmem:s8], [sflag:$0x2] =	stream.indirect.gather [hbm4b:s13+s6], $0x80, s6, s6, $0xb8;
	[tilespmem:$0x1DA00] =	vst v63  }
0x6c: {  	s21 =	smov.u32 s23;
	s23 =	rddreg [dreg:$0x17]  }
0x6d: {  	[tilespmem:s9], [sflag:$0x5] =	stream.linear.gather [hbm4b:s23+s19], $0x50, $0x38;
	[tilespmem:$0x1DA00] =	vst v63  }
0x6e: {  	s24 =	simm.s32 $0xA0  }
0x6f: {  	[tilespmem:s10], [sflag:$0x3] =	stream.indirect.gather [hbm4b:s13+s6], $0x80, s24, s6, $0xb8;
	[tilespmem:$0x1DA00] =	vst v63  }
0x70: {  	s25 =	rddreg [dreg:$0x18]  }
0x71: {  	[tilespmem:s11], [sflag:$0x6] =	stream.linear.gather [hbm4b:s25+s19], $0x50, $0x38;
	[tilespmem:$0x1DA00] =	vst v63  }
0x72: {  	[bflag:$0x0] =	sbarrier.arrive $0xFFFF  }
0x73: {  	_ =	swait.ge [sflag:s12], $0x2800  }
0x74: {  	[sflag:s12] =	ssyncset.done $0x0  }
0x75: {  	[sflag:s12] =	ssyncadd.s32 $0xFFFFD800  }
0x76: {  	_ =	swait.ge [sflag:s14], $0x50  }
0x77: {  	[sflag:s14] =	ssyncset.done $0x0  }
0x78: {  	[sflag:s14] =	ssyncadd.s32 $0xFFFFFFB0  }
0x79: {  	[spmem:s3] =	stream.indirect.scatter.add.f32 [tilespmem:s0], [sflag:$0x7], $0x80, s7, s6, $0xb8;
	[tilespmem:$0x1DA00] =	vst v63  }
0x7a: {  	_ =	swait.ge [sflag:s5], $0x2800  }
0x7b: {  	[sflag:s5] =	ssyncset.done $0x0;
	s20 =	rddreg [dreg:$0x16]  }
0x7c: {  	s19 =	simm.s32 $0xF0;
	[sflag:s5] =	ssyncadd.s32 $0xFFFFD800;
	s22 =	sshrl.u32 s20, $0x3  }
0x7d: {  	[tilespmem:s0], [sflag:$0x1] =	stream.indirect.gather [hbm4b:s13+s6], $0x80, s19, s6, $0xb8;
	[tilespmem:$0x1DA00] =	vst v63  }
0x7e: {  	s23 =	sadd.s32 s2, s22  }
0x7f: {  	[tilespmem:s7], [sflag:$0x4] =	stream.linear.gather [hbm4b:s23+s4], $0x50, $0x38;
	[tilespmem:$0x1DA00] =	vst v63  }
0x80: {  	_ =	swait.ge [sflag:s16], $0x2800  }
0x81: {  	[sflag:s16] =	ssyncset.done $0x0  }
0x82: {  	[sflag:s16] =	ssyncadd.s32 $0xFFFFD800  }
0x83: {  	_ =	swait.ge [sflag:s29], $0x50  }
0x84: {  	[sflag:s29] =	ssyncset.done $0x0  }
0x85: {  	[sflag:s29] =	ssyncadd.s32 $0xFFFFFFB0  }
0x86: {  	[spmem:s3] =	stream.indirect.scatter.add.f32 [tilespmem:s8], [sflag:$0x7], $0x80, s9, s6, $0xb8;
	[tilespmem:$0x1DA00] =	vst v63  }
0x87: {  	_ =	swait.ge [sflag:s5], $0x2800  }
0x88: {  	[sflag:s5] =	ssyncset.done $0x0  }
0x89: {  	s24 =	simm.s32 $0x140;
	[sflag:s5] =	ssyncadd.s32 $0xFFFFD800  }
0x8a: {  	[tilespmem:s8], [sflag:$0x2] =	stream.indirect.gather [hbm4b:s13+s6], $0x80, s24, s6, $0xb8;
	[tilespmem:$0x1DA00] =	vst v63  }
0x8b: {  	s19 =	rddreg [dreg:$0x15]  }
0x8c: {  	[tilespmem:s9], [sflag:$0x5] =	stream.linear.gather [hbm4b:s19+s4], $0x50, $0x38;
	[tilespmem:$0x1DA00] =	vst v63  }
0x8d: {  	_ =	swait.ge [sflag:s30], $0x2800  }
0x8e: {  	[sflag:s30] =	ssyncset.done $0x0  }
0x8f: {  	[sflag:s30] =	ssyncadd.s32 $0xFFFFD800  }
0x90: {  	_ =	swait.ge [sflag:s31], $0x50  }
0x91: {  	[sflag:s31] =	ssyncset.done $0x0  }
0x92: {  	[sflag:s31] =	ssyncadd.s32 $0xFFFFFFB0  }
0x93: {  	[spmem:s3] =	stream.indirect.scatter.add.f32 [tilespmem:s10], [sflag:$0x7], $0x80, s11, s6, $0xb8;
	[tilespmem:$0x1DA00] =	vst v63  }
0x94: {  	_ =	swait.ge [sflag:s5], $0x2800  }
0x95: {  	[sflag:s5] =	ssyncset.done $0x0  }
0x96: {  	s25 =	simm.s32 $0x190;
	[sflag:s5] =	ssyncadd.s32 $0xFFFFD800  }
0x97: {  	[tilespmem:s10], [sflag:$0x3] =	stream.indirect.gather [hbm4b:s13+s6], $0x80, s25, s6, $0xb8;
	[tilespmem:$0x1DA00] =	vst v63  }
0x98: {  	s17 =	simm.s32 $0x3C0;
	s25 =	rddreg [dreg:$0x14]  }
0x99: {  	s20 =	sadd.s32 $0xF0, s20;
	s19 =	sadd.s32 $0x1E, s19;
	s18 =	sadd.s32 $0x1E, s25  }
.LBB2_4:
0x9a: {  	[tilespmem:s11], [sflag:$0x6] =	stream.linear.gather [hbm4b:s25+s4], $0x50, $0x38;
	[tilespmem:$0x1DA00] =	vst v63  }
0x9b: {  	s22 =	smov.u32 s17;
	s25 =	smov.u32 s18  }
0x9c: {  	p1 =	sne.s32 s17, $0x9240;
	s17 =	sadd.s32 $0x3C0, s17;
	_ =	swait.ge [sflag:s12], $0x2800  }
0x9d: {  	[sflag:s12] =	ssyncset.done $0x0  }
0x9e: {  	[sflag:s12] =	ssyncadd.s32 $0xFFFFD800  }
0x9f: {  	_ =	swait.ge [sflag:s14], $0x50  }
0xa0: {  	[sflag:s14] =	ssyncset.done $0x0  }
0xa1: {  	[sflag:s14] =	ssyncadd.s32 $0xFFFFFFB0  }
0xa2: {  	[spmem:s3] =	stream.indirect.scatter.add.f32 [tilespmem:s0], [sflag:$0x7], $0x80, s7, s6, $0xb8;
	[tilespmem:$0x1DA00] =	vst v63  }
0xa3: {  	_ =	swait.ge [sflag:s5], $0x2800  }
0xa4: {  	s22 =	sshra.s32 s22, $0x2;
	[sflag:s5] =	ssyncset.done $0x0  }
0xa5: {  	s24 =	sshrl.u32 s20, $0x3;
	s23 =	sadd.s32 $0xF0, s22;
	[sflag:s5] =	ssyncadd.s32 $0xFFFFD800  }
0xa6: {  	[tilespmem:s0], [sflag:$0x1] =	stream.indirect.gather [hbm4b:s13+s6], $0x80, s23, s6, $0xb8;
	[tilespmem:$0x1DA00] =	vst v63  }
0xa7: {  	s23 =	sadd.s32 s2, s24  }
0xa8: {  	[tilespmem:s7], [sflag:$0x4] =	stream.linear.gather [hbm4b:s23+s4], $0x50, $0x38;
	[tilespmem:$0x1DA00] =	vst v63  }
0xa9: {  	_ =	swait.ge [sflag:s16], $0x2800  }
0xaa: {  	[sflag:s16] =	ssyncset.done $0x0  }
0xab: {  	[sflag:s16] =	ssyncadd.s32 $0xFFFFD800  }
0xac: {  	_ =	swait.ge [sflag:s29], $0x50  }
0xad: {  	[sflag:s29] =	ssyncset.done $0x0  }
0xae: {  	[sflag:s29] =	ssyncadd.s32 $0xFFFFFFB0  }
0xaf: {  	[spmem:s3] =	stream.indirect.scatter.add.f32 [tilespmem:s8], [sflag:$0x7], $0x80, s9, s6, $0xb8;
	[tilespmem:$0x1DA00] =	vst v63  }
0xb0: {  	_ =	swait.ge [sflag:s5], $0x2800  }
0xb1: {  	[sflag:s5] =	ssyncset.done $0x0  }
0xb2: {  	s23 =	sadd.s32 $0x140, s22;
	[sflag:s5] =	ssyncadd.s32 $0xFFFFD800  }
0xb3: {  	[tilespmem:s8], [sflag:$0x2] =	stream.indirect.gather [hbm4b:s13+s6], $0x80, s23, s6, $0xb8;
	[tilespmem:$0x1DA00] =	vst v63  }
0xb4: {  	_ = 	snop  }
0xb5: {  	[tilespmem:s9], [sflag:$0x5] =	stream.linear.gather [hbm4b:s19+s4], $0x50, $0x38;
	[tilespmem:$0x1DA00] =	vst v63  }
0xb6: {  	_ =	swait.ge [sflag:s30], $0x2800  }
0xb7: {  	[sflag:s30] =	ssyncset.done $0x0  }
0xb8: {  	[sflag:s30] =	ssyncadd.s32 $0xFFFFD800  }
0xb9: {  	_ =	swait.ge [sflag:s31], $0x50  }
0xba: {  	[sflag:s31] =	ssyncset.done $0x0  }
0xbb: {  	[sflag:s31] =	ssyncadd.s32 $0xFFFFFFB0  }
0xbc: {  	[spmem:s3] =	stream.indirect.scatter.add.f32 [tilespmem:s10], [sflag:$0x7], $0x80, s11, s6, $0xb8;
	[tilespmem:$0x1DA00] =	vst v63  }
.Ltmp1:
0xbd: {  	_ =	swait.ge [sflag:s5], $0x2800;
	(pc) =	sbr.rel @p1 .LBB2_4-.Ltmp1, $4  }
0xbe: {  	[sflag:s5] =	ssyncset.done $0x0  }
0xbf: {  	s22 =	sadd.s32 $0x190, s22;
	[sflag:s5] =	ssyncadd.s32 $0xFFFFD800  }
0xc0: {  	[tilespmem:s10], [sflag:$0x3] =	stream.indirect.gather [hbm4b:s13+s6], $0x80, s22, s6, $0xb8;
	[tilespmem:$0x1DA00] =	vst v63  }
0xc1: {  	s18 =	sadd.s32 $0x1E, s18;
	s20 =	sadd.s32 $0xF0, s20;
	s19 =	sadd.s32 $0x1E, s19  }
0xc2: {  	[tilespmem:s11], [sflag:$0x6] =	stream.linear.gather [hbm4b:s25+s4], $0x50, $0x38;
	[tilespmem:$0x1DA00] =	vst v63  }
0xc3: {  	_ =	swait.ge [sflag:s12], $0x2800  }
0xc4: {  	[sflag:s12] =	ssyncset.done $0x0  }
0xc5: {  	[sflag:s12] =	ssyncadd.s32 $0xFFFFD800  }
0xc6: {  	_ =	swait.ge [sflag:s14], $0x50  }
0xc7: {  	[sflag:s14] =	ssyncset.done $0x0  }
0xc8: {  	[sflag:s14] =	ssyncadd.s32 $0xFFFFFFB0  }
0xc9: {  	[spmem:s3] =	stream.indirect.scatter.add.f32 [tilespmem:s0], [sflag:$0x7], $0x80, s7, s6, $0xb8;
	[tilespmem:$0x1DA00] =	vst v63  }
0xca: {  	_ =	swait.ge [sflag:s5], $0x2800  }
0xcb: {  	[sflag:s5] =	ssyncset.done $0x0  }
0xcc: {  	s17 =	simm.s32 $0x2670;
	[sflag:s5] =	ssyncadd.s32 $0xFFFFD800  }
0xcd: {  	[tilespmem:s0], [sflag:$0x1] =	stream.indirect.gather [hbm4b:s13+s6], $0x80, s17, s6, $0xb8;
	[tilespmem:$0x1DA00] =	vst v63  }
0xce: {  	s19 =	rddreg [dreg:$0x19]  }
0xcf: {  	[tilespmem:s7], [sflag:$0x4] =	stream.linear.gather [hbm4b:s19+s4], $0x50, $0x38;
	[tilespmem:$0x1DA00] =	vst v63  }
0xd0: {  	_ =	swait.ge [sflag:s16], $0x2800  }
0xd1: {  	[sflag:s16] =	ssyncset.done $0x0  }
0xd2: {  	[sflag:s16] =	ssyncadd.s32 $0xFFFFD800  }
0xd3: {  	_ =	swait.ge [sflag:s29], $0x50  }
0xd4: {  	[sflag:s29] =	ssyncset.done $0x0  }
0xd5: {  	[sflag:s29] =	ssyncadd.s32 $0xFFFFFFB0  }
0xd6: {  	[spmem:s3] =	stream.indirect.scatter.add.f32 [tilespmem:s8], [sflag:$0x7], $0x80, s9, s6, $0xb8;
	[tilespmem:$0x1DA00] =	vst v63  }
0xd7: {  	_ =	swait.ge [sflag:s5], $0x2800  }
0xd8: {  	[sflag:s5] =	ssyncset.done $0x0  }
0xd9: {  	s20 =	simm.s32 $0x26C0;
	[sflag:s5] =	ssyncadd.s32 $0xFFFFD800  }
0xda: {  	[tilespmem:s8], [sflag:$0x2] =	stream.indirect.gather [hbm4b:s13+s6], $0x80, s20, s6, $0xb8;
	[tilespmem:$0x1DA00] =	vst v63  }
0xdb: {  	s22 =	rddreg [dreg:$0x1a]  }
0xdc: {  	[tilespmem:s9], [sflag:$0x5] =	stream.linear.gather [hbm4b:s22+s4], $0x50, $0x38;
	[tilespmem:$0x1DA00] =	vst v63  }
0xdd: {  	_ =	swait.ge [sflag:s30], $0x2800  }
0xde: {  	[sflag:s30] =	ssyncset.done $0x0  }
0xdf: {  	[sflag:s30] =	ssyncadd.s32 $0xFFFFD800  }
0xe0: {  	_ =	swait.ge [sflag:s31], $0x50  }
0xe1: {  	[sflag:s31] =	ssyncset.done $0x0  }
0xe2: {  	[sflag:s31] =	ssyncadd.s32 $0xFFFFFFB0  }
0xe3: {  	[spmem:s3] =	stream.indirect.scatter.add.f32 [tilespmem:s10], [sflag:$0x7], $0x80, s11, s6, $0xb8;
	[tilespmem:$0x1DA00] =	vst v63  }
0xe4: {  	_ =	swait.ge [sflag:s5], $0x2800  }
0xe5: {  	[sflag:s5] =	ssyncset.done $0x0  }
0xe6: {  	[sflag:s5] =	ssyncadd.s32 $0xFFFFD800  }
0xe7: {  	_ =	swait.ge [sflag:s12], $0x2800  }
0xe8: {  	[sflag:s12] =	ssyncset.done $0x0  }
0xe9: {  	[sflag:s12] =	ssyncadd.s32 $0xFFFFD800  }
0xea: {  	_ =	swait.ge [sflag:s14], $0x50  }
0xeb: {  	[sflag:s14] =	ssyncset.done $0x0  }
0xec: {  	[sflag:s14] =	ssyncadd.s32 $0xFFFFFFB0  }
0xed: {  	[spmem:s3] =	stream.indirect.scatter.add.f32 [tilespmem:s0], [sflag:$0x7], $0x80, s7, s6, $0xb8;
	[tilespmem:$0x1DA00] =	vst v63  }
0xee: {  	_ =	swait.ge [sflag:s5], $0x2800  }
0xef: {  	[sflag:s5] =	ssyncset.done $0x0  }
0xf0: {  	[sflag:s5] =	ssyncadd.s32 $0xFFFFD800  }
0xf1: {  	_ =	swait.ge [sflag:s16], $0x2800  }
0xf2: {  	[sflag:s16] =	ssyncset.done $0x0  }
0xf3: {  	[sflag:s16] =	ssyncadd.s32 $0xFFFFD800  }
0xf4: {  	_ =	swait.ge [sflag:s29], $0x50  }
0xf5: {  	[sflag:s29] =	ssyncset.done $0x0  }
0xf6: {  	[sflag:s29] =	ssyncadd.s32 $0xFFFFFFB0  }
0xf7: {  	[spmem:s3] =	stream.indirect.scatter.add.f32 [tilespmem:s8], [sflag:$0x7], $0x80, s9, s6, $0xb8;
	[tilespmem:$0x1DA00] =	vst v63  }
0xf8: {  	_ =	swait.ge [sflag:s5], $0x2800  }
0xf9: {  	[sflag:s5] =	ssyncset.done $0x0  }
0xfa: {  	[sflag:s5] =	ssyncadd.s32 $0xFFFFD800  }
0xfb: {  	[bflag:$0x0] =	sbarrier.arrive $0xFFFF  }
0xfc: {  	[tilespmem:s0], [sflag:$0x8] =	stream.linear.gather [spmem:s26], $0x2800, $0x38;
	[tilespmem:$0x1DA00] =	vst v63  }
0xfd: {  	_ =	swait.ge [sflag:s1], $0x2800  }
0xfe: {  	[sflag:s1] =	ssyncset.done $0x0  }
0xff: {  	s23 =	rddreg [dreg:$0x4];
	[sflag:s1] =	ssyncadd.s32 $0xFFFFD800  }
0x100: {  	[hbm4b:s23+s4] =	stream.linear.scatter [tilespmem:s0], [sflag:$0x7], $0x2800, $0x38;
	[tilespmem:$0x1DA00] =	vst v63  }
0x101: {  	_ =	swait.ge [sflag:s5], $0x2800  }
0x102: {  	[sflag:s5] =	ssyncset.done $0x0  }
0x103: {  	[sflag:s5] =	ssyncadd.s32 $0xFFFFD800  }
0x104: {  	[tilespmem:s0], [sflag:$0x8] =	stream.linear.gather [spmem:s28], $0x2800, $0x38;
	[tilespmem:$0x1DA00] =	vst v63  }
0x105: {  	_ =	swait.ge [sflag:s1], $0x2800  }
0x106: {  	[sflag:s1] =	ssyncset.done $0x0  }
0x107: {  	s24 =	rddreg [dreg:$0x5];
	[sflag:s1] =	ssyncadd.s32 $0xFFFFD800  }
0x108: {  	[hbm4b:s24+s4] =	stream.linear.scatter [tilespmem:s0], [sflag:$0x7], $0x2800, $0x38;
	[tilespmem:$0x1DA00] =	vst v63  }
0x109: {  	_ =	swait.ge [sflag:s5], $0x2800  }
0x10a: {  	[sflag:s5] =	ssyncset.done $0x0  }
0x10b: {  	[sflag:s5] =	ssyncadd.s32 $0xFFFFD800  }
0x10c: {  	[tilespmem:s0], [sflag:$0x8] =	stream.linear.gather [spmem:s21], $0x2800, $0x38;
	[tilespmem:$0x1DA00] =	vst v63  }
0x10d: {  	_ =	swait.ge [sflag:s1], $0x2800  }
0x10e: {  	[sflag:s1] =	ssyncset.done $0x0  }
0x10f: {  	s25 =	rddreg [dreg:$0x6];
	[sflag:s1] =	ssyncadd.s32 $0xFFFFD800  }
0x110: {  	[hbm4b:s25+s4] =	stream.linear.scatter [tilespmem:s0], [sflag:$0x7], $0x2800, $0x38;
	[tilespmem:$0x1DA00] =	vst v63  }
0x111: {  	_ =	swait.ge [sflag:s5], $0x2800  }
0x112: {  	[sflag:s5] =	ssyncset.done $0x0  }
0x113: {  	s24 =	rddreg [dreg:$0xf];
	[sflag:s5] =	ssyncadd.s32 $0xFFFFD800  }
0x114: {  	[tilespmem:s0], [sflag:$0x8] =	stream.linear.gather [spmem:s24], $0x2800, $0x38;
	[tilespmem:$0x1DA00] =	vst v63  }
0x115: {  	_ =	swait.ge [sflag:s1], $0x2800  }
0x116: {  	[sflag:s1] =	ssyncset.done $0x0  }
0x117: {  	s20 =	smov.u32 s26;
	s26 =	rddreg [dreg:$0x7];
	[sflag:s1] =	ssyncadd.s32 $0xFFFFD800  }
0x118: {  	[hbm4b:s26+s4] =	stream.linear.scatter [tilespmem:s0], [sflag:$0x7], $0x2800, $0x38;
	[tilespmem:$0x1DA00] =	vst v63  }
0x119: {  	_ =	swait.ge [sflag:s5], $0x2800  }
0x11a: {  	[sflag:s5] =	ssyncset.done $0x0  }
0x11b: {  	s25 =	rddreg [dreg:$0x10];
	[sflag:s5] =	ssyncadd.s32 $0xFFFFD800  }
0x11c: {  	[tilespmem:s0], [sflag:$0x8] =	stream.linear.gather [spmem:s25], $0x2800, $0x38;
	[tilespmem:$0x1DA00] =	vst v63  }
0x11d: {  	_ =	swait.ge [sflag:s1], $0x2800  }
0x11e: {  	[sflag:s1] =	ssyncset.done $0x0  }
0x11f: {  	s22 =	smov.u32 s28;
	s28 =	rddreg [dreg:$0x8];
	[sflag:s1] =	ssyncadd.s32 $0xFFFFD800  }
0x120: {  	[hbm4b:s28+s4] =	stream.linear.scatter [tilespmem:s0], [sflag:$0x7], $0x2800, $0x38;
	[tilespmem:$0x1DA00] =	vst v63  }
0x121: {  	_ =	swait.ge [sflag:s5], $0x2800  }
0x122: {  	[sflag:s5] =	ssyncset.done $0x0  }
0x123: {  	s18 =	rddreg [dreg:$0x11];
	[sflag:s5] =	ssyncadd.s32 $0xFFFFD800  }
0x124: {  	[tilespmem:s0], [sflag:$0x8] =	stream.linear.gather [spmem:s18], $0x2800, $0x38;
	[tilespmem:$0x1DA00] =	vst v63  }
0x125: {  	_ =	swait.ge [sflag:s1], $0x2800  }
0x126: {  	[sflag:s1] =	ssyncset.done $0x0  }
0x127: {  	s19 =	rddreg [dreg:$0x9];
	[sflag:s1] =	ssyncadd.s32 $0xFFFFD800  }
0x128: {  	[hbm4b:s19+s4] =	stream.linear.scatter [tilespmem:s0], [sflag:$0x7], $0x2800, $0x38;
	[tilespmem:$0x1DA00] =	vst v63  }
0x129: {  	_ =	swait.ge [sflag:s5], $0x2800  }
0x12a: {  	[sflag:s5] =	ssyncset.done $0x0  }
0x12b: {  	s23 =	smov.u32 s21;
	s21 =	rddreg [dreg:$0x12];
	[sflag:s5] =	ssyncadd.s32 $0xFFFFD800  }
0x12c: {  	[tilespmem:s0], [sflag:$0x8] =	stream.linear.gather [spmem:s21], $0x2800, $0x38;
	[tilespmem:$0x1DA00] =	vst v63  }
0x12d: {  	_ =	swait.ge [sflag:s1], $0x2800  }
0x12e: {  	[sflag:s1] =	ssyncset.done $0x0  }
0x12f: {  	s26 =	rddreg [dreg:$0xa];
	[sflag:s1] =	ssyncadd.s32 $0xFFFFD800  }
0x130: {  	[hbm4b:s26+s4] =	stream.linear.scatter [tilespmem:s0], [sflag:$0x7], $0x2800, $0x38;
	[tilespmem:$0x1DA00] =	vst v63  }
0x131: {  	_ =	swait.ge [sflag:s5], $0x2800  }
0x132: {  	[sflag:s5] =	ssyncset.done $0x0  }
0x133: {  	s17 =	simm.s32 @!p0 $0x2980;
	s18 =	rddreg [dreg:$0x13];
	[sflag:s5] =	ssyncadd.s32 $0xFFFFD800  }
0x134: {  	[tilespmem:s17], [sflag:$0x8] =	stream.linear.gather @!p0 [spmem:s18], $0x2800, $0x38;
	[tilespmem:$0x1DA00] =	vst v63  }
0x135: {  	s18 =	simm.s32 @!p0 $0x8  }
0x136: {  	_ =	swait.ge @!p0 [sflag:s18], $0x2800  }
0x137: {  	[sflag:s18] =	ssyncset.done @!p0 $0x0  }
0x138: {  	s19 =	rddreg [dreg:$0xb];
	[sflag:s18] =	ssyncadd.s32 @!p0 $0xFFFFD800;
	s18 =	simm.s32 @!p0 $0x0  }
0x139: {  	[hbm4b:s19+s18] =	stream.linear.scatter @!p0 [tilespmem:s17], [sflag:$0x7], $0x2800, $0x38;
	[tilespmem:$0x1DA00] =	vst v63  }
0x13a: {  	s17 =	simm.s32 @!p0 $0x7  }
0x13b: {  	_ =	swait.ge @!p0 [sflag:s17], $0x2800  }
0x13c: {  	s15 =	sadd.s32 $0x1, s15;
	s28 =	rddreg [dreg:$0xe]  }
0x13d: {  	p1 =	sne.s32 s15, s28  }
.Ltmp2:
0x13e: {  	_ = 	snop;
	(pc) =	sbr.rel @p1 .LBB2_1-.Ltmp2, $3  }
0x13f: {  	_ =	sdelay $0x1  }
0x140: {  	[sflag:s17] =	ssyncset.done @!p0 $0x0  }
0x141: {  	[sflag:s17] =	ssyncadd.s32 @!p0 $0xFFFFD800  }
0x142: {  	_ =	sfence.sel $0x180000  }
0x143: {  	[bflag:$0x0] =	sbarrier.arrive $0xFFFF  }
0x144: {  	_ =	strace $0x9000004A  }
0x145: {  	s0 =	stileid.u32;
	[bflag:$0x2] =	sbarrier.arrive $0xFFFF  }
0x146: {  	p0 =	sne.s32 s0, $0x0;
	s0 =	rddreg [dreg:$0x3]  }
0x147: {  	s0 =	sadd.s32 @!p0 $0x100000, s0  }
0x148: {  	[sflag:s0] =	ssyncadd.tile.s32 @!p0 $0x1;
	_ =	shalt  }
.Lfunc_end2:
_tile_overlayer_lowered:
.L_overlay_start_2:
0x149: {  	(tag) =	ssettag $0x2  }
0x14a: {  	s0 =	rddreg [dreg:$0x0];
	s2 =	stileid.u32  }
0x14b: {  	s1 =	rddreg [dreg:$0x1];
	p0 =	sne.s32 s2, $0x0  }
0x14c: {  	s3 =	rddreg [dreg:$0x2];
	[bflag:$0x3] =	sbarrier.arrive $0xFFFF;
	s2 =	simm.s32 @!p0 $0x1C07  }
0x14d: {  	[timem:s3], [sflag:s2] =	dma.local @!p0 [hbm:s0], s1  }
0x14e: {  	s0 =	simm.s32 @!p0 $0x7  }
0x14f: {  	_ =	swait.ge @!p0 [sflag:s0], s1  }
0x150: {  	s1 =	ssub.s32 @!p0 $0x0, s1;
	[sflag:s0] =	ssyncset.done @!p0 $0x0  }
0x151: {  	[sflag:s0] =	ssyncadd.s32 @!p0 s1  }
0x152: {  	[bflag:$0x3] =	sbarrier.arrive $0xFFFF  }
0x153: {  	_ =	shalt  }

// kernel: kernel.7.cloned.1.call-start
scs
__scs_entry_jumppad:
0x0: {  	(pc) =	sbr.rel $0x88, $3  }
0x1: {  	(tag) =	ssettag $0x0;
	lr =	simm.s32 $0x1  }
0x2: {  	[smem:$0x3F95] =	sst lr;
	_ =	strace $0xD0000000  }
0x3: {  	_ = 	snop  }
0x4: {  	_ = 	snop  }
0x5: {  	_ = 	snop  }
0x6: {  	_ = 	snop  }
0x7: {  	_ = 	snop  }
__scs_overlays_trampoline_lowered:
0x8: {  	[smem:$0x3FA4] =	sst s0  }
0x9: {  	[smem:$0x3FA5] =	sst s1  }
0xa: {  	[smem:$0x3FA6] =	sst s2  }
0xb: {  	[smem:$0x3FA7] =	sst s3  }
0xc: {  	[smem:$0x3FA8] =	sst s4  }
0xd: {  	[smem:$0x3FA9] =	sst s5  }
0xe: {  	[smem:$0x3FAA] =	sst s6  }
0xf: {  	[smem:$0x3FAB] =	sst s7  }
0x10: {  	[smem:$0x3FAC] =	sst s8  }
0x11: {  	[smem:$0x3FAD] =	sst s9;
	s0 =	simm.s32 @!p0 $0x0  }
0x12: {  	s1 =	sld [smem:$0x3F93];
	s0 =	simm.s32 @p0 $0x1  }
0x13: {  	[smem:$0x3FAE] =	sst s0;
	s0 =	simm.s32 @!p1 $0x0  }
0x14: {  	s2 =	sld [smem:$0x3F92];
	s0 =	simm.s32 @p1 $0x1  }
0x15: {  	[smem:$0x3FAF] =	sst s0;
	s0 =	simm.s32 @!p2 $0x0  }
0x16: {  	s3 =	sld [smem:$0x3FDB];
	s0 =	simm.s32 @p2 $0x1  }
0x17: {  	s4 =	simm.s32 $0x1BF5;
	[smem:$0x3FB1] =	sst s0  }
0x18: {  	s0 =	sld [smem:$0x3F94];
	_ =	swait.ge [sflag:s4], $0x0  }
0x19: {  	s7 =	sld [smem:$0x3F95]  }
0x1a: {  	s8 =	sadd.s32 $0xFFFFE003, lr  }
0x1b: {  	s9 =	sadd.s32 $0xFFFFFEF7, lr;
	s5 =	simm.s32 $0xFFFFFFFF;
	p2 =	slt.u32 s8, $0xFFFFF086  }
0x1c: {  	p1 =	slt.u32 s9, $0xF7A;
	s5 =	simm.s32 @!p2 $0x0  }
0x1d: {  	s5 =	simm.s32 @p1 $0x1;
	p0 =	seq.s32 s7, s2  }
0x1e: {  	s7 =	smul.u32 @!p0 $0xF7A, s2;
	p2 =	seq.s32 @!p0 s5, $0x0  }
0x1f: {  	s9 =	smul.u32 $0xF7A, s1;
	s8 =	simm.s32 @!p0 $0x1BF5;
	p2 =	por !p2, p0  }
0x20: {  	[sflag:s8] =	ssyncset.s32 @!p0 $0xFFFFF086;
	s6 =	sadd.s32 @!p0 s3, s7;
	s7 =	simm.s32 @!p0 $0x108  }
0x21: {  	s3 =	sadd.s32 s3, s9;
	s6 =	sadd.s32 @!p0 $0x88, s6;
	s7 =	simm.s32 @p2 $0x1082  }
0x22: {  	[simem:s7], [sflag:s8] =	dma.local @!p0 [hbm:s6], $0xF7A  }
0x23: {  	s9 =	sor.u32 $0xD0000000, s2;
	s6 =	simm.s32 $0x108;
	_ =	swait.ge @!p0 [sflag:s8], $0x0  }
0x24: {  	s3 =	sadd.s32 $0x88, s3;
	s6 =	simm.s32 @!p1 $0x1082;
	[sflag:s4] =	ssyncset.s32 $0xFFFFF086  }
0x25: {  	[simem:s6], [sflag:s4] =	dma.local [hbm:s3], $0xF7A  }
0x26: {  	[smem:$0x3F95] =	sst s1;
	(tag) =	ssettag s2;
	_ =	strace s9  }
0x27: {  	s1 =	sld [smem:$0x3FA5]  }
0x28: {  	s2 =	sld [smem:$0x3FA6]  }
0x29: {  	s4 =	sld [smem:$0x3FA8]  }
0x2a: {  	p0 =	seq.s32 s5, $0x0;
	s5 =	sld [smem:$0x3FA9]  }
0x2b: {  	s6 =	sld [smem:$0x3FAA]  }
0x2c: {  	s7 =	sld [smem:$0x3FAB]  }
0x2d: {  	s3 =	simm.s32 $0x108;
	s8 =	sld [smem:$0x3FAC]  }
0x2e: {  	s3 =	simm.s32 @!p0 $0x1082;
	s9 =	sld [smem:$0x3FAD]  }
0x2f: {  	lr =	sadd.s32 s0, s3;
	s0 =	sld [smem:$0x3FA4]  }
0x30: {  	s3 =	sld [smem:$0x3FA7]  }
0x31: {  	[smem:$0x3FB0] =	sst s10  }
0x32: {  	s10 =	sld [smem:$0x3FAE];
	_ =	sdelay $0x3  }
0x33: {  	p0 =	seq.s32 s10, $0x1;
	s10 =	sld [smem:$0x3FB0];
	_ =	sdelay $0x3  }
0x34: {  	[smem:$0x3FB0] =	sst s10  }
0x35: {  	s10 =	sld [smem:$0x3FAF];
	_ =	sdelay $0x3  }
0x36: {  	p1 =	seq.s32 s10, $0x1;
	s10 =	sld [smem:$0x3FB0];
	_ =	sdelay $0x3  }
0x37: {  	[smem:$0x3FB0] =	sst s10  }
0x38: {  	s10 =	sld [smem:$0x3FB1]  }
0x39: {  	_ = 	snop;
	(pc) =	sbr.ind lr, $3  }
0x3a: {  	_ = 	snop  }
0x3b: {  	_ = 	snop  }
0x3c: {  	p2 =	seq.s32 s10, $0x1;
	s10 =	sld [smem:$0x3FB0]  }
0x3d: {  	_ =	shalt  }
0x3e: {  	_ =	shalt  }
0x3f: {  	_ =	shalt  }
0x40: {  	_ =	shalt  }
0x41: {  	_ =	shalt  }
0x42: {  	_ =	shalt  }
0x43: {  	_ =	shalt  }
0x44: {  	_ =	shalt  }
0x45: {  	_ =	shalt  }
0x46: {  	_ =	shalt  }
0x47: {  	_ =	shalt  }
0x48: {  	_ =	shalt  }
0x49: {  	_ =	shalt  }
0x4a: {  	_ =	shalt  }
0x4b: {  	_ =	shalt  }
0x4c: {  	_ =	shalt  }
0x4d: {  	_ =	shalt  }
0x4e: {  	_ =	shalt  }
0x4f: {  	_ =	shalt  }
0x50: {  	_ =	shalt  }
0x51: {  	_ =	shalt  }
0x52: {  	_ =	shalt  }
0x53: {  	_ =	shalt  }
0x54: {  	_ =	shalt  }
0x55: {  	_ =	shalt  }
0x56: {  	_ =	shalt  }
0x57: {  	_ =	shalt  }
0x58: {  	_ =	shalt  }
0x59: {  	_ =	shalt  }
0x5a: {  	_ =	shalt  }
0x5b: {  	_ =	shalt  }
0x5c: {  	_ =	shalt  }
0x5d: {  	_ =	shalt  }
0x5e: {  	_ =	shalt  }
0x5f: {  	_ =	shalt  }
0x60: {  	_ =	shalt  }
0x61: {  	_ =	shalt  }
0x62: {  	_ =	shalt  }
0x63: {  	_ =	shalt  }
0x64: {  	_ =	shalt  }
0x65: {  	_ =	shalt  }
0x66: {  	_ =	shalt  }
0x67: {  	_ =	shalt  }
0x68: {  	_ =	shalt  }
0x69: {  	_ =	shalt  }
0x6a: {  	_ =	shalt  }
0x6b: {  	_ =	shalt  }
0x6c: {  	_ =	shalt  }
0x6d: {  	_ =	shalt  }
0x6e: {  	_ =	shalt  }
0x6f: {  	_ =	shalt  }
0x70: {  	_ =	shalt  }
0x71: {  	_ =	shalt  }
0x72: {  	_ =	shalt  }
0x73: {  	_ =	shalt  }
0x74: {  	_ =	shalt  }
0x75: {  	_ =	shalt  }
0x76: {  	_ =	shalt  }
0x77: {  	_ =	shalt  }
0x78: {  	_ =	shalt  }
0x79: {  	_ =	shalt  }
0x7a: {  	_ =	shalt  }
0x7b: {  	_ =	shalt  }
0x7c: {  	_ =	shalt  }
0x7d: {  	_ =	shalt  }
0x7e: {  	_ =	shalt  }
0x7f: {  	_ =	shalt  }
0x80: {  	_ =	shalt  }
0x81: {  	_ =	shalt  }
0x82: {  	_ =	shalt  }
0x83: {  	_ =	shalt  }
0x84: {  	_ =	shalt  }
0x85: {  	_ =	shalt  }
0x86: {  	_ =	shalt  }
0x87: {  	_ =	shalt  }
.Lfunc_end0:
.L_simem_size_0:
called_computation_lowered:
.L_overlay_start_0:
0x88: {  	s2 =	sld [smem:$0x3FD9]  }
0x89: {  	s3 =	sld [smem:$0x3FFE];
	_ =	sdelay $0x1  }
0x8a: {  	s1 =	srdreg.scid  }
0x8b: {  	s0 =	sand.u32 $0x1, s1  }
0x8c: {  	s17 =	sshll.u32 s0, $0xA;
	s2 =	sadd.s32 s3, s2  }
0x8d: {  	s2 =	sadd.s32 s2, s17  }
0x8e: {  	[smem:$0x3FBC] =	sst s2  }
0x8f: {  	_ = 	snop  }
0x90: {  	s2 =	sld [smem:$0x3FD0];
	(tm) =	ssettm $0x1  }
0x91: {  	s18 =	sld [smem:$0x3FFB];
	_ =	sdelay $0x3  }
0x92: {  	_ =	strace s18  }
0x93: {  	s3 =	sld [smem:$0x3FFC];
	_ =	sdelay $0x3  }
0x94: {  	_ =	strace s3  }
0x95: {  	s3 =	sld [smem:$0x3FFD];
	_ =	sdelay $0x3  }
0x96: {  	_ =	strace s3  }
0x97: {  	_ =	strace $0x8FFFFFFF  }
0x98: {  	s19 =	sld [smem:$0x3FDB];
	_ =	sdelay $0x1  }
0x99: {  	s4 =	simm.s32 $_scs_section_size  }
0x9a: {  	s5 =	simm.s32 $_size__tile_overlayer_lowered;
	s6 =	simm.s32 $_tile_overlayer_lowered  }
0x9b: {  	s22 =	simm.s32 $0x1BFF;
	s21 =	sshll.u32 s6, $0x1;
	s3 =	sadd.s32 s4, s19  }
0x9c: {  	s7 =	simm.s32 $0x0;
	s20 =	sshll.u32 s5, $0x1;
	s5 =	sadd.s32 s21, s3  }
0x9d: {  	[timem:s7], [sflag:s22] =	dma.local [hbm:s5], s20  }
0x9e: {  	_ =	swait.ge [sflag:s22], s20  }
0x9f: {  	s4 =	ssub.s32 $0x0, s20;
	[sflag:s22] =	ssyncset.done $0x0  }
0xa0: {  	[sflag:s22] =	ssyncadd.s32 s4;
	_ =	sdelay $0x1  }
0xa1: {  	s23 =	simm.s32 $0x1B8B  }
0xa2: {  	_ =	swait.ge [sflag:s23], $0x1  }
0xa3: {  	[sflag:s23] =	ssyncset.done $0x0  }
0xa4: {  	s25 =	simm.s32 $0x1B8E;
	s24 =	sld [smem:$0x3FFE];
	[sflag:s23] =	ssyncadd.s32 $0xFFFFFFFF  }
0xa5: {  	s26 =	simm.s32 $execute0_lowered;
	[smem:$0x3FD2] =	sst s25  }
0xa6: {  	s5 =	sshll.u32 s26, $0x1;
	_ =	strace $0x80000046;
	[dreg:$0x1] =	wrdreg $0xFFFFFFFF  }
0xa7: {  	s28 =	simm.s32 $_size_execute0_lowered;
	s3 =	sadd.s32 s3, s5;
	[dreg:$0x0] =	wrdreg $0x0  }
0xa8: {  	s5 =	sshll.u32 s28, $0x1;
	[dreg:$0x2] =	wrdreg s3  }
0xa9: {  	[dreg:$0x3] =	wrdreg s5  }
0xaa: {  	[dreg:$0x4] =	wrdreg $0xC0  }
0xab: {  	_ =	task [dreg:s7], $0x5FFFF  }
0xac: {  	[dreg:$0x1] =	wrdreg $0xFFFFFFFF  }
0xad: {  	[dreg:$0x0] =	wrdreg $0x60  }
0xae: {  	[dreg:$0x2] =	wrdreg s24  }
0xaf: {  	[dreg:$0x3] =	wrdreg s2  }
0xb0: {  	[dreg:$0x4] =	wrdreg $0xA1800  }
0xb1: {  	[dreg:$0x5] =	wrdreg $0x1DA800  }
0xb2: {  	[dreg:$0x6] =	wrdreg $0x9  }
0xb3: {  	_ =	task.clear_ibuf [dreg:s7], $0x7FFFF;
	_ =	strace $0x90000046  }
0xb4: {  	s29 =	simm.s32 $0x9;
	_ =	strace $0x80000048  }
0xb5: {  	_ =	swait.ge [sflag:s29], $0x1  }
0xb6: {  	[sflag:s29] =	ssyncadd.s32 $0xFFFFFFFF  }
0xb7: {  	_ =	strace $0x90000048  }
0xb8: {  	_ =	sfence  }
0xb9: {  	s30 =	sld [smem:$0x0];
	_ =	sdelay $0x2  }
0xba: {  	s31 =	sshll.u32 s1, $0xD;
	s1 =	sshrl.u32 s1, $0x2  }
0xbb: {  	s3 =	sand.u32 $0x4000, s31;
	s1 =	sadd.s32 s1, s30  }
0xbc: {  	s0 =	sor.u32 s3, s0;
	s1 =	sshll.u32 s1, $0x11  }
0xbd: {  	s0 =	sor.u32 s1, s0  }
0xbe: {  	s0 =	sadd.s32 $0x8F2B, s0  }
0xbf: {  	[sflag:s0] =	ssyncadd.remote.s32 $0x1  }
0xc0: {  	_ =	sfence.sel $0xFFFF  }
0xc1: {  	[dreg:$0x0] =	wrdreg $0xFFFFFFFF;
	(pc) =	sbr.abs _section_cstart, $3  }
0xc2: {  	[dreg:$0x1] =	wrdreg $0xFFFFFFFF  }
0xc3: {  	_ =	task.clear_ibuf [dreg:s7], $0x2FFFF;
	_ =	strace $0x9FFFFFFF  }
0xc4: {  	(tm) =	ssettm $0x7FFFFFFF  }
0xc5: {  	_ =	shalt  }
tec
execute0_lowered:
.L_overlay_start_1:
0x0: {  	(tag) =	ssettag $0x1  }
0x1: {  	s0 =	srdreg.scid  }
0x2: {  	s7 =	rddreg [dreg:$0x0];
	s8 =	sand.u32 $0x1, s0  }
0x3: {  	s0 =	stileid.u32;
	s9 =	smul.u32 $0x138800, s8  }
0x4: {  	s2 =	rddreg [dreg:$0x1];
	s10 =	smul.u32 $0x2800, s0  }
0x5: {  	s3 =	rddreg [dreg:$0x2];
	s11 =	smul.u32 $0x2710, s8  }
0x6: {  	s4 =	rddreg [dreg:$0x3];
	s5 =	simm.s32 $0x0;
	s26 =	smul.u32 $0x50, s0  }
0x7: {  	[smem:$0x7FF] =	sst s5;
	s6 =	sadd.s32 $0xC200, s7;
	s15 =	smul.u32 $0xA000, s0  }
0x8: {  	s1 =	sshll.u32 s8, $0x4;
	_ =	strace $0x80000047;
	s17 =	smul.u32 $0x140, s0  }
0x9: {  	s29 =	ssub.s32 $0x2, s8;
	s18 =	sor.u32 $0x10, s0;
	s8 =	smul.u32 $0x27100, s8  }
0xa: {  	s25 =	sor.u32 $0x30, s0;
	s1 =	sor.u32 s0, s1;
	s19 =	smul.u32 $0xA000, s18  }
0xb: {  	s31 =	sshrl.u32 s29, $0x1;
	s1 =	smul.u32 $0x2710, s1;
	s9 =	sadd.s32 s10, s9  }
0xc: {  	s28 =	sadd.s32 s26, s11;
	s14 =	ssub.s32 s29, s31;
	s10 =	sshrl.u32 s15, $0x2  }
0xd: {  	s20 =	sshrl.u32 s17, $0x2;
	s29 =	smul.u32 $0xA000, s25;
	s15 =	sor.u32 $0x40, s0  }
0xe: {  	s9 =	sshrl.u32 s9, $0x3;
	s26 =	sadd.s32 s10, s3;
	s11 =	sadd.s32 s20, s4  }
0xf: {  	s31 =	smul.u32 $0xA000, s15;
	s12 =	sshrl.u32 s1, $0x3;
	s1 =	sadd.s32 s9, s7  }
0x10: {  	s9 =	smax.u32 s14, $0x1;
	s14 =	sor.u32 $0x20, s0;
	[dreg:$0x8] =	wrdreg s26  }
0x11: {  	s30 =	sshrl.u32 s28, $0x3;
	[dreg:$0x9] =	wrdreg s11;
	s22 =	smul.u32 $0xA000, s14  }
0x12: {  	s13 =	sadd.s32 s12, s7;
	s7 =	sadd.s32 s30, s7;
	s24 =	smul.u32 $0x140, s14  }
0x13: {  	[dreg:$0x7] =	wrdreg s9;
	s14 =	smul.u32 $0x140, s25;
	s25 =	sor.u32 $0x60, s0  }
0x14: {  	s1 =	sadd.s32 $0x33E00, s1;
	s16 =	sadd.s32 $0x2400, s13;
	s13 =	smul.u32 $0x140, s18  }
0x15: {  	s18 =	smul.u32 $0x140, s15;
	[dreg:$0x1b] =	wrdreg s1;
	s15 =	simm.s32 $0x50  }
0x16: {  	[dreg:$0x5] =	wrdreg s16;
	s16 =	sadd.s32 s2, s12;
	s12 =	sshrl.u32 s19, $0x2  }
0x17: {  	s9 =	sshrl.u32 s22, $0x2;
	s17 =	sshrl.u32 s14, $0x2;
	s22 =	smul.u32 $0x2710, s0  }
0x18: {  	s21 =	sadd.s32 s12, s3;
	s23 =	sshrl.u32 s13, $0x2;
	s13 =	sshrl.u32 s24, $0x2  }
0x19: {  	s9 =	sadd.s32 s9, s3;
	s12 =	sshrl.u32 s29, $0x2;
	[dreg:$0x6] =	wrdreg s16  }
0x1a: {  	s20 =	sadd.s32 s17, s4;
	s29 =	smul.u32 $0xA000, s25;
	[dreg:$0xa] =	wrdreg s21  }
0x1b: {  	s28 =	sadd.s32 s23, s4;
	[dreg:$0xc] =	wrdreg s9;
	s30 =	sadd.s32 s13, s4  }
0x1c: {  	s19 =	sadd.s32 s12, s3;
	[dreg:$0xf] =	wrdreg s20;
	s21 =	sor.u32 $0x50, s0  }
0x1d: {  	s9 =	sshrl.u32 s31, $0x2;
	s23 =	sshrl.u32 s18, $0x2;
	s24 =	smul.u32 $0xA000, s21  }
0x1e: {  	s8 =	sadd.s32 s22, s8;
	[dreg:$0xb] =	wrdreg s28;
	s12 =	smul.u32 $0x140, s21  }
0x1f: {  	s31 =	sor.u32 $0x70, s0;
	[dreg:$0xd] =	wrdreg s30;
	s30 =	smul.u32 $0x140, s25  }
0x20: {  	[dreg:$0xe] =	wrdreg s19;
	s9 =	sadd.s32 s9, s3;
	s17 =	smul.u32 $0xA000, s31  }
0x21: {  	s14 =	sshrl.u32 s29, $0x2;
	p0 =	sgt.u32 s31, $0x7C;
	s13 =	smul.u32 $0x140, s31  }
0x22: {  	s22 =	sadd.s32 $0x190, s8;
	s29 =	sadd.s32 $0x33400, s7;
	[dreg:$0x10] =	wrdreg s9  }
0x23: {  	s31 =	sadd.s32 $0x14, s16;
	s7 =	simm.s32 $0x0;
	[dreg:$0x1c] =	wrdreg s29  }
0x24: {  	s9 =	sadd.s32 s23, s4;
	s19 =	sadd.s32 s14, s3;
	[dreg:$0x1e] =	wrdreg s31  }
0x25: {  	s14 =	simm.s32 $0x7;
	[dreg:$0x11] =	wrdreg s9;
	s28 =	sshrl.u32 s24, $0x2  }
0x26: {  	s12 =	sshrl.u32 s12, $0x2;
	[dreg:$0x14] =	wrdreg s19;
	s20 =	sshrl.u32 s17, $0x2  }
0x27: {  	s23 =	sshrl.u32 s13, $0x2;
	s24 =	sadd.s32 $0x140, s8;
	s8 =	sadd.s32 $0xF0, s8  }
0x28: {  	s13 =	simm.s32 $0x1DA00;
	s17 =	simm.s32 $0x2800;
	s19 =	simm.s32 $0x2880  }
0x29: {  	s9 =	sadd.s32 s28, s3;
	s18 =	sadd.s32 s12, s4;
	[dreg:$0x1a] =	wrdreg s8  }
0x2a: {  	s21 =	sadd.s32 s20, s3;
	s25 =	sadd.s32 s23, s4;
	[dreg:$0x12] =	wrdreg s9  }
0x2b: {  	s28 =	sshrl.u32 s24, $0x3;
	s8 =	simm.s32 $0x2780;
	[dreg:$0x13] =	wrdreg s18  }
0x2c: {  	s20 =	simm.s32 $0x1;
	s23 =	simm.s32 $0x5;
	[dreg:$0x16] =	wrdreg s21  }
0x2d: {  	s24 =	simm.s32 $0x3;
	s9 =	sshrl.u32 s30, $0x2;
	[dreg:$0x17] =	wrdreg s25  }
0x2e: {  	s30 =	sadd.s32 $0xA, s16;
	s16 =	simm.s32 $0x5180;
	s9 =	sadd.s32 s9, s4  }
0x2f: {  	s18 =	simm.s32 $0x7980;
	[dreg:$0x15] =	wrdreg s9;
	s9 =	sshrl.u32 s22, $0x3  }
0x30: {  	s21 =	simm.s32 $0x4;
	[dreg:$0x1d] =	wrdreg s30;
	s9 =	sadd.s32 s9, s2  }
0x31: {  	s25 =	simm.s32 $0x6;
	[dreg:$0x18] =	wrdreg s9;
	s9 =	sadd.s32 s28, s2  }
0x32: {  	v0 =	vimm.f32 $0.0e+00;
	v1 =	vimm.f32 $1.000000000e+00;
	s22 =	simm.s32 $0x2;
	[dreg:$0x19] =	wrdreg s9;
	s9 =	simm.s32 $0x2980  }
.LBB2_1:
0x33: {  	[dreg:$0x1f] =	wrdreg s7;
	s1 =	simm.s32 $0x70;
	s7 =	simm.s32 $0x3C0  }
.LBB2_2:
0x34: {  	p1 =	sne.s32 s7, $0x9FC0;
	[tilespmem:s1+$0x2980] =	vst v0  }
0x35: {  	[tilespmem:s1+$0x2910] =	vst v0  }
0x36: {  	[tilespmem:s1+$0x2920] =	vst v0  }
.Ltmp0:
0x37: {  	[tilespmem:s1+$0x2930] =	vst v0;
	(pc) =	sbr.rel @p1 .LBB2_2-.Ltmp0, $4  }
0x38: {  	[tilespmem:s1+$0x2940] =	vst v0  }
0x39: {  	[tilespmem:s1+$0x2950] =	vst v0  }
0x3a: {  	[tilespmem:s1+$0x2960] =	vst v0  }
0x3b: {  	[tilespmem:s1+$0x2970] =	vst v0;
	s1 =	sshra.s32 s7, $0x2;
	s7 =	sadd.s32 $0x200, s7  }
0x3c: {  	[tilespmem:s1+$0x2980] =	vst v0  }
0x3d: {  	[tilespmem:s1+$0x2910] =	vst v0  }
0x3e: {  	[tilespmem:s1+$0x2920] =	vst v0  }
0x3f: {  	[tilespmem:s1+$0x2930] =	vst v0  }
0x40: {  	[tilespmem:s1+$0x2940] =	vst v0  }
0x41: {  	[tilespmem:s1+$0x2950] =	vst v0  }
0x42: {  	[tilespmem:s1+$0x2960] =	vst v0  }
0x43: {  	[tilespmem:s1+$0x2970] =	vst v0  }
0x44: {  	[tilespmem:$0x1DA00] =	vst v0  }
0x45: {  	[tilespmem:$0x1DA10] =	vst v0  }
0x46: {  	[tilespmem:$0x1DA20] =	vst v0  }
0x47: {  	[tilespmem:$0x1DA30] =	vst v0  }
0x48: {  	s7 =	simm.s32 $0x8;
	[tilespmem:$0x1DA40] =	vst v0  }
0x49: {  	[spmem:s26] =	stream.linear.scatter [tilespmem:s9], [sflag:$0x8], $0x2800, $0x38;
	[tilespmem:$0x1DCF8] =	vst v63  }
0x4a: {  	_ =	swait.ge [sflag:s7], $0x2800  }
0x4b: {  	[sflag:s7] =	ssyncset.done $0x0  }
0x4c: {  	[sflag:s7] =	ssyncadd.s32 $0xFFFFD800  }
0x4d: {  	[spmem:s11] =	stream.linear.scatter [tilespmem:s13], [sflag:$0x7], $0x50, $0x38;
	[tilespmem:$0x1DCF8] =	vst v63  }
0x4e: {  	_ =	swait.ge [sflag:s14], $0x50  }
0x4f: {  	[sflag:s14] =	ssyncset.done $0x0  }
0x50: {  	s10 =	rddreg [dreg:$0xa];
	[sflag:s14] =	ssyncadd.s32 $0xFFFFFFB0  }
0x51: {  	[spmem:s10] =	stream.linear.scatter [tilespmem:s9], [sflag:$0x8], $0x2800, $0x38;
	[tilespmem:$0x1DCF8] =	vst v63  }
0x52: {  	_ =	swait.ge [sflag:s7], $0x2800  }
0x53: {  	[sflag:s7] =	ssyncset.done $0x0  }
0x54: {  	s12 =	rddreg [dreg:$0xb];
	[sflag:s7] =	ssyncadd.s32 $0xFFFFD800  }
0x55: {  	[spmem:s12] =	stream.linear.scatter [tilespmem:s13], [sflag:$0x7], $0x50, $0x38;
	[tilespmem:$0x1DCF8] =	vst v63  }
0x56: {  	_ =	swait.ge [sflag:s14], $0x50  }
0x57: {  	[sflag:s14] =	ssyncset.done $0x0  }
0x58: {  	s30 =	rddreg [dreg:$0xc];
	[sflag:s14] =	ssyncadd.s32 $0xFFFFFFB0  }
0x59: {  	[spmem:s30] =	stream.linear.scatter [tilespmem:s9], [sflag:$0x8], $0x2800, $0x38;
	[tilespmem:$0x1DCF8] =	vst v63  }
0x5a: {  	_ =	swait.ge [sflag:s7], $0x2800  }
0x5b: {  	[sflag:s7] =	ssyncset.done $0x0  }
0x5c: {  	s31 =	rddreg [dreg:$0xd];
	[sflag:s7] =	ssyncadd.s32 $0xFFFFD800  }
0x5d: {  	[spmem:s31] =	stream.linear.scatter [tilespmem:s13], [sflag:$0x7], $0x50, $0x38;
	[tilespmem:$0x1DCF8] =	vst v63  }
0x5e: {  	_ =	swait.ge [sflag:s14], $0x50  }
0x5f: {  	[sflag:s14] =	ssyncset.done $0x0  }
0x60: {  	s10 =	rddreg [dreg:$0xe];
	[sflag:s14] =	ssyncadd.s32 $0xFFFFFFB0  }
0x61: {  	[spmem:s10] =	stream.linear.scatter [tilespmem:s9], [sflag:$0x8], $0x2800, $0x38;
	[tilespmem:$0x1DCF8] =	vst v63  }
0x62: {  	_ =	swait.ge [sflag:s7], $0x2800  }
0x63: {  	[sflag:s7] =	ssyncset.done $0x0  }
0x64: {  	s12 =	rddreg [dreg:$0xf];
	[sflag:s7] =	ssyncadd.s32 $0xFFFFD800  }
0x65: {  	[spmem:s12] =	stream.linear.scatter [tilespmem:s13], [sflag:$0x7], $0x50, $0x38;
	[tilespmem:$0x1DCF8] =	vst v63  }
0x66: {  	_ =	swait.ge [sflag:s14], $0x50  }
0x67: {  	[sflag:s14] =	ssyncset.done $0x0  }
0x68: {  	s30 =	rddreg [dreg:$0x10];
	[sflag:s14] =	ssyncadd.s32 $0xFFFFFFB0  }
0x69: {  	[spmem:s30] =	stream.linear.scatter [tilespmem:s9], [sflag:$0x8], $0x2800, $0x38;
	[tilespmem:$0x1DCF8] =	vst v63  }
0x6a: {  	_ =	swait.ge [sflag:s7], $0x2800  }
0x6b: {  	[sflag:s7] =	ssyncset.done $0x0  }
0x6c: {  	s31 =	rddreg [dreg:$0x11];
	[sflag:s7] =	ssyncadd.s32 $0xFFFFD800  }
0x6d: {  	[spmem:s31] =	stream.linear.scatter [tilespmem:s13], [sflag:$0x7], $0x50, $0x38;
	[tilespmem:$0x1DCF8] =	vst v63  }
0x6e: {  	_ =	swait.ge [sflag:s14], $0x50  }
0x6f: {  	[sflag:s14] =	ssyncset.done $0x0  }
0x70: {  	s10 =	rddreg [dreg:$0x12];
	[sflag:s14] =	ssyncadd.s32 $0xFFFFFFB0  }
0x71: {  	[spmem:s10] =	stream.linear.scatter [tilespmem:s9], [sflag:$0x8], $0x2800, $0x38;
	[tilespmem:$0x1DCF8] =	vst v63  }
0x72: {  	_ =	swait.ge [sflag:s7], $0x2800  }
0x73: {  	[sflag:s7] =	ssyncset.done $0x0  }
0x74: {  	s12 =	rddreg [dreg:$0x13];
	[sflag:s7] =	ssyncadd.s32 $0xFFFFD800  }
0x75: {  	[spmem:s12] =	stream.linear.scatter [tilespmem:s13], [sflag:$0x7], $0x50, $0x38;
	[tilespmem:$0x1DCF8] =	vst v63  }
0x76: {  	_ =	swait.ge [sflag:s14], $0x50  }
0x77: {  	[sflag:s14] =	ssyncset.done $0x0  }
0x78: {  	s30 =	rddreg [dreg:$0x14];
	[sflag:s14] =	ssyncadd.s32 $0xFFFFFFB0  }
0x79: {  	[spmem:s30] =	stream.linear.scatter [tilespmem:s9], [sflag:$0x8], $0x2800, $0x38;
	[tilespmem:$0x1DCF8] =	vst v63  }
0x7a: {  	_ =	swait.ge [sflag:s7], $0x2800  }
0x7b: {  	[sflag:s7] =	ssyncset.done $0x0  }
0x7c: {  	s31 =	rddreg [dreg:$0x15];
	[sflag:s7] =	ssyncadd.s32 $0xFFFFD800  }
0x7d: {  	[spmem:s31] =	stream.linear.scatter [tilespmem:s13], [sflag:$0x7], $0x50, $0x38;
	[tilespmem:$0x1DCF8] =	vst v63  }
0x7e: {  	_ =	swait.ge [sflag:s14], $0x50  }
0x7f: {  	[sflag:s14] =	ssyncset.done $0x0  }
0x80: {  	s1 =	simm.s32 @!p0 $0x2980;
	s7 =	rddreg [dreg:$0x16];
	[sflag:s14] =	ssyncadd.s32 $0xFFFFFFB0  }
0x81: {  	[spmem:s7] =	stream.linear.scatter @!p0 [tilespmem:s1], [sflag:$0x8], $0x2800, $0x38;
	[tilespmem:$0x1DCF8] =	vst v63  }
0x82: {  	s1 =	simm.s32 @!p0 $0x8  }
0x83: {  	_ =	swait.ge @!p0 [sflag:s1], $0x2800  }
0x84: {  	[sflag:s1] =	ssyncset.done @!p0 $0x0  }
0x85: {  	s7 =	rddreg [dreg:$0x17];
	[sflag:s1] =	ssyncadd.s32 @!p0 $0xFFFFD800;
	s1 =	simm.s32 @!p0 $0x1DA00  }
0x86: {  	[spmem:s7] =	stream.linear.scatter @!p0 [tilespmem:s1], [sflag:$0x7], $0x50, $0x38;
	[tilespmem:$0x1DCF8] =	vst v63  }
0x87: {  	s1 =	simm.s32 @!p0 $0x7  }
0x88: {  	_ =	swait.ge @!p0 [sflag:s1], $0x50  }
0x89: {  	[sflag:s1] =	ssyncset.done @!p0 $0x0  }
0x8a: {  	[sflag:s1] =	ssyncadd.s32 @!p0 $0xFFFFFFB0  }
0x8b: {  	[tilespmem:$0x1DA00] =	vst v1  }
0x8c: {  	[tilespmem:$0x1DA10] =	vst v1  }
0x8d: {  	[tilespmem:$0x1DA20] =	vst v1  }
0x8e: {  	[tilespmem:$0x1DA30] =	vst v1  }
0x8f: {  	s28 =	simm.s32 $0x0;
	s7 =	rddreg [dreg:$0x5];
	[tilespmem:$0x1DA40] =	vst v1  }
0x90: {  	[tilespmem:s28], [sflag:$0x7] =	stream.linear.gather [hbm4b:s7+s28], $0x2710, $0x38;
	[tilespmem:$0x1DCF8] =	vst v63  }
0x91: {  	_ =	swait.ge [sflag:s14], $0x2710  }
0x92: {  	[sflag:s14] =	ssyncset.done $0x0  }
0x93: {  	[sflag:s14] =	ssyncadd.s32 $0xFFFFD8F0  }
0x94: {  	[tilespmem:s9], [sflag:$0x1] =	stream.indirect.gather [hbm4b:s6+s15], $0x80, s28, s15, $0xb8;
	[tilespmem:$0x1DCF8] =	vst v63  }
0x95: {  	s10 =	rddreg [dreg:$0x6]  }
0x96: {  	[tilespmem:s8], [sflag:$0x4] =	stream.linear.gather [hbm4b:s10+s28], $0x50, $0x38;
	[tilespmem:$0x1DCF8] =	vst v63  }
0x97: {  	_ = 	snop  }
0x98: {  	[tilespmem:s16], [sflag:$0x2] =	stream.indirect.gather [hbm4b:s6+s15], $0x80, s15, s15, $0xb8;
	[tilespmem:$0x1DCF8] =	vst v63  }
0x99: {  	s12 =	rddreg [dreg:$0x1d]  }
0x9a: {  	[tilespmem:s17], [sflag:$0x5] =	stream.linear.gather [hbm4b:s12+s28], $0x50, $0x38;
	[tilespmem:$0x1DCF8] =	vst v63  }
0x9b: {  	s30 =	simm.s32 $0xA0  }
0x9c: {  	[tilespmem:s18], [sflag:$0x3] =	stream.indirect.gather [hbm4b:s6+s15], $0x80, s30, s15, $0xb8;
	[tilespmem:$0x1DCF8] =	vst v63  }
0x9d: {  	s31 =	rddreg [dreg:$0x1e]  }
0x9e: {  	[tilespmem:s19], [sflag:$0x6] =	stream.linear.gather [hbm4b:s31+s28], $0x50, $0x38;
	[tilespmem:$0x1DCF8] =	vst v63  }
0x9f: {  	[bflag:$0x0] =	sbarrier.arrive $0xFFFF  }
0xa0: {  	s1 =	rddreg [dreg:$0x1a]  }
0xa1: {  	s29 =	rddreg [dreg:$0x19]  }
0xa2: {  	s7 =	rddreg [dreg:$0x18]  }
.LBB2_4:
0xa3: {  	_ =	swait.ge [sflag:s20], $0x2800  }
0xa4: {  	[sflag:s20] =	ssyncset.done $0x0  }
0xa5: {  	[sflag:s20] =	ssyncadd.s32 $0xFFFFD800  }
0xa6: {  	_ =	swait.ge [sflag:s21], $0x50  }
0xa7: {  	[sflag:s21] =	ssyncset.done $0x0  }
0xa8: {  	[sflag:s21] =	ssyncadd.s32 $0xFFFFFFB0  }
0xa9: {  	[spmem:s3] =	stream.indirect.scatter.add.f32 [tilespmem:s9], [sflag:$0x7], $0x80, s8, s15, $0xb8;
	[tilespmem:$0x1DCF8] =	vst v63  }
0xaa: {  	_ =	swait.ge [sflag:s14], $0x2800  }
0xab: {  	[sflag:s14] =	ssyncset.done $0x0  }
0xac: {  	[sflag:s14] =	ssyncadd.s32 $0xFFFFD800  }
0xad: {  	[spmem:s4] =	stream.indirect.scatter.add.f32 [tilespmem:s13], [sflag:$0x7], $0x1, s8, s15, $0xb8;
	[tilespmem:$0x1DCF8] =	vst v63  }
0xae: {  	_ =	swait.ge [sflag:s14], $0x50  }
0xaf: {  	s30 =	sshra.s32 s28, $0x2;
	[sflag:s14] =	ssyncset.done $0x0  }
0xb0: {  	s10 =	sshrl.u32 s1, $0x3;
	s31 =	sadd.s32 $0xF0, s30;
	[sflag:s14] =	ssyncadd.s32 $0xFFFFFFB0  }
0xb1: {  	[tilespmem:s9], [sflag:$0x1] =	stream.indirect.gather [hbm4b:s6+s15], $0x80, s31, s15, $0xb8;
	[tilespmem:$0x1DCF8] =	vst v63  }
0xb2: {  	s31 =	sadd.s32 s2, s10  }
0xb3: {  	[tilespmem:s8], [sflag:$0x4] =	stream.linear.gather [hbm4b:s31+s5], $0x50, $0x38;
	[tilespmem:$0x1DCF8] =	vst v63  }
0xb4: {  	_ =	swait.ge [sflag:s22], $0x2800  }
0xb5: {  	[sflag:s22] =	ssyncset.done $0x0  }
0xb6: {  	[sflag:s22] =	ssyncadd.s32 $0xFFFFD800  }
0xb7: {  	_ =	swait.ge [sflag:s23], $0x50  }
0xb8: {  	[sflag:s23] =	ssyncset.done $0x0  }
0xb9: {  	[sflag:s23] =	ssyncadd.s32 $0xFFFFFFB0  }
0xba: {  	[spmem:s3] =	stream.indirect.scatter.add.f32 [tilespmem:s16], [sflag:$0x7], $0x80, s17, s15, $0xb8;
	[tilespmem:$0x1DCF8] =	vst v63  }
0xbb: {  	_ =	swait.ge [sflag:s14], $0x2800  }
0xbc: {  	[sflag:s14] =	ssyncset.done $0x0  }
0xbd: {  	[sflag:s14] =	ssyncadd.s32 $0xFFFFD800  }
0xbe: {  	[spmem:s4] =	stream.indirect.scatter.add.f32 [tilespmem:s13], [sflag:$0x7], $0x1, s17, s15, $0xb8;
	[tilespmem:$0x1DCF8] =	vst v63  }
0xbf: {  	_ =	swait.ge [sflag:s14], $0x50  }
0xc0: {  	[sflag:s14] =	ssyncset.done $0x0  }
0xc1: {  	s12 =	sadd.s32 $0x140, s30;
	[sflag:s14] =	ssyncadd.s32 $0xFFFFFFB0  }
0xc2: {  	[tilespmem:s16], [sflag:$0x2] =	stream.indirect.gather [hbm4b:s6+s15], $0x80, s12, s15, $0xb8;
	[tilespmem:$0x1DCF8] =	vst v63  }
0xc3: {  	_ = 	snop  }
0xc4: {  	[tilespmem:s17], [sflag:$0x5] =	stream.linear.gather [hbm4b:s29+s5], $0x50, $0x38;
	[tilespmem:$0x1DCF8] =	vst v63  }
0xc5: {  	_ =	swait.ge [sflag:s24], $0x2800  }
0xc6: {  	[sflag:s24] =	ssyncset.done $0x0  }
0xc7: {  	[sflag:s24] =	ssyncadd.s32 $0xFFFFD800  }
0xc8: {  	_ =	swait.ge [sflag:s25], $0x50  }
0xc9: {  	[sflag:s25] =	ssyncset.done $0x0  }
0xca: {  	[sflag:s25] =	ssyncadd.s32 $0xFFFFFFB0  }
0xcb: {  	[spmem:s3] =	stream.indirect.scatter.add.f32 [tilespmem:s18], [sflag:$0x7], $0x80, s19, s15, $0xb8;
	[tilespmem:$0x1DCF8] =	vst v63  }
0xcc: {  	_ =	swait.ge [sflag:s14], $0x2800  }
0xcd: {  	p1 =	seq.s32 s28, $0x9600;
	[sflag:s14] =	ssyncset.done $0x0  }
.Ltmp1:
0xce: {  	[sflag:s14] =	ssyncadd.s32 $0xFFFFD800;
	(pc) =	sbr.rel @p1 .LBB2_6-.Ltmp1, $4  }
0xcf: {  	[spmem:s4] =	stream.indirect.scatter.add.f32 [tilespmem:s13], [sflag:$0x7], $0x1, s19, s15, $0xb8;
	[tilespmem:$0x1DCF8] =	vst v63  }
0xd0: {  	_ =	swait.ge [sflag:s14], $0x50  }
0xd1: {  	[sflag:s14] =	ssyncset.done $0x0  }
0xd2: {  	[sflag:s14] =	ssyncadd.s32 $0xFFFFFFB0  }
.Ltmp2:
0xd3: {  	s30 =	sadd.s32 $0x190, s30;
	(pc) =	sbr.rel .LBB2_4-.Ltmp2, $4  }
0xd4: {  	[tilespmem:s18], [sflag:$0x3] =	stream.indirect.gather [hbm4b:s6+s15], $0x80, s30, s15, $0xb8;
	[tilespmem:$0x1DCF8] =	vst v63  }
0xd5: {  	s28 =	sadd.s32 $0x3C0, s28  }
0xd6: {  	[tilespmem:s19], [sflag:$0x6] =	stream.linear.gather [hbm4b:s7+s5], $0x50, $0x38;
	[tilespmem:$0x1DCF8] =	vst v63  }
0xd7: {  	s29 =	sadd.s32 $0x1E, s29;
	s1 =	sadd.s32 $0xF0, s1;
	s7 =	sadd.s32 $0x1E, s7  }
.LBB2_6:
0xd8: {  	_ =	swait.ge [sflag:s20], $0x2800  }
0xd9: {  	[sflag:s20] =	ssyncset.done $0x0  }
0xda: {  	[sflag:s20] =	ssyncadd.s32 $0xFFFFD800  }
0xdb: {  	_ =	swait.ge [sflag:s21], $0x50  }
0xdc: {  	[sflag:s21] =	ssyncset.done $0x0  }
0xdd: {  	[sflag:s21] =	ssyncadd.s32 $0xFFFFFFB0  }
0xde: {  	[spmem:s3] =	stream.indirect.scatter.add.f32 [tilespmem:s9], [sflag:$0x7], $0x80, s8, s15, $0xb8;
	[tilespmem:$0x1DCF8] =	vst v63  }
0xdf: {  	_ =	swait.ge [sflag:s14], $0x2800  }
0xe0: {  	[sflag:s14] =	ssyncset.done $0x0  }
0xe1: {  	[sflag:s14] =	ssyncadd.s32 $0xFFFFD800  }
0xe2: {  	[spmem:s4] =	stream.indirect.scatter.add.f32 [tilespmem:s13], [sflag:$0x7], $0x1, s8, s15, $0xb8;
	[tilespmem:$0x1DCF8] =	vst v63  }
0xe3: {  	_ =	swait.ge [sflag:s14], $0x50  }
0xe4: {  	[sflag:s14] =	ssyncset.done $0x0  }
0xe5: {  	[sflag:s14] =	ssyncadd.s32 $0xFFFFFFB0  }
0xe6: {  	_ =	swait.ge [sflag:s22], $0x2800  }
0xe7: {  	[sflag:s22] =	ssyncset.done $0x0  }
0xe8: {  	[sflag:s22] =	ssyncadd.s32 $0xFFFFD800  }
0xe9: {  	_ =	swait.ge [sflag:s23], $0x50  }
0xea: {  	[sflag:s23] =	ssyncset.done $0x0  }
0xeb: {  	[sflag:s23] =	ssyncadd.s32 $0xFFFFFFB0  }
0xec: {  	[spmem:s3] =	stream.indirect.scatter.add.f32 [tilespmem:s16], [sflag:$0x7], $0x80, s17, s15, $0xb8;
	[tilespmem:$0x1DCF8] =	vst v63  }
0xed: {  	_ =	swait.ge [sflag:s14], $0x2800  }
0xee: {  	[sflag:s14] =	ssyncset.done $0x0  }
0xef: {  	[sflag:s14] =	ssyncadd.s32 $0xFFFFD800  }
0xf0: {  	[spmem:s4] =	stream.indirect.scatter.add.f32 [tilespmem:s13], [sflag:$0x7], $0x1, s17, s15, $0xb8;
	[tilespmem:$0x1DCF8] =	vst v63  }
0xf1: {  	_ =	swait.ge [sflag:s14], $0x50  }
0xf2: {  	s1 =	sadd.s32 $0x0, s0;
	[sflag:s14] =	ssyncset.done $0x0  }
0xf3: {  	p1 =	sgt.u32 s1, $0x7C;
	[sflag:s14] =	ssyncadd.s32 $0xFFFFFFB0  }
0xf4: {  	s1 =	simm.s32 @!p1 $0x2980;
	s29 =	simm.s32 @!p1 $0x8;
	[bflag:$0x0] =	sbarrier.arrive $0xFFFF  }
0xf5: {  	[tilespmem:s1], [sflag:$0x8] =	stream.linear.gather @!p1 [spmem:s26], $0x2800, $0x38;
	[tilespmem:$0x1DCF8] =	vst v63  }
0xf6: {  	_ =	swait.ge @!p1 [sflag:s29], $0x2800  }
0xf7: {  	s30 =	simm.s32 @!p1 $0x0;
	[sflag:s29] =	ssyncset.done @!p1 $0x0  }
0xf8: {  	s2 =	rddreg [dreg:$0x1b];
	[sflag:s29] =	ssyncadd.s32 @!p1 $0xFFFFD800;
	p1 =	por p1, p1  }
0xf9: {  	[hbm4b:s2+s30] =	stream.linear.scatter @!p1 [tilespmem:s1], [sflag:$0x8], $0x2800, $0x38;
	[tilespmem:$0x1DCF8] =	vst v63  }
0xfa: {  	_ =	swait.ge @!p1 [sflag:s29], $0x2800  }
0xfb: {  	[sflag:s29] =	ssyncset.done @!p1 $0x0  }
0xfc: {  	s10 =	simm.s32 @!p1 $0x1DA00;
	[sflag:s29] =	ssyncadd.s32 @!p1 $0xFFFFD800  }
0xfd: {  	[tilespmem:s10], [sflag:$0x8] =	stream.linear.gather @!p1 [spmem:s11], $0x50, $0x38;
	[tilespmem:$0x1DCF8] =	vst v63  }
0xfe: {  	s7 =	simm.s32 $0x20;
	_ =	swait.ge @!p1 [sflag:s29], $0x50  }
0xff: {  	s31 =	simm.s32 @!p1 $0x7;
	[sflag:s29] =	ssyncset.done @!p1 $0x0;
	s12 =	rddreg [dreg:$0x1c]  }
0x100: {  	s1 =	sadd.s32 $0x500, s11;
	s28 =	sadd.s32 $0xA0, s12;
	[sflag:s29] =	ssyncadd.s32 @!p1 $0xFFFFFFB0  }
0x101: {  	[hbm4b:s12+s30] =	stream.linear.scatter @!p1 [tilespmem:s10], [sflag:$0x7], $0x50, $0x38;
	[tilespmem:$0x1DCF8] =	vst v63  }
0x102: {  	s29 =	sadd.s32 $0x5000, s2;
	s12 =	sadd.s32 $0x10, s0;
	_ =	swait.ge @!p1 [sflag:s31], $0x50  }
0x103: {  	s30 =	sadd.s32 $0x28000, s26;
	p3 =	sgt.u32 s12, $0x7C;
	[sflag:s31] =	ssyncset.done @!p1 $0x0  }
.LBB2_7:
0x104: {  	s10 =	simm.s32 @!p3 $0x2980;
	s11 =	simm.s32 @!p3 $0x8;
	[sflag:s31] =	ssyncadd.s32 @!p1 $0xFFFFFFB0  }
0x105: {  	[tilespmem:s10], [sflag:$0x8] =	stream.linear.gather @!p3 [spmem:s30], $0x2800, $0x38;
	[tilespmem:$0x1DCF8] =	vst v63  }
0x106: {  	s26 =	smov.u32 s7;
	s7 =	sadd.s32 $0x10, s7;
	_ =	swait.ge @!p3 [sflag:s11], $0x2800  }
0x107: {  	s12 =	smov.u32 s28;
	p2 =	sne.s32 s7, $0x80;
	[sflag:s11] =	ssyncset.done @!p3 $0x0  }
0x108: {  	s2 =	simm.s32 @!p3 $0x0;
	p1 =	por p3, p3;
	[sflag:s11] =	ssyncadd.s32 @!p3 $0xFFFFD800  }
0x109: {  	[hbm4b:s29+s2] =	stream.linear.scatter @!p1 [tilespmem:s10], [sflag:$0x8], $0x2800, $0x38;
	[tilespmem:$0x1DCF8] =	vst v63  }
0x10a: {  	_ =	swait.ge @!p1 [sflag:s11], $0x2800  }
0x10b: {  	[sflag:s11] =	ssyncset.done @!p1 $0x0  }
0x10c: {  	s10 =	simm.s32 @!p1 $0x1DA00;
	[sflag:s11] =	ssyncadd.s32 @!p1 $0xFFFFD800  }
0x10d: {  	[tilespmem:s10], [sflag:$0x8] =	stream.linear.gather @!p1 [spmem:s1], $0x50, $0x38;
	[tilespmem:$0x1DCF8] =	vst v63  }
0x10e: {  	_ =	swait.ge @!p1 [sflag:s11], $0x50  }
.Ltmp3:
0x10f: {  	s28 =	sadd.s32 $0xA0, s28;
	[sflag:s11] =	ssyncset.done @!p1 $0x0;
	(pc) =	sbr.rel @p2 .LBB2_7-.Ltmp3, $4  }
0x110: {  	s31 =	simm.s32 @!p1 $0x7;
	s1 =	sadd.s32 $0x500, s1;
	[sflag:s11] =	ssyncadd.s32 @!p1 $0xFFFFFFB0  }
0x111: {  	[hbm4b:s12+s2] =	stream.linear.scatter @!p1 [tilespmem:s10], [sflag:$0x7], $0x50, $0x38;
	[tilespmem:$0x1DCF8] =	vst v63  }
0x112: {  	s29 =	sadd.s32 $0x5000, s29;
	s2 =	sadd.s32 s26, s0;
	_ =	swait.ge @!p1 [sflag:s31], $0x50  }
0x113: {  	s30 =	sadd.s32 $0x28000, s30;
	p3 =	sgt.u32 s2, $0x7C;
	[sflag:s31] =	ssyncset.done @!p1 $0x0  }
0x114: {  	s2 =	simm.s32 @!p3 $0x2980;
	s7 =	simm.s32 @!p3 $0x8;
	[sflag:s31] =	ssyncadd.s32 @!p1 $0xFFFFFFB0  }
0x115: {  	[tilespmem:s2], [sflag:$0x8] =	stream.linear.gather @!p3 [spmem:s30], $0x2800, $0x38;
	[tilespmem:$0x1DCF8] =	vst v63  }
0x116: {  	_ =	swait.ge @!p3 [sflag:s7], $0x2800  }
0x117: {  	[sflag:s7] =	ssyncset.done @!p3 $0x0  }
0x118: {  	s10 =	simm.s32 @!p3 $0x0;
	p1 =	por p3, p3;
	[sflag:s7] =	ssyncadd.s32 @!p3 $0xFFFFD800  }
0x119: {  	[hbm4b:s29+s10] =	stream.linear.scatter @!p1 [tilespmem:s2], [sflag:$0x8], $0x2800, $0x38;
	[tilespmem:$0x1DCF8] =	vst v63  }
0x11a: {  	_ =	swait.ge @!p1 [sflag:s7], $0x2800  }
0x11b: {  	[sflag:s7] =	ssyncset.done @!p1 $0x0  }
0x11c: {  	s2 =	simm.s32 @!p1 $0x1DA00;
	[sflag:s7] =	ssyncadd.s32 @!p1 $0xFFFFD800  }
0x11d: {  	[tilespmem:s2], [sflag:$0x8] =	stream.linear.gather @!p1 [spmem:s1], $0x50, $0x38;
	[tilespmem:$0x1DCF8] =	vst v63  }
0x11e: {  	_ =	swait.ge @!p1 [sflag:s7], $0x50  }
0x11f: {  	[sflag:s7] =	ssyncset.done @!p1 $0x0  }
0x120: {  	s1 =	simm.s32 @!p1 $0x7;
	[sflag:s7] =	ssyncadd.s32 @!p1 $0xFFFFFFB0  }
0x121: {  	[hbm4b:s28+s10] =	stream.linear.scatter @!p1 [tilespmem:s2], [sflag:$0x7], $0x50, $0x38;
	[tilespmem:$0x1DCF8] =	vst v63  }
0x122: {  	_ =	swait.ge @!p1 [sflag:s1], $0x50  }
0x123: {  	s30 =	rddreg [dreg:$0x1f]  }
0x124: {  	s31 =	rddreg [dreg:$0x7];
	s7 =	sadd.s32 $0x1, s30  }
0x125: {  	p2 =	sne.s32 s7, s31  }
.Ltmp4:
0x126: {  	_ = 	snop;
	(pc) =	sbr.rel @p2 .LBB2_1-.Ltmp4, $4  }
0x127: {  	_ = 	snop  }
0x128: {  	[sflag:s1] =	ssyncset.done @!p1 $0x0;
	s26 =	rddreg [dreg:$0x8]  }
0x129: {  	s11 =	rddreg [dreg:$0x9];
	[sflag:s1] =	ssyncadd.s32 @!p1 $0xFFFFFFB0  }
0x12a: {  	s2 =	rddreg [dreg:$0x1]  }
0x12b: {  	_ =	sfence.sel $0x180000  }
0x12c: {  	[bflag:$0x0] =	sbarrier.arrive $0xFFFF  }
0x12d: {  	_ =	strace $0x90000047  }
0x12e: {  	[bflag:$0x2] =	sbarrier.arrive $0xFFFF  }
0x12f: {  	p0 =	sne.s32 s0, $0x0;
	s0 =	rddreg [dreg:$0x4]  }
0x130: {  	s0 =	sadd.s32 @!p0 $0x100000, s0  }
0x131: {  	[sflag:s0] =	ssyncadd.tile.s32 @!p0 $0x1;
	_ =	shalt  }
.Lfunc_end2:
_tile_overlayer_lowered:
.L_overlay_start_2:
0x132: {  	(tag) =	ssettag $0x2  }
0x133: {  	s0 =	rddreg [dreg:$0x0];
	s2 =	stileid.u32  }
0x134: {  	s1 =	rddreg [dreg:$0x1];
	p0 =	sne.s32 s2, $0x0  }
0x135: {  	s3 =	rddreg [dreg:$0x2];
	[bflag:$0x3] =	sbarrier.arrive $0xFFFF;
	s2 =	simm.s32 @!p0 $0x1C07  }
0x136: {  	[timem:s3], [sflag:s2] =	dma.local @!p0 [hbm:s0], s1  }
0x137: {  	s0 =	simm.s32 @!p0 $0x7  }
0x138: {  	_ =	swait.ge @!p0 [sflag:s0], s1  }
0x139: {  	s1 =	ssub.s32 @!p0 $0x0, s1;
	[sflag:s0] =	ssyncset.done @!p0 $0x0  }
0x13a: {  	[sflag:s0] =	ssyncadd.s32 @!p0 s1  }
0x13b: {  	[bflag:$0x3] =	sbarrier.arrive $0xFFFF  }
0x13c: {  	_ =	shalt  }

</sc_bundles>
